<compile_context>
chip_gen: v7x
topology: tpu7x:2x2x1
jax: 0.10.2.dev20260603
libtpu: 0.0.44.dev20260713+nightly
codegen_flags: <defaults>
</compile_context>

<pallas_src>
import functools
import math

import jax
import jax.numpy as jnp
from jax import lax
from jax.experimental import pallas as pl
from jax.experimental.pallas import tpu as pltpu
from jax.experimental.pallas import tpu_sc as plsc

N = 10000
E = 320000
D = 128
DE = 16
INV_SQRT_DEG = 1.0 / math.sqrt(32.0)
LOG2 = math.log(2.0)

NC = 2
NS = 16
NW = NC * NS
EPW = E // NW
CHUNK = 80
NCHUNK = EPW // CHUNK
ROWS_PER_TILE = N // NS
ZROWS = 25


def _mm_kernel(x_ref, w_ref, o_ref):
    o_ref[...] = jnp.dot(x_ref[...], w_ref[...],
                         preferred_element_type=jnp.float32)


def _pack_bf16_pairs(z):
    u = lax.bitcast_convert_type(z.astype(jnp.bfloat16),
                                 jnp.uint16).astype(jnp.uint32)
    u3 = u.reshape(u.shape[0] // 2, 2, D)
    return (u3[:, 0, :] | (u3[:, 1, :] << 16)).astype(jnp.int32)


def _ew_kernel(ea_ref, w_ref, o_ref):
    e2 = ea_ref[...]
    ea = e2.reshape(2 * e2.shape[0], DE)
    o_ref[...] = _pack_bf16_pairs(
        jnp.dot(ea, w_ref[...], preferred_element_type=jnp.float32))


def _ew_packed(edge_attr, we, block_rows=8000):
    ea3 = edge_attr.reshape(E // 2, 2, DE)
    return pl.pallas_call(
        _ew_kernel,
        grid=(E // 2 // block_rows,),
        in_specs=[
            pl.BlockSpec((block_rows, 2, DE), lambda i: (i, 0, 0)),
            pl.BlockSpec((DE, D), lambda i: (0, 0)),
        ],
        out_specs=pl.BlockSpec((block_rows, D), lambda i: (i, 0)),
        out_shape=jax.ShapeDtypeStruct((E // 2, D), jnp.int32),
    )(ea3, we)


def _matmul(x, w, block_rows):
    rows, k = x.shape
    kk, cols = w.shape
    return pl.pallas_call(
        _mm_kernel,
        grid=(rows // block_rows,),
        in_specs=[
            pl.BlockSpec((block_rows, k), lambda i: (i, 0)),
            pl.BlockSpec((kk, cols), lambda i: (0, 0)),
        ],
        out_specs=pl.BlockSpec((block_rows, cols), lambda i: (i, 0)),
        out_shape=jax.ShapeDtypeStruct((rows, cols), jnp.float32),
    )(x, w)


def _epilogue_kernel(p_ref, w_ref, x_ref, o_ref):
    a = (p_ref[0] + p_ref[1]) * INV_SQRT_DEG
    z = jnp.dot(a, w_ref[...], preferred_element_type=jnp.float32)
    o_ref[...] = x_ref[...] + jax.nn.softplus(z) - LOG2


def _epilogue(partials, w2, x, block_rows=2000):
    return pl.pallas_call(
        _epilogue_kernel,
        grid=(N // block_rows,),
        in_specs=[
            pl.BlockSpec((NC, block_rows, D), lambda i: (0, i, 0)),
            pl.BlockSpec((D, D), lambda i: (0, 0)),
            pl.BlockSpec((block_rows, D), lambda i: (i, 0)),
        ],
        out_specs=pl.BlockSpec((block_rows, D), lambda i: (i, 0)),
        out_shape=jax.ShapeDtypeStruct((N, D), jnp.float32),
    )(partials, w2, x)


def _epi_h_kernel(p_ref, w_ref, x_ref, w1_ref, x_out, h_out):
    a = (p_ref[0] + p_ref[1]) * INV_SQRT_DEG
    z = jnp.dot(a, w_ref[...], preferred_element_type=jnp.float32)
    xn = x_ref[...] + jax.nn.softplus(z) - LOG2
    x_out[...] = xn
    h_out[...] = jnp.dot(xn, w1_ref[...], preferred_element_type=jnp.float32)


def _epilogue_h(partials, w2, x, w1_next, block_rows=2000):
    return pl.pallas_call(
        _epi_h_kernel,
        grid=(N // block_rows,),
        in_specs=[
            pl.BlockSpec((NC, block_rows, D), lambda i: (0, i, 0)),
            pl.BlockSpec((D, D), lambda i: (0, 0)),
            pl.BlockSpec((block_rows, D), lambda i: (i, 0)),
            pl.BlockSpec((D, D), lambda i: (0, 0)),
        ],
        out_specs=[
            pl.BlockSpec((block_rows, D), lambda i: (i, 0)),
            pl.BlockSpec((block_rows, D), lambda i: (i, 0)),
        ],
        out_shape=[
            jax.ShapeDtypeStruct((N, D), jnp.float32),
            jax.ShapeDtypeStruct((N, D), jnp.float32),
        ],
    )(partials, w2, x, w1_next)


NBUF = 3
NEB = 2


def _sc_body(h_hbm, ew_hbm, pk_hbm, out_hbm,
             sv, dv, pkv, hb, eb, zero_v, agg_sh, sg, se, ss, sp):
    cid = lax.axis_index("c")
    sid = lax.axis_index("s")
    wid = sid * NC + cid

    zline = jnp.zeros((16,), jnp.float32)

    def _zrow(r, _):
        for c in range(D // 16):
            zero_v[r, pl.ds(c * 16, 16)] = zline
        return 0

    lax.fori_loop(0, ZROWS, _zrow, 0)

    def _zfire(b, _):
        pltpu.async_copy(
            zero_v,
            agg_sh.at[pl.ds(sid * ROWS_PER_TILE + b * ZROWS, ZROWS), :], sg)
        return 0

    def _zdrain(b, _):
        pltpu.make_async_copy(
            zero_v, agg_sh.at[pl.ds(sid * ROWS_PER_TILE, ZROWS), :], sg).wait()
        return 0

    lax.fori_loop(0, ROWS_PER_TILE // ZROWS, _zfire, 0)
    lax.fori_loop(0, ROWS_PER_TILE // ZROWS, _zdrain, 0)
    pltpu.async_copy(
        pk_hbm.at[pl.ds(wid * NCHUNK * CHUNK, CHUNK)], pkv.at[0], sp)
    plsc.subcore_barrier()

    def _iter(j, _):
        b = j % NBUF
        be = j % NEB

        @pl.when(j >= NBUF)
        def _():
            pltpu.make_async_copy(hb.at[b], agg_sh.at[dv.at[b]], ss).wait()

        @pl.when(j < NCHUNK)
        def _():
            bp = j % 2
            pltpu.make_async_copy(
                pk_hbm.at[pl.ds(0, CHUNK)], pkv.at[bp], sp).wait()

            @pl.when(j + 1 < NCHUNK)
            def _():
                pltpu.async_copy(
                    pk_hbm.at[pl.ds((wid * NCHUNK + j + 1) * CHUNK, CHUNK)],
                    pkv.at[1 - bp], sp)

            for i in range(CHUNK // 16):
                s = pl.ds(i * 16, 16)
                v = pkv[bp, s]
                sv[be, s] = v & 0x3FFF
                dv[b, s] = v >> 14
            pltpu.async_copy(h_hbm.at[sv.at[be]], hb.at[b], sg)
            pltpu.async_copy(
                ew_hbm.at[pl.ds((wid * NCHUNK + j) * (CHUNK // 2),
                                CHUNK // 2), :],
                eb.at[be], se)

        @pl.when(j >= 1)
        def _():
            b1 = (j - 1) % NBUF
            be1 = (j - 1) % NEB
            pltpu.make_async_copy(h_hbm.at[sv.at[be1]], hb.at[b1], sg).wait()
            pltpu.make_async_copy(
                ew_hbm.at[pl.ds(0, CHUNK // 2), :], eb.at[be1], se).wait()

            @plsc.parallel_loop(0, CHUNK // 2, step=1, unroll=2)
            def _mul(p):
                w = [eb[be1, p, pl.ds(c * 16, 16)] for c in range(D // 16)]
                h0 = [hb[b1, 2 * p, pl.ds(c * 16, 16)]
                      for c in range(D // 16)]
                h1 = [hb[b1, 2 * p + 1, pl.ds(c * 16, 16)]
                      for c in range(D // 16)]
                for c in range(D // 16):
                    lo = lax.bitcast_convert_type(w[c] << 16, jnp.float32)
                    hi = lax.bitcast_convert_type(
                        w[c] & jnp.int32(-65536), jnp.float32)
                    hb[b1, 2 * p, pl.ds(c * 16, 16)] = h0[c] * lo
                    hb[b1, 2 * p + 1, pl.ds(c * 16, 16)] = h1[c] * hi
            pltpu.async_copy(hb.at[b1], agg_sh.at[dv.at[b1]], ss, add=True)

        return 0

    lax.fori_loop(0, NCHUNK + 1, _iter, 0)
    pltpu.make_async_copy(hb.at[0], agg_sh.at[dv.at[0]], ss).wait()
    pltpu.make_async_copy(hb.at[0], agg_sh.at[dv.at[0]], ss).wait()
    plsc.subcore_barrier()

    pltpu.sync_copy(
        agg_sh.at[pl.ds(sid * ROWS_PER_TILE, ROWS_PER_TILE), :],
        out_hbm.at[cid, sid])


_sc_segment = functools.partial(
    pl.kernel,
    out_type=jax.ShapeDtypeStruct((NC, NS, ROWS_PER_TILE, D), jnp.float32),
    mesh=plsc.VectorSubcoreMesh(core_axis_name="c", subcore_axis_name="s"),
    scratch_types=[
        pltpu.VMEM((NEB, CHUNK), jnp.int32),
        pltpu.VMEM((NBUF, CHUNK), jnp.int32),
        pltpu.VMEM((2, CHUNK), jnp.int32),
        pltpu.VMEM((NBUF, CHUNK, D), jnp.float32),
        pltpu.VMEM((NEB, CHUNK // 2, D), jnp.int32),
        pltpu.VMEM((ZROWS, D), jnp.float32),
        pltpu.VMEM_SHARED((N, D), jnp.float32),
        pltpu.SemaphoreType.DMA,
        pltpu.SemaphoreType.DMA,
        pltpu.SemaphoreType.DMA,
        pltpu.SemaphoreType.DMA,
    ],
)(_sc_body)


def kernel(x, edge_attr, edge_index, W1_0, We_0, W2_0, W1_1, We_1, W2_1):
    packed = (edge_index[1] << 14) | edge_index[0]

    ew0 = _ew_packed(edge_attr, We_0)
    h0 = _matmul(x, W1_0, block_rows=2000)
    p0 = _sc_segment(h0, ew0, packed).reshape(NC, N, D)
    ew1 = _ew_packed(edge_attr, We_1)
    x1, h1 = _epilogue_h(p0, W2_0, x, W1_1)
    p1 = _sc_segment(h1, ew1, packed).reshape(NC, N, D)
    return _epilogue(p1, W2_1, x1)

# --- scband reference (transcript-rebuilt; emitter-appended) ---
"""Pipeline reference for scband-conv-net-54185307406708 (READ-ONLY COPY).

The authoritative reference and input builder live on the scoring server;
editing this copy changes nothing except your own understanding.
"""

import jax, jax.numpy as jnp
import numpy as np

N = 10000
E = 320000
D = 128
DE = 16
AVG_DEG = 32.0


def ssp(x):
    # shifted softplus, the 'ssp' scalar nonlinearity used by NequIP
    return jax.nn.softplus(x) - jnp.log(2.0)


def setup_inputs(seed: int = 0) -> dict:
    key = jax.random.key(seed)
    ks = jax.random.split(key, 10)
    inp = {
        "x": jax.random.normal(ks[0], (N, D), dtype=jnp.float32),
        "edge_attr": jax.random.normal(ks[1], (E, DE), dtype=jnp.float32),
        "edge_index": jax.random.randint(ks[2], (2, E), 0, N, dtype=jnp.int32),
        "W1_0": jax.random.normal(ks[3], (D, D), dtype=jnp.float32) / np.sqrt(D),
        "We_0": jax.random.normal(ks[4], (DE, D), dtype=jnp.float32) / np.sqrt(DE),
        "W2_0": jax.random.normal(ks[5], (D, D), dtype=jnp.float32) / np.sqrt(D),
        "W1_1": jax.random.normal(ks[6], (D, D), dtype=jnp.float32) / np.sqrt(D),
        "We_1": jax.random.normal(ks[7], (DE, D), dtype=jnp.float32) / np.sqrt(DE),
        "W2_1": jax.random.normal(ks[8], (D, D), dtype=jnp.float32) / np.sqrt(D),
    }
    return inp


def reference(x, edge_attr, edge_index, W1_0, We_0, W2_0, W1_1, We_1, W2_1):
    # ConvNet with all-scalar (0e) irreps: per layer an InteractionBlock
    # (node linear -> edge tensor-product weighted by edge_attrs -> scatter-sum
    #  over destination nodes -> node linear) followed by the gate nonlinearity
    # (which reduces to ssp on scalar channels), with resnet skip connection
    # (irreps match across layers so resnet=True for both layers).
    src = edge_index[0]
    dst = edge_index[1]
    layer_params = [(W1_0, We_0, W2_0), (W1_1, We_1, W2_1)]
    for (W1, We, W2) in layer_params:
        old_x = x
        h = x @ W1                                  # node-wise linear (self-interaction 1)
        ew = edge_attr @ We                         # edge attr -> per-edge channel weights
        msg = jnp.take(h, src, axis=0) * ew         # gather source features, tensor product with edge weights
        agg = jax.ops.segment_sum(msg, dst, num_segments=N)  # scatter-add to destinations
        agg = agg / jnp.sqrt(AVG_DEG)               # degree normalization
        out = agg @ W2                              # self-interaction 2
        out = ssp(out)                              # gate nonlinearity on scalars
        x = old_x + out                             # resnet
    return x

if __name__ == "__main__":
    import jax
    _d = setup_inputs()
    print(jax.jit(kernel)(*tuple(_d.values())))

</pallas_src>

<mosaic_0001>
#map = affine_map<(d0, d1) -> (0, 0)>
#map1 = affine_map<(d0, d1) -> (0)>
#map2 = affine_map<(d0, d1) -> (0, 0, 0, 0)>
module attributes {stable_mosaic.version = 14 : i64} {
  func.func @_sc_body(%arg0: i32, %arg1: i32, %arg2: memref<10000x128xf32, #tpu.memory_space<hbm>>, %arg3: memref<160000x128xi32, #tpu.memory_space<hbm>>, %arg4: memref<320000xi32, #tpu.memory_space<hbm>>, %arg5: memref<2x16x625x128xf32, #tpu.memory_space<hbm>>, %arg6: memref<2x80xi32, #tpu.memory_space<vmem>>, %arg7: memref<3x80xi32, #tpu.memory_space<vmem>>, %arg8: memref<2x80xi32, #tpu.memory_space<vmem>>, %arg9: memref<3x80x128xf32, #tpu.memory_space<vmem>>, %arg10: memref<2x40x128xi32, #tpu.memory_space<vmem>>, %arg11: memref<25x128xf32, #tpu.memory_space<vmem>>, %arg12: memref<10000x128xf32, #tpu.memory_space<vmem_shared>>, %arg13: memref<!tpu.dma_semaphore, #tpu.memory_space<semaphore_mem>>, %arg14: memref<!tpu.dma_semaphore, #tpu.memory_space<semaphore_mem>>, %arg15: memref<!tpu.dma_semaphore, #tpu.memory_space<semaphore_mem>>, %arg16: memref<!tpu.dma_semaphore, #tpu.memory_space<semaphore_mem>>) attributes {dimension_semantics = [#tpu.dimension_semantics<core_parallel>, #tpu.dimension_semantics<subcore_parallel>], iteration_bounds = array<i64: 2, 16>, scalar_prefetch = 0 : i64, scratch_operands = 11 : i64, tpu.core_type = #tpu.core_type<sc_vector_subcore>, window_params = [{transform_indices = #map}, {transform_indices = #map}, {transform_indices = #map1}, {transform_indices = #map2}]} {
    %mul3A = arith.constant 2 : i32
    %mul3A_0 = arith.muli %arg1, %mul3A : i32
    %add3A = arith.addi %mul3A_0, %arg0 : i32
    %broadcast_in_dim3A = arith.constant 0.000000e+00 : f32
    %broadcast_in_dim3A_1 = vector.broadcast %broadcast_in_dim3A : f32 to vector<16xf32>
    %scan3A = arith.constant 0 : i32
    %scan3A_2 = arith.constant 0 : i32
    %scan3A_3 = arith.constant 25 : i32
    %scan3A_4 = arith.addi %scan3A_2, %scan3A_3 : i32
    %scan3A_5 = arith.constant 1 : i32
    %scan3A_6 = scf.for %scan3A_67 = %scan3A_2 to %scan3A_4 step %scan3A_5 iter_args(%scan3A_68 = %scan3A) -> (i32)  : i32 {
      %swap3A = arith.index_cast %scan3A_67 : i32 to index
      %swap3A_69 = arith.constant 0 : index
      %swap3A_70 = tpu.vector_load %arg11[%swap3A, %swap3A_69] {strides = array<i32>} : memref<25x128xf32, #tpu.memory_space<vmem>>, vector<1x16xf32>,
      %swap3A_71 = vector.shape_cast %swap3A_70 : vector<1x16xf32> to vector<16xf32>
      %swap3A_72 = vector.shape_cast %broadcast_in_dim3A_1 : vector<16xf32> to vector<1x16xf32>
      tpu.vector_store %arg11[%swap3A, %swap3A_69], %swap3A_72 {strides = array<i32>} : memref<25x128xf32, #tpu.memory_space<vmem>>, vector<1x16xf32>,
      %swap3A_73 = arith.index_cast %scan3A_67 : i32 to index
      %swap3A_74 = arith.constant 16 : index
      %swap3A_75 = tpu.vector_load %arg11[%swap3A_73, %swap3A_74] {strides = array<i32>} : memref<25x128xf32, #tpu.memory_space<vmem>>, vector<1x16xf32>,
      %swap3A_76 = vector.shape_cast %swap3A_75 : vector<1x16xf32> to vector<16xf32>
      %swap3A_77 = vector.shape_cast %broadcast_in_dim3A_1 : vector<16xf32> to vector<1x16xf32>
      tpu.vector_store %arg11[%swap3A_73, %swap3A_74], %swap3A_77 {strides = array<i32>} : memref<25x128xf32, #tpu.memory_space<vmem>>, vector<1x16xf32>,
      %swap3A_78 = arith.index_cast %scan3A_67 : i32 to index
      %swap3A_79 = arith.constant 32 : index
      %swap3A_80 = tpu.vector_load %arg11[%swap3A_78, %swap3A_79] {strides = array<i32>} : memref<25x128xf32, #tpu.memory_space<vmem>>, vector<1x16xf32>,
      %swap3A_81 = vector.shape_cast %swap3A_80 : vector<1x16xf32> to vector<16xf32>
      %swap3A_82 = vector.shape_cast %broadcast_in_dim3A_1 : vector<16xf32> to vector<1x16xf32>
      tpu.vector_store %arg11[%swap3A_78, %swap3A_79], %swap3A_82 {strides = array<i32>} : memref<25x128xf32, #tpu.memory_space<vmem>>, vector<1x16xf32>,
      %swap3A_83 = arith.index_cast %scan3A_67 : i32 to index
      %swap3A_84 = arith.constant 48 : index
      %swap3A_85 = tpu.vector_load %arg11[%swap3A_83, %swap3A_84] {strides = array<i32>} : memref<25x128xf32, #tpu.memory_space<vmem>>, vector<1x16xf32>,
      %swap3A_86 = vector.shape_cast %swap3A_85 : vector<1x16xf32> to vector<16xf32>
      %swap3A_87 = vector.shape_cast %broadcast_in_dim3A_1 : vector<16xf32> to vector<1x16xf32>
      tpu.vector_store %arg11[%swap3A_83, %swap3A_84], %swap3A_87 {strides = array<i32>} : memref<25x128xf32, #tpu.memory_space<vmem>>, vector<1x16xf32>,
      %swap3A_88 = arith.index_cast %scan3A_67 : i32 to index
      %swap3A_89 = arith.constant 64 : index
      %swap3A_90 = tpu.vector_load %arg11[%swap3A_88, %swap3A_89] {strides = array<i32>} : memref<25x128xf32, #tpu.memory_space<vmem>>, vector<1x16xf32>,
      %swap3A_91 = vector.shape_cast %swap3A_90 : vector<1x16xf32> to vector<16xf32>
      %swap3A_92 = vector.shape_cast %broadcast_in_dim3A_1 : vector<16xf32> to vector<1x16xf32>
      tpu.vector_store %arg11[%swap3A_88, %swap3A_89], %swap3A_92 {strides = array<i32>} : memref<25x128xf32, #tpu.memory_space<vmem>>, vector<1x16xf32>,
      %swap3A_93 = arith.index_cast %scan3A_67 : i32 to index
      %swap3A_94 = arith.constant 80 : index
      %swap3A_95 = tpu.vector_load %arg11[%swap3A_93, %swap3A_94] {strides = array<i32>} : memref<25x128xf32, #tpu.memory_space<vmem>>, vector<1x16xf32>,
      %swap3A_96 = vector.shape_cast %swap3A_95 : vector<1x16xf32> to vector<16xf32>
      %swap3A_97 = vector.shape_cast %broadcast_in_dim3A_1 : vector<16xf32> to vector<1x16xf32>
      tpu.vector_store %arg11[%swap3A_93, %swap3A_94], %swap3A_97 {strides = array<i32>} : memref<25x128xf32, #tpu.memory_space<vmem>>, vector<1x16xf32>,
      %swap3A_98 = arith.index_cast %scan3A_67 : i32 to index
      %swap3A_99 = arith.constant 96 : index
      %swap3A_100 = tpu.vector_load %arg11[%swap3A_98, %swap3A_99] {strides = array<i32>} : memref<25x128xf32, #tpu.memory_space<vmem>>, vector<1x16xf32>,
      %swap3A_101 = vector.shape_cast %swap3A_100 : vector<1x16xf32> to vector<16xf32>
      %swap3A_102 = vector.shape_cast %broadcast_in_dim3A_1 : vector<16xf32> to vector<1x16xf32>
      tpu.vector_store %arg11[%swap3A_98, %swap3A_99], %swap3A_102 {strides = array<i32>} : memref<25x128xf32, #tpu.memory_space<vmem>>, vector<1x16xf32>,
      %swap3A_103 = arith.index_cast %scan3A_67 : i32 to index
      %swap3A_104 = arith.constant 112 : index
      %swap3A_105 = tpu.vector_load %arg11[%swap3A_103, %swap3A_104] {strides = array<i32>} : memref<25x128xf32, #tpu.memory_space<vmem>>, vector<1x16xf32>,
      %swap3A_106 = vector.shape_cast %swap3A_105 : vector<1x16xf32> to vector<16xf32>
      %swap3A_107 = vector.shape_cast %broadcast_in_dim3A_1 : vector<16xf32> to vector<1x16xf32>
      tpu.vector_store %arg11[%swap3A_103, %swap3A_104], %swap3A_107 {strides = array<i32>} : memref<25x128xf32, #tpu.memory_space<vmem>>, vector<1x16xf32>,
      %scan3A_108 = arith.constant 0 : i32
      scf.yield %scan3A_108 : i32
    }
    %scan3A_7 = arith.constant 25 : i32
    %scan3A_8 = arith.constant 0 : i32
    %scan3A_9 = arith.constant 0 : i32
    %scan3A_10 = arith.constant 25 : i32
    %scan3A_11 = arith.addi %scan3A_9, %scan3A_10 : i32
    %scan3A_12 = arith.constant 1 : i32
    %scan3A_13 = scf.for %scan3A_67 = %scan3A_9 to %scan3A_11 step %scan3A_12 iter_args(%scan3A_68 = %scan3A_8) -> (i32)  : i32 {
      %mul3A_69 = arith.constant 625 : i32
      %mul3A_70 = arith.muli %arg1, %mul3A_69 : i32
      %mul3A_71 = arith.constant 25 : i32
      %mul3A_72 = arith.muli %scan3A_67, %mul3A_71 : i32
      %add3A_73 = arith.addi %mul3A_70, %mul3A_72 : i32
      %dma_start3A_74 = arith.constant 0 : i32
      %dma_start3A_75 = tpu.memref_slice %arg12[%add3A_73, %dma_start3A_74] : memref<10000x128xf32, #tpu.memory_space<vmem_shared>> -> memref<25x128xf32, #tpu.memory_space<vmem_shared>>
      %dma_start3A_76 = arith.constant 0 : i32
      %dma_start3A_77 = tpu.memref_slice %arg12[%add3A_73, %dma_start3A_76] : memref<10000x128xf32, #tpu.memory_space<vmem_shared>> -> memref<25x128xf32, #tpu.memory_space<vmem_shared>>
      tpu.enqueue_dma source(%arg11 : memref<25x128xf32, #tpu.memory_space<vmem>>) target(%dma_start3A_77 : memref<25x128xf32, #tpu.memory_space<vmem_shared>>) target_semaphore(%arg13 : memref<!tpu.dma_semaphore, #tpu.memory_space<semaphore_mem>>)
      %scan3A_78 = arith.constant 0 : i32
      scf.yield %scan3A_78 : i32
    }
    %scan3A_14 = arith.constant 25 : i32
    %scan3A_15 = arith.constant 0 : i32
    %scan3A_16 = arith.constant 0 : i32
    %scan3A_17 = arith.constant 25 : i32
    %scan3A_18 = arith.addi %scan3A_16, %scan3A_17 : i32
    %scan3A_19 = arith.constant 1 : i32
    %scan3A_20 = scf.for %scan3A_67 = %scan3A_16 to %scan3A_18 step %scan3A_19 iter_args(%scan3A_68 = %scan3A_15) -> (i32)  : i32 {
      %mul3A_69 = arith.constant 625 : i32
      %mul3A_70 = arith.muli %arg1, %mul3A_69 : i32
      %dma_wait3A_71 = arith.constant 0 : i32
      %dma_wait3A_72 = tpu.memref_slice %arg12[%mul3A_70, %dma_wait3A_71] : memref<10000x128xf32, #tpu.memory_space<vmem_shared>> -> memref<25x128xf32, #tpu.memory_space<vmem_shared>>
      %dma_wait3A_73 = arith.constant 0 : i32
      %dma_wait3A_74 = tpu.memref_slice %arg12[%mul3A_70, %dma_wait3A_73] : memref<10000x128xf32, #tpu.memory_space<vmem_shared>> -> memref<25x128xf32, #tpu.memory_space<vmem_shared>>
      tpu.wait_dma2 semaphore(%arg13 : memref<!tpu.dma_semaphore, #tpu.memory_space<semaphore_mem>>) src(%arg11 : memref<25x128xf32, #tpu.memory_space<vmem>>) dst(%dma_wait3A_74 : memref<25x128xf32, #tpu.memory_space<vmem_shared>>)
      %scan3A_75 = arith.constant 0 : i32
      scf.yield %scan3A_75 : i32
    }
    %scan3A_21 = arith.constant 25 : i32
    %mul3A_22 = arith.constant 125 : i32
    %mul3A_23 = arith.muli %add3A, %mul3A_22 : i32
    %mul3A_24 = arith.constant 80 : i32
    %mul3A_25 = arith.muli %mul3A_23, %mul3A_24 : i32
    %dma_start3A = arith.constant 0 : i32
    %dma_start3A_26 = arith.constant 0 : i32
    %dma_start3A_27 = tpu.memref_slice %arg8[%dma_start3A, %dma_start3A_26] : memref<2x80xi32, #tpu.memory_space<vmem>> -> memref<1x80xi32, #tpu.memory_space<vmem>>
    %dma_start3A_28 = tpu.memref_squeeze %dma_start3A_27 : memref<1x80xi32, #tpu.memory_space<vmem>> -> memref<80xi32, #tpu.memory_space<vmem>>
    %dma_start3A_29 = tpu.memref_slice %arg4[%mul3A_25] : memref<320000xi32, #tpu.memory_space<hbm>> -> memref<80xi32, #tpu.memory_space<hbm>>
    %dma_start3A_30 = arith.constant 0 : i32
    %dma_start3A_31 = tpu.memref_slice %arg8[%dma_start3A, %dma_start3A_30] : memref<2x80xi32, #tpu.memory_space<vmem>> -> memref<1x80xi32, #tpu.memory_space<vmem>>
    %dma_start3A_32 = tpu.memref_squeeze %dma_start3A_31 : memref<1x80xi32, #tpu.memory_space<vmem>> -> memref<80xi32, #tpu.memory_space<vmem>>
    %dma_start3A_33 = tpu.memref_slice %arg4[%mul3A_25] : memref<320000xi32, #tpu.memory_space<hbm>> -> memref<80xi32, #tpu.memory_space<hbm>>
    tpu.enqueue_dma source(%dma_start3A_33 : memref<80xi32, #tpu.memory_space<hbm>>) target(%dma_start3A_32 : memref<80xi32, #tpu.memory_space<vmem>>) target_semaphore(%arg16 : memref<!tpu.dma_semaphore, #tpu.memory_space<semaphore_mem>>)
    %barrier3A = arith.constant 0 : index
    tpu.barrier barrier_id(%barrier3A)
    %scan3A_34 = arith.constant 0 : i32
    %scan3A_35 = arith.constant 0 : i32
    %scan3A_36 = arith.constant 126 : i32
    %scan3A_37 = arith.addi %scan3A_35, %scan3A_36 : i32
    %scan3A_38 = arith.constant 1 : i32
    %scan3A_39 = scf.for %scan3A_67 = %scan3A_35 to %scan3A_37 step %scan3A_38 iter_args(%scan3A_68 = %scan3A_34) -> (i32)  : i32 {
      %jit3A = arith.constant 3 : i32
      %eq3A = arith.constant 0 : i32
      %eq3A_69 = arith.cmpi eq, %jit3A, %eq3A : i32
      %jit3A_70 = arith.constant 1 : i32
      %select_n3A = arith.select %eq3A_69, %jit3A_70, %jit3A : i32
      %rem3A = arith.remsi %scan3A_67, %select_n3A : i32
      %ne3A = arith.constant 0 : i32
      %ne3A_71 = arith.cmpi ne, %rem3A, %ne3A : i32
      %lt3A = arith.constant 0 : i32
      %lt3A_72 = arith.cmpi slt, %rem3A, %lt3A : i32
      %lt3A_73 = arith.constant 0 : i32
      %lt3A_74 = arith.cmpi slt, %select_n3A, %lt3A_73 : i32
      %ne3A_75 = arith.xori %lt3A_72, %lt3A_74 : i1
      %and3A = arith.andi %ne3A_75, %ne3A_71 : i1
      %add3A_76 = arith.addi %rem3A, %select_n3A : i32
      %select_n3A_77 = arith.select %and3A, %add3A_76, %rem3A : i32
      %jit3A_78 = arith.constant 2 : i32
      %eq3A_79 = arith.constant 0 : i32
      %eq3A_80 = arith.cmpi eq, %jit3A_78, %eq3A_79 : i32
      %jit3A_81 = arith.constant 1 : i32
      %select_n3A_82 = arith.select %eq3A_80, %jit3A_81, %jit3A_78 : i32
      %rem3A_83 = arith.remsi %scan3A_67, %select_n3A_82 : i32
      %ne3A_84 = arith.constant 0 : i32
      %ne3A_85 = arith.cmpi ne, %rem3A_83, %ne3A_84 : i32
      %lt3A_86 = arith.constant 0 : i32
      %lt3A_87 = arith.cmpi slt, %rem3A_83, %lt3A_86 : i32
      %lt3A_88 = arith.constant 0 : i32
      %lt3A_89 = arith.cmpi slt, %select_n3A_82, %lt3A_88 : i32
      %ne3A_90 = arith.xori %lt3A_87, %lt3A_89 : i1
      %and3A_91 = arith.andi %ne3A_90, %ne3A_85 : i1
      %add3A_92 = arith.addi %rem3A_83, %select_n3A_82 : i32
      %select_n3A_93 = arith.select %and3A_91, %add3A_92, %rem3A_83 : i32
      %ge3A = arith.constant 3 : i32
      %ge3A_94 = arith.cmpi sge, %scan3A_67, %ge3A : i32
      %convert_element_type3A = arith.extui %ge3A_94 : i1 to i32
      %cond3A = arith.constant 0 : i32
      %cond3A_95 = arith.cmpi ne, %convert_element_type3A, %cond3A : i32
      scf.if %cond3A_95 {
        %dma_wait3A_107 = arith.constant 0 : i32
        %dma_wait3A_108 = arith.constant 0 : i32
        %dma_wait3A_109 = tpu.memref_slice %arg9[%select_n3A_77, %dma_wait3A_107, %dma_wait3A_108] : memref<3x80x128xf32, #tpu.memory_space<vmem>> -> memref<1x80x128xf32, #tpu.memory_space<vmem>>
        %dma_wait3A_110 = tpu.memref_squeeze %dma_wait3A_109 : memref<1x80x128xf32, #tpu.memory_space<vmem>> -> memref<80x128xf32, #tpu.memory_space<vmem>>
        %dma_wait3A_111 = arith.constant 0 : i32
        %dma_wait3A_112 = tpu.memref_slice %arg7[%select_n3A_77, %dma_wait3A_111] : memref<3x80xi32, #tpu.memory_space<vmem>> -> memref<1x80xi32, #tpu.memory_space<vmem>>
        %dma_wait3A_113 = tpu.memref_squeeze %dma_wait3A_112 : memref<1x80xi32, #tpu.memory_space<vmem>> -> memref<80xi32, #tpu.memory_space<vmem>>
        %dma_wait3A_114 = arith.constant 0 : i32
        %dma_wait3A_115 = arith.constant 0 : i32
        %dma_wait3A_116 = tpu.memref_slice %arg12[%dma_wait3A_114, %dma_wait3A_115] : memref<10000x128xf32, #tpu.memory_space<vmem_shared>> -> memref<10000x128xf32, #tpu.memory_space<vmem_shared>>
        tpu.wait_indirect_dma semaphore(%arg15 : memref<!tpu.dma_semaphore, #tpu.memory_space<semaphore_mem>>) src(%dma_wait3A_110 : memref<80x128xf32, #tpu.memory_space<vmem>>) dst(%dma_wait3A_116 : memref<10000x128xf32, #tpu.memory_space<vmem_shared>>)
      } else {
      }
      %lt3A_96 = arith.constant 125 : i32
      %lt3A_97 = arith.cmpi slt, %scan3A_67, %lt3A_96 : i32
      %convert_element_type3A_98 = arith.extui %lt3A_97 : i1 to i32
      %cond3A_99 = arith.constant 0 : i32
      %cond3A_100 = arith.cmpi ne, %convert_element_type3A_98, %cond3A_99 : i32
      scf.if %cond3A_100 {
        %jit3A_107 = arith.constant 2 : i32
        %eq3A_108 = arith.constant 0 : i32
        %eq3A_109 = arith.cmpi eq, %jit3A_107, %eq3A_108 : i32
        %jit3A_110 = arith.constant 1 : i32
        %select_n3A_111 = arith.select %eq3A_109, %jit3A_110, %jit3A_107 : i32
        %rem3A_112 = arith.remsi %scan3A_67, %select_n3A_111 : i32
        %ne3A_113 = arith.constant 0 : i32
        %ne3A_114 = arith.cmpi ne, %rem3A_112, %ne3A_113 : i32
        %lt3A_115 = arith.constant 0 : i32
        %lt3A_116 = arith.cmpi slt, %rem3A_112, %lt3A_115 : i32
        %lt3A_117 = arith.constant 0 : i32
        %lt3A_118 = arith.cmpi slt, %select_n3A_111, %lt3A_117 : i32
        %ne3A_119 = arith.xori %lt3A_116, %lt3A_118 : i1
        %and3A_120 = arith.andi %ne3A_119, %ne3A_114 : i1
        %add3A_121 = arith.addi %rem3A_112, %select_n3A_111 : i32
        %select_n3A_122 = arith.select %and3A_120, %add3A_121, %rem3A_112 : i32
        %dma_wait3A_123 = arith.constant 0 : i32
        %dma_wait3A_124 = tpu.memref_slice %arg8[%select_n3A_122, %dma_wait3A_123] : memref<2x80xi32, #tpu.memory_space<vmem>> -> memref<1x80xi32, #tpu.memory_space<vmem>>
        %dma_wait3A_125 = tpu.memref_squeeze %dma_wait3A_124 : memref<1x80xi32, #tpu.memory_space<vmem>> -> memref<80xi32, #tpu.memory_space<vmem>>
        %dma_wait3A_126 = arith.constant 0 : i32
        %dma_wait3A_127 = tpu.memref_slice %arg4[%dma_wait3A_126] : memref<320000xi32, #tpu.memory_space<hbm>> -> memref<80xi32, #tpu.memory_space<hbm>>
        %dma_wait3A_128 = arith.constant 0 : i32
        %dma_wait3A_129 = tpu.memref_slice %arg8[%select_n3A_122, %dma_wait3A_128] : memref<2x80xi32, #tpu.memory_space<vmem>> -> memref<1x80xi32, #tpu.memory_space<vmem>>
        %dma_wait3A_130 = tpu.memref_squeeze %dma_wait3A_129 : memref<1x80xi32, #tpu.memory_space<vmem>> -> memref<80xi32, #tpu.memory_space<vmem>>
        %dma_wait3A_131 = arith.constant 0 : i32
        %dma_wait3A_132 = tpu.memref_slice %arg4[%dma_wait3A_131] : memref<320000xi32, #tpu.memory_space<hbm>> -> memref<80xi32, #tpu.memory_space<hbm>>
        tpu.wait_dma2 semaphore(%arg16 : memref<!tpu.dma_semaphore, #tpu.memory_space<semaphore_mem>>) src(%dma_wait3A_132 : memref<80xi32, #tpu.memory_space<hbm>>) dst(%dma_wait3A_130 : memref<80xi32, #tpu.memory_space<vmem>>)
        %add3A_133 = arith.constant 1 : i32
        %add3A_134 = arith.addi %scan3A_67, %add3A_133 : i32
        %lt3A_135 = arith.constant 125 : i32
        %lt3A_136 = arith.cmpi slt, %add3A_134, %lt3A_135 : i32
        %convert_element_type3A_137 = arith.extui %lt3A_136 : i1 to i32
        %cond3A_138 = arith.constant 0 : i32
        %cond3A_139 = arith.cmpi ne, %convert_element_type3A_137, %cond3A_138 : i32
        scf.if %cond3A_139 {
          %mul3A_264 = arith.constant 125 : i32
          %mul3A_265 = arith.muli %add3A, %mul3A_264 : i32
          %add3A_266 = arith.addi %mul3A_265, %scan3A_67 : i32
          %add3A_267 = arith.constant 1 : i32
          %add3A_268 = arith.addi %add3A_266, %add3A_267 : i32
          %mul3A_269 = arith.constant 80 : i32
          %mul3A_270 = arith.muli %add3A_268, %mul3A_269 : i32
          %sub3A = arith.constant 1 : i32
          %sub3A_271 = arith.subi %sub3A, %select_n3A_122 : i32
          %dma_start3A_272 = arith.constant 0 : i32
          %dma_start3A_273 = tpu.memref_slice %arg8[%sub3A_271, %dma_start3A_272] : memref<2x80xi32, #tpu.memory_space<vmem>> -> memref<1x80xi32, #tpu.memory_space<vmem>>
          %dma_start3A_274 = tpu.memref_squeeze %dma_start3A_273 : memref<1x80xi32, #tpu.memory_space<vmem>> -> memref<80xi32, #tpu.memory_space<vmem>>
          %dma_start3A_275 = tpu.memref_slice %arg4[%mul3A_270] : memref<320000xi32, #tpu.memory_space<hbm>> -> memref<80xi32, #tpu.memory_space<hbm>>
          %dma_start3A_276 = arith.constant 0 : i32
          %dma_start3A_277 = tpu.memref_slice %arg8[%sub3A_271, %dma_start3A_276] : memref<2x80xi32, #tpu.memory_space<vmem>> -> memref<1x80xi32, #tpu.memory_space<vmem>>
          %dma_start3A_278 = tpu.memref_squeeze %dma_start3A_277 : memref<1x80xi32, #tpu.memory_space<vmem>> -> memref<80xi32, #tpu.memory_space<vmem>>
          %dma_start3A_279 = tpu.memref_slice %arg4[%mul3A_270] : memref<320000xi32, #tpu.memory_space<hbm>> -> memref<80xi32, #tpu.memory_space<hbm>>
          tpu.enqueue_dma source(%dma_start3A_279 : memref<80xi32, #tpu.memory_space<hbm>>) target(%dma_start3A_278 : memref<80xi32, #tpu.memory_space<vmem>>) target_semaphore(%arg16 : memref<!tpu.dma_semaphore, #tpu.memory_space<semaphore_mem>>)
        } else {
        }
        %get3A = arith.index_cast %select_n3A_122 : i32 to index
        %get3A_140 = arith.constant 0 : index
        %get3A_141 = tpu.vector_load %arg8[%get3A, %get3A_140] {strides = array<i32>} : memref<2x80xi32, #tpu.memory_space<vmem>>, vector<1x16xi32>,
        %get3A_142 = vector.shape_cast %get3A_141 : vector<1x16xi32> to vector<16xi32>
        %and3A_143 = arith.constant 16383 : i32
        %and3A_144 = vector.broadcast %and3A_143 : i32 to vector<16xi32>
        %and3A_145 = arith.andi %get3A_142, %and3A_144 : vector<16xi32>
        %swap3A = arith.index_cast %select_n3A_93 : i32 to index
        %swap3A_146 = arith.constant 0 : index
        %swap3A_147 = tpu.vector_load %arg6[%swap3A, %swap3A_146] {strides = array<i32>} : memref<2x80xi32, #tpu.memory_space<vmem>>, vector<1x16xi32>,
        %swap3A_148 = vector.shape_cast %swap3A_147 : vector<1x16xi32> to vector<16xi32>
        %swap3A_149 = vector.shape_cast %and3A_145 : vector<16xi32> to vector<1x16xi32>
        tpu.vector_store %arg6[%swap3A, %swap3A_146], %swap3A_149 {strides = array<i32>} : memref<2x80xi32, #tpu.memory_space<vmem>>, vector<1x16xi32>,
        %shift_right_arithmetic3A = arith.constant 14 : i32
        %shift_right_arithmetic3A_150 = vector.broadcast %shift_right_arithmetic3A : i32 to vector<16xi32>
        %shift_right_arithmetic3A_151 = arith.shrsi %get3A_142, %shift_right_arithmetic3A_150 : vector<16xi32>
        %swap3A_152 = arith.index_cast %select_n3A_77 : i32 to index
        %swap3A_153 = arith.constant 0 : index
        %swap3A_154 = tpu.vector_load %arg7[%swap3A_152, %swap3A_153] {strides = array<i32>} : memref<3x80xi32, #tpu.memory_space<vmem>>, vector<1x16xi32>,
        %swap3A_155 = vector.shape_cast %swap3A_154 : vector<1x16xi32> to vector<16xi32>
        %swap3A_156 = vector.shape_cast %shift_right_arithmetic3A_151 : vector<16xi32> to vector<1x16xi32>
        tpu.vector_store %arg7[%swap3A_152, %swap3A_153], %swap3A_156 {strides = array<i32>} : memref<3x80xi32, #tpu.memory_space<vmem>>, vector<1x16xi32>,
        %get3A_157 = arith.index_cast %select_n3A_122 : i32 to index
        %get3A_158 = arith.constant 16 : index
        %get3A_159 = tpu.vector_load %arg8[%get3A_157, %get3A_158] {strides = array<i32>} : memref<2x80xi32, #tpu.memory_space<vmem>>, vector<1x16xi32>,
        %get3A_160 = vector.shape_cast %get3A_159 : vector<1x16xi32> to vector<16xi32>
        %and3A_161 = arith.constant 16383 : i32
        %and3A_162 = vector.broadcast %and3A_161 : i32 to vector<16xi32>
        %and3A_163 = arith.andi %get3A_160, %and3A_162 : vector<16xi32>
        %swap3A_164 = arith.index_cast %select_n3A_93 : i32 to index
        %swap3A_165 = arith.constant 16 : index
        %swap3A_166 = tpu.vector_load %arg6[%swap3A_164, %swap3A_165] {strides = array<i32>} : memref<2x80xi32, #tpu.memory_space<vmem>>, vector<1x16xi32>,
        %swap3A_167 = vector.shape_cast %swap3A_166 : vector<1x16xi32> to vector<16xi32>
        %swap3A_168 = vector.shape_cast %and3A_163 : vector<16xi32> to vector<1x16xi32>
        tpu.vector_store %arg6[%swap3A_164, %swap3A_165], %swap3A_168 {strides = array<i32>} : memref<2x80xi32, #tpu.memory_space<vmem>>, vector<1x16xi32>,
        %shift_right_arithmetic3A_169 = arith.constant 14 : i32
        %shift_right_arithmetic3A_170 = vector.broadcast %shift_right_arithmetic3A_169 : i32 to vector<16xi32>
        %shift_right_arithmetic3A_171 = arith.shrsi %get3A_160, %shift_right_arithmetic3A_170 : vector<16xi32>
        %swap3A_172 = arith.index_cast %select_n3A_77 : i32 to index
        %swap3A_173 = arith.constant 16 : index
        %swap3A_174 = tpu.vector_load %arg7[%swap3A_172, %swap3A_173] {strides = array<i32>} : memref<3x80xi32, #tpu.memory_space<vmem>>, vector<1x16xi32>,
        %swap3A_175 = vector.shape_cast %swap3A_174 : vector<1x16xi32> to vector<16xi32>
        %swap3A_176 = vector.shape_cast %shift_right_arithmetic3A_171 : vector<16xi32> to vector<1x16xi32>
        tpu.vector_store %arg7[%swap3A_172, %swap3A_173], %swap3A_176 {strides = array<i32>} : memref<3x80xi32, #tpu.memory_space<vmem>>, vector<1x16xi32>,
        %get3A_177 = arith.index_cast %select_n3A_122 : i32 to index
        %get3A_178 = arith.constant 32 : index
        %get3A_179 = tpu.vector_load %arg8[%get3A_177, %get3A_178] {strides = array<i32>} : memref<2x80xi32, #tpu.memory_space<vmem>>, vector<1x16xi32>,
        %get3A_180 = vector.shape_cast %get3A_179 : vector<1x16xi32> to vector<16xi32>
        %and3A_181 = arith.constant 16383 : i32
        %and3A_182 = vector.broadcast %and3A_181 : i32 to vector<16xi32>
        %and3A_183 = arith.andi %get3A_180, %and3A_182 : vector<16xi32>
        %swap3A_184 = arith.index_cast %select_n3A_93 : i32 to index
        %swap3A_185 = arith.constant 32 : index
        %swap3A_186 = tpu.vector_load %arg6[%swap3A_184, %swap3A_185] {strides = array<i32>} : memref<2x80xi32, #tpu.memory_space<vmem>>, vector<1x16xi32>,
        %swap3A_187 = vector.shape_cast %swap3A_186 : vector<1x16xi32> to vector<16xi32>
        %swap3A_188 = vector.shape_cast %and3A_183 : vector<16xi32> to vector<1x16xi32>
        tpu.vector_store %arg6[%swap3A_184, %swap3A_185], %swap3A_188 {strides = array<i32>} : memref<2x80xi32, #tpu.memory_space<vmem>>, vector<1x16xi32>,
        %shift_right_arithmetic3A_189 = arith.constant 14 : i32
        %shift_right_arithmetic3A_190 = vector.broadcast %shift_right_arithmetic3A_189 : i32 to vector<16xi32>
        %shift_right_arithmetic3A_191 = arith.shrsi %get3A_180, %shift_right_arithmetic3A_190 : vector<16xi32>
        %swap3A_192 = arith.index_cast %select_n3A_77 : i32 to index
        %swap3A_193 = arith.constant 32 : index
        %swap3A_194 = tpu.vector_load %arg7[%swap3A_192, %swap3A_193] {strides = array<i32>} : memref<3x80xi32, #tpu.memory_space<vmem>>, vector<1x16xi32>,
        %swap3A_195 = vector.shape_cast %swap3A_194 : vector<1x16xi32> to vector<16xi32>
        %swap3A_196 = vector.shape_cast %shift_right_arithmetic3A_191 : vector<16xi32> to vector<1x16xi32>
        tpu.vector_store %arg7[%swap3A_192, %swap3A_193], %swap3A_196 {strides = array<i32>} : memref<3x80xi32, #tpu.memory_space<vmem>>, vector<1x16xi32>,
        %get3A_197 = arith.index_cast %select_n3A_122 : i32 to index
        %get3A_198 = arith.constant 48 : index
        %get3A_199 = tpu.vector_load %arg8[%get3A_197, %get3A_198] {strides = array<i32>} : memref<2x80xi32, #tpu.memory_space<vmem>>, vector<1x16xi32>,
        %get3A_200 = vector.shape_cast %get3A_199 : vector<1x16xi32> to vector<16xi32>
        %and3A_201 = arith.constant 16383 : i32
        %and3A_202 = vector.broadcast %and3A_201 : i32 to vector<16xi32>
        %and3A_203 = arith.andi %get3A_200, %and3A_202 : vector<16xi32>
        %swap3A_204 = arith.index_cast %select_n3A_93 : i32 to index
        %swap3A_205 = arith.constant 48 : index
        %swap3A_206 = tpu.vector_load %arg6[%swap3A_204, %swap3A_205] {strides = array<i32>} : memref<2x80xi32, #tpu.memory_space<vmem>>, vector<1x16xi32>,
        %swap3A_207 = vector.shape_cast %swap3A_206 : vector<1x16xi32> to vector<16xi32>
        %swap3A_208 = vector.shape_cast %and3A_203 : vector<16xi32> to vector<1x16xi32>
        tpu.vector_store %arg6[%swap3A_204, %swap3A_205], %swap3A_208 {strides = array<i32>} : memref<2x80xi32, #tpu.memory_space<vmem>>, vector<1x16xi32>,
        %shift_right_arithmetic3A_209 = arith.constant 14 : i32
        %shift_right_arithmetic3A_210 = vector.broadcast %shift_right_arithmetic3A_209 : i32 to vector<16xi32>
        %shift_right_arithmetic3A_211 = arith.shrsi %get3A_200, %shift_right_arithmetic3A_210 : vector<16xi32>
        %swap3A_212 = arith.index_cast %select_n3A_77 : i32 to index
        %swap3A_213 = arith.constant 48 : index
        %swap3A_214 = tpu.vector_load %arg7[%swap3A_212, %swap3A_213] {strides = array<i32>} : memref<3x80xi32, #tpu.memory_space<vmem>>, vector<1x16xi32>,
        %swap3A_215 = vector.shape_cast %swap3A_214 : vector<1x16xi32> to vector<16xi32>
        %swap3A_216 = vector.shape_cast %shift_right_arithmetic3A_211 : vector<16xi32> to vector<1x16xi32>
        tpu.vector_store %arg7[%swap3A_212, %swap3A_213], %swap3A_216 {strides = array<i32>} : memref<3x80xi32, #tpu.memory_space<vmem>>, vector<1x16xi32>,
        %get3A_217 = arith.index_cast %select_n3A_122 : i32 to index
        %get3A_218 = arith.constant 64 : index
        %get3A_219 = tpu.vector_load %arg8[%get3A_217, %get3A_218] {strides = array<i32>} : memref<2x80xi32, #tpu.memory_space<vmem>>, vector<1x16xi32>,
        %get3A_220 = vector.shape_cast %get3A_219 : vector<1x16xi32> to vector<16xi32>
        %and3A_221 = arith.constant 16383 : i32
        %and3A_222 = vector.broadcast %and3A_221 : i32 to vector<16xi32>
        %and3A_223 = arith.andi %get3A_220, %and3A_222 : vector<16xi32>
        %swap3A_224 = arith.index_cast %select_n3A_93 : i32 to index
        %swap3A_225 = arith.constant 64 : index
        %swap3A_226 = tpu.vector_load %arg6[%swap3A_224, %swap3A_225] {strides = array<i32>} : memref<2x80xi32, #tpu.memory_space<vmem>>, vector<1x16xi32>,
        %swap3A_227 = vector.shape_cast %swap3A_226 : vector<1x16xi32> to vector<16xi32>
        %swap3A_228 = vector.shape_cast %and3A_223 : vector<16xi32> to vector<1x16xi32>
        tpu.vector_store %arg6[%swap3A_224, %swap3A_225], %swap3A_228 {strides = array<i32>} : memref<2x80xi32, #tpu.memory_space<vmem>>, vector<1x16xi32>,
        %shift_right_arithmetic3A_229 = arith.constant 14 : i32
        %shift_right_arithmetic3A_230 = vector.broadcast %shift_right_arithmetic3A_229 : i32 to vector<16xi32>
        %shift_right_arithmetic3A_231 = arith.shrsi %get3A_220, %shift_right_arithmetic3A_230 : vector<16xi32>
        %swap3A_232 = arith.index_cast %select_n3A_77 : i32 to index
        %swap3A_233 = arith.constant 64 : index
        %swap3A_234 = tpu.vector_load %arg7[%swap3A_232, %swap3A_233] {strides = array<i32>} : memref<3x80xi32, #tpu.memory_space<vmem>>, vector<1x16xi32>,
        %swap3A_235 = vector.shape_cast %swap3A_234 : vector<1x16xi32> to vector<16xi32>
        %swap3A_236 = vector.shape_cast %shift_right_arithmetic3A_231 : vector<16xi32> to vector<1x16xi32>
        tpu.vector_store %arg7[%swap3A_232, %swap3A_233], %swap3A_236 {strides = array<i32>} : memref<3x80xi32, #tpu.memory_space<vmem>>, vector<1x16xi32>,
        %dma_start3A_237 = arith.constant 0 : i32
        %dma_start3A_238 = arith.constant 0 : i32
        %dma_start3A_239 = tpu.memref_slice %arg9[%select_n3A_77, %dma_start3A_237, %dma_start3A_238] : memref<3x80x128xf32, #tpu.memory_space<vmem>> -> memref<1x80x128xf32, #tpu.memory_space<vmem>>
        %dma_start3A_240 = tpu.memref_squeeze %dma_start3A_239 : memref<1x80x128xf32, #tpu.memory_space<vmem>> -> memref<80x128xf32, #tpu.memory_space<vmem>>
        %dma_start3A_241 = arith.constant 0 : i32
        %dma_start3A_242 = tpu.memref_slice %arg6[%select_n3A_93, %dma_start3A_241] : memref<2x80xi32, #tpu.memory_space<vmem>> -> memref<1x80xi32, #tpu.memory_space<vmem>>
        %dma_start3A_243 = tpu.memref_squeeze %dma_start3A_242 : memref<1x80xi32, #tpu.memory_space<vmem>> -> memref<80xi32, #tpu.memory_space<vmem>>
        %dma_start3A_244 = arith.constant 0 : i32
        %dma_start3A_245 = arith.constant 0 : i32
        %dma_start3A_246 = tpu.memref_slice %arg2[%dma_start3A_244, %dma_start3A_245] : memref<10000x128xf32, #tpu.memory_space<hbm>> -> memref<10000x128xf32, #tpu.memory_space<hbm>>
        tpu.enqueue_indirect_dma source(%dma_start3A_246 : memref<10000x128xf32, #tpu.memory_space<hbm>>) target(%dma_start3A_240 : memref<80x128xf32, #tpu.memory_space<vmem>>) offsets(%dma_start3A_243 : memref<80xi32, #tpu.memory_space<vmem>>) semaphore(%arg13 : memref<!tpu.dma_semaphore, #tpu.memory_space<semaphore_mem>>)
        %mul3A_247 = arith.constant 125 : i32
        %mul3A_248 = arith.muli %add3A, %mul3A_247 : i32
        %add3A_249 = arith.addi %mul3A_248, %scan3A_67 : i32
        %mul3A_250 = arith.constant 40 : i32
        %mul3A_251 = arith.muli %add3A_249, %mul3A_250 : i32
        %dma_start3A_252 = arith.constant 0 : i32
        %dma_start3A_253 = arith.constant 0 : i32
        %dma_start3A_254 = tpu.memref_slice %arg10[%select_n3A_93, %dma_start3A_252, %dma_start3A_253] : memref<2x40x128xi32, #tpu.memory_space<vmem>> -> memref<1x40x128xi32, #tpu.memory_space<vmem>>
        %dma_start3A_255 = tpu.memref_squeeze %dma_start3A_254 : memref<1x40x128xi32, #tpu.memory_space<vmem>> -> memref<40x128xi32, #tpu.memory_space<vmem>>
        %dma_start3A_256 = arith.constant 0 : i32
        %dma_start3A_257 = tpu.memref_slice %arg3[%mul3A_251, %dma_start3A_256] : memref<160000x128xi32, #tpu.memory_space<hbm>> -> memref<40x128xi32, #tpu.memory_space<hbm>>
        %dma_start3A_258 = arith.constant 0 : i32
        %dma_start3A_259 = arith.constant 0 : i32
        %dma_start3A_260 = tpu.memref_slice %arg10[%select_n3A_93, %dma_start3A_258, %dma_start3A_259] : memref<2x40x128xi32, #tpu.memory_space<vmem>> -> memref<1x40x128xi32, #tpu.memory_space<vmem>>
        %dma_start3A_261 = tpu.memref_squeeze %dma_start3A_260 : memref<1x40x128xi32, #tpu.memory_space<vmem>> -> memref<40x128xi32, #tpu.memory_space<vmem>>
        %dma_start3A_262 = arith.constant 0 : i32
        %dma_start3A_263 = tpu.memref_slice %arg3[%mul3A_251, %dma_start3A_262] : memref<160000x128xi32, #tpu.memory_space<hbm>> -> memref<40x128xi32, #tpu.memory_space<hbm>>
        tpu.enqueue_dma source(%dma_start3A_263 : memref<40x128xi32, #tpu.memory_space<hbm>>) target(%dma_start3A_261 : memref<40x128xi32, #tpu.memory_space<vmem>>) target_semaphore(%arg14 : memref<!tpu.dma_semaphore, #tpu.memory_space<semaphore_mem>>)
      } else {
      }
      %ge3A_101 = arith.constant 1 : i32
      %ge3A_102 = arith.cmpi sge, %scan3A_67, %ge3A_101 : i32
      %convert_element_type3A_103 = arith.extui %ge3A_102 : i1 to i32
      %cond3A_104 = arith.constant 0 : i32
      %cond3A_105 = arith.cmpi ne, %convert_element_type3A_103, %cond3A_104 : i32
      scf.if %cond3A_105 {
        %sub3A = arith.constant 1 : i32
        %sub3A_107 = arith.subi %scan3A_67, %sub3A : i32
        %jit3A_108 = arith.constant 3 : i32
        %eq3A_109 = arith.constant 0 : i32
        %eq3A_110 = arith.cmpi eq, %jit3A_108, %eq3A_109 : i32
        %jit3A_111 = arith.constant 1 : i32
        %select_n3A_112 = arith.select %eq3A_110, %jit3A_111, %jit3A_108 : i32
        %rem3A_113 = arith.remsi %sub3A_107, %select_n3A_112 : i32
        %ne3A_114 = arith.constant 0 : i32
        %ne3A_115 = arith.cmpi ne, %rem3A_113, %ne3A_114 : i32
        %lt3A_116 = arith.constant 0 : i32
        %lt3A_117 = arith.cmpi slt, %rem3A_113, %lt3A_116 : i32
        %lt3A_118 = arith.constant 0 : i32
        %lt3A_119 = arith.cmpi slt, %select_n3A_112, %lt3A_118 : i32
        %ne3A_120 = arith.xori %lt3A_117, %lt3A_119 : i1
        %and3A_121 = arith.andi %ne3A_120, %ne3A_115 : i1
        %add3A_122 = arith.addi %rem3A_113, %select_n3A_112 : i32
        %select_n3A_123 = arith.select %and3A_121, %add3A_122, %rem3A_113 : i32
        %sub3A_124 = arith.constant 1 : i32
        %sub3A_125 = arith.subi %scan3A_67, %sub3A_124 : i32
        %jit3A_126 = arith.constant 2 : i32
        %eq3A_127 = arith.constant 0 : i32
        %eq3A_128 = arith.cmpi eq, %jit3A_126, %eq3A_127 : i32
        %jit3A_129 = arith.constant 1 : i32
        %select_n3A_130 = arith.select %eq3A_128, %jit3A_129, %jit3A_126 : i32
        %rem3A_131 = arith.remsi %sub3A_125, %select_n3A_130 : i32
        %ne3A_132 = arith.constant 0 : i32
        %ne3A_133 = arith.cmpi ne, %rem3A_131, %ne3A_132 : i32
        %lt3A_134 = arith.constant 0 : i32
        %lt3A_135 = arith.cmpi slt, %rem3A_131, %lt3A_134 : i32
        %lt3A_136 = arith.constant 0 : i32
        %lt3A_137 = arith.cmpi slt, %select_n3A_130, %lt3A_136 : i32
        %ne3A_138 = arith.xori %lt3A_135, %lt3A_137 : i1
        %and3A_139 = arith.andi %ne3A_138, %ne3A_133 : i1
        %add3A_140 = arith.addi %rem3A_131, %select_n3A_130 : i32
        %select_n3A_141 = arith.select %and3A_139, %add3A_140, %rem3A_131 : i32
        %dma_wait3A_142 = arith.constant 0 : i32
        %dma_wait3A_143 = arith.constant 0 : i32
        %dma_wait3A_144 = tpu.memref_slice %arg9[%select_n3A_123, %dma_wait3A_142, %dma_wait3A_143] : memref<3x80x128xf32, #tpu.memory_space<vmem>> -> memref<1x80x128xf32, #tpu.memory_space<vmem>>
        %dma_wait3A_145 = tpu.memref_squeeze %dma_wait3A_144 : memref<1x80x128xf32, #tpu.memory_space<vmem>> -> memref<80x128xf32, #tpu.memory_space<vmem>>
        %dma_wait3A_146 = arith.constant 0 : i32
        %dma_wait3A_147 = tpu.memref_slice %arg6[%select_n3A_141, %dma_wait3A_146] : memref<2x80xi32, #tpu.memory_space<vmem>> -> memref<1x80xi32, #tpu.memory_space<vmem>>
        %dma_wait3A_148 = tpu.memref_squeeze %dma_wait3A_147 : memref<1x80xi32, #tpu.memory_space<vmem>> -> memref<80xi32, #tpu.memory_space<vmem>>
        %dma_wait3A_149 = arith.constant 0 : i32
        %dma_wait3A_150 = arith.constant 0 : i32
        %dma_wait3A_151 = tpu.memref_slice %arg2[%dma_wait3A_149, %dma_wait3A_150] : memref<10000x128xf32, #tpu.memory_space<hbm>> -> memref<10000x128xf32, #tpu.memory_space<hbm>>
        tpu.wait_indirect_dma semaphore(%arg13 : memref<!tpu.dma_semaphore, #tpu.memory_space<semaphore_mem>>) src(%dma_wait3A_151 : memref<10000x128xf32, #tpu.memory_space<hbm>>) dst(%dma_wait3A_145 : memref<80x128xf32, #tpu.memory_space<vmem>>)
        %dma_wait3A_152 = arith.constant 0 : i32
        %dma_wait3A_153 = arith.constant 0 : i32
        %dma_wait3A_154 = tpu.memref_slice %arg10[%select_n3A_141, %dma_wait3A_152, %dma_wait3A_153] : memref<2x40x128xi32, #tpu.memory_space<vmem>> -> memref<1x40x128xi32, #tpu.memory_space<vmem>>
        %dma_wait3A_155 = tpu.memref_squeeze %dma_wait3A_154 : memref<1x40x128xi32, #tpu.memory_space<vmem>> -> memref<40x128xi32, #tpu.memory_space<vmem>>
        %dma_wait3A_156 = arith.constant 0 : i32
        %dma_wait3A_157 = arith.constant 0 : i32
        %dma_wait3A_158 = tpu.memref_slice %arg3[%dma_wait3A_156, %dma_wait3A_157] : memref<160000x128xi32, #tpu.memory_space<hbm>> -> memref<40x128xi32, #tpu.memory_space<hbm>>
        %dma_wait3A_159 = arith.constant 0 : i32
        %dma_wait3A_160 = arith.constant 0 : i32
        %dma_wait3A_161 = tpu.memref_slice %arg10[%select_n3A_141, %dma_wait3A_159, %dma_wait3A_160] : memref<2x40x128xi32, #tpu.memory_space<vmem>> -> memref<1x40x128xi32, #tpu.memory_space<vmem>>
        %dma_wait3A_162 = tpu.memref_squeeze %dma_wait3A_161 : memref<1x40x128xi32, #tpu.memory_space<vmem>> -> memref<40x128xi32, #tpu.memory_space<vmem>>
        %dma_wait3A_163 = arith.constant 0 : i32
        %dma_wait3A_164 = arith.constant 0 : i32
        %dma_wait3A_165 = tpu.memref_slice %arg3[%dma_wait3A_163, %dma_wait3A_164] : memref<160000x128xi32, #tpu.memory_space<hbm>> -> memref<40x128xi32, #tpu.memory_space<hbm>>
        tpu.wait_dma2 semaphore(%arg14 : memref<!tpu.dma_semaphore, #tpu.memory_space<semaphore_mem>>) src(%dma_wait3A_165 : memref<40x128xi32, #tpu.memory_space<hbm>>) dst(%dma_wait3A_162 : memref<40x128xi32, #tpu.memory_space<vmem>>)
        %parallel_loop3A = arith.constant 0 : i32
        %parallel_loop3A_166 = arith.constant 40 : i32
        %parallel_loop3A_167 = arith.constant 1 : i32
        scf.for %parallel_loop3A_178 = %parallel_loop3A to %parallel_loop3A_166 step %parallel_loop3A_167  : i32 {
          %parallel_loop3A_179 = arith.index_cast %select_n3A_141 : i32 to index
          %parallel_loop3A_180 = arith.index_cast %parallel_loop3A_178 : i32 to index
          %parallel_loop3A_181 = arith.constant 0 : index
          %parallel_loop3A_182 = tpu.vector_load %arg10[%parallel_loop3A_179, %parallel_loop3A_180, %parallel_loop3A_181] {strides = array<i32>} : memref<2x40x128xi32, #tpu.memory_space<vmem>>, vector<1x1x16xi32>,
          %parallel_loop3A_183 = vector.shape_cast %parallel_loop3A_182 : vector<1x1x16xi32> to vector<16xi32>
          %parallel_loop3A_184 = arith.index_cast %select_n3A_141 : i32 to index
          %parallel_loop3A_185 = arith.index_cast %parallel_loop3A_178 : i32 to index
          %parallel_loop3A_186 = arith.constant 16 : index
          %parallel_loop3A_187 = tpu.vector_load %arg10[%parallel_loop3A_184, %parallel_loop3A_185, %parallel_loop3A_186] {strides = array<i32>} : memref<2x40x128xi32, #tpu.memory_space<vmem>>, vector<1x1x16xi32>,
          %parallel_loop3A_188 = vector.shape_cast %parallel_loop3A_187 : vector<1x1x16xi32> to vector<16xi32>
          %parallel_loop3A_189 = arith.index_cast %select_n3A_141 : i32 to index
          %parallel_loop3A_190 = arith.index_cast %parallel_loop3A_178 : i32 to index
          %parallel_loop3A_191 = arith.constant 32 : index
          %parallel_loop3A_192 = tpu.vector_load %arg10[%parallel_loop3A_189, %parallel_loop3A_190, %parallel_loop3A_191] {strides = array<i32>} : memref<2x40x128xi32, #tpu.memory_space<vmem>>, vector<1x1x16xi32>,
          %parallel_loop3A_193 = vector.shape_cast %parallel_loop3A_192 : vector<1x1x16xi32> to vector<16xi32>
          %parallel_loop3A_194 = arith.index_cast %select_n3A_141 : i32 to index
          %parallel_loop3A_195 = arith.index_cast %parallel_loop3A_178 : i32 to index
          %parallel_loop3A_196 = arith.constant 48 : index
          %parallel_loop3A_197 = tpu.vector_load %arg10[%parallel_loop3A_194, %parallel_loop3A_195, %parallel_loop3A_196] {strides = array<i32>} : memref<2x40x128xi32, #tpu.memory_space<vmem>>, vector<1x1x16xi32>,
          %parallel_loop3A_198 = vector.shape_cast %parallel_loop3A_197 : vector<1x1x16xi32> to vector<16xi32>
          %parallel_loop3A_199 = arith.index_cast %select_n3A_141 : i32 to index
          %parallel_loop3A_200 = arith.index_cast %parallel_loop3A_178 : i32 to index
          %parallel_loop3A_201 = arith.constant 64 : index
          %parallel_loop3A_202 = tpu.vector_load %arg10[%parallel_loop3A_199, %parallel_loop3A_200, %parallel_loop3A_201] {strides = array<i32>} : memref<2x40x128xi32, #tpu.memory_space<vmem>>, vector<1x1x16xi32>,
          %parallel_loop3A_203 = vector.shape_cast %parallel_loop3A_202 : vector<1x1x16xi32> to vector<16xi32>
          %parallel_loop3A_204 = arith.index_cast %select_n3A_141 : i32 to index
          %parallel_loop3A_205 = arith.index_cast %parallel_loop3A_178 : i32 to index
          %parallel_loop3A_206 = arith.constant 80 : index
          %parallel_loop3A_207 = tpu.vector_load %arg10[%parallel_loop3A_204, %parallel_loop3A_205, %parallel_loop3A_206] {strides = array<i32>} : memref<2x40x128xi32, #tpu.memory_space<vmem>>, vector<1x1x16xi32>,
          %parallel_loop3A_208 = vector.shape_cast %parallel_loop3A_207 : vector<1x1x16xi32> to vector<16xi32>
          %parallel_loop3A_209 = arith.index_cast %select_n3A_141 : i32 to index
          %parallel_loop3A_210 = arith.index_cast %parallel_loop3A_178 : i32 to index
          %parallel_loop3A_211 = arith.constant 96 : index
          %parallel_loop3A_212 = tpu.vector_load %arg10[%parallel_loop3A_209, %parallel_loop3A_210, %parallel_loop3A_211] {strides = array<i32>} : memref<2x40x128xi32, #tpu.memory_space<vmem>>, vector<1x1x16xi32>,
          %parallel_loop3A_213 = vector.shape_cast %parallel_loop3A_212 : vector<1x1x16xi32> to vector<16xi32>
          %parallel_loop3A_214 = arith.index_cast %select_n3A_141 : i32 to index
          %parallel_loop3A_215 = arith.index_cast %parallel_loop3A_178 : i32 to index
          %parallel_loop3A_216 = arith.constant 112 : index
          %parallel_loop3A_217 = tpu.vector_load %arg10[%parallel_loop3A_214, %parallel_loop3A_215, %parallel_loop3A_216] {strides = array<i32>} : memref<2x40x128xi32, #tpu.memory_space<vmem>>, vector<1x1x16xi32>,
          %parallel_loop3A_218 = vector.shape_cast %parallel_loop3A_217 : vector<1x1x16xi32> to vector<16xi32>
          %parallel_loop3A_219 = arith.constant 2 : i32
          %parallel_loop3A_220 = arith.muli %parallel_loop3A_219, %parallel_loop3A_178 : i32
          %parallel_loop3A_221 = arith.index_cast %select_n3A_123 : i32 to index
          %parallel_loop3A_222 = arith.index_cast %parallel_loop3A_220 : i32 to index
          %parallel_loop3A_223 = arith.constant 0 : index
          %parallel_loop3A_224 = tpu.vector_load %arg9[%parallel_loop3A_221, %parallel_loop3A_222, %parallel_loop3A_223] {strides = array<i32>} : memref<3x80x128xf32, #tpu.memory_space<vmem>>, vector<1x1x16xf32>,
          %parallel_loop3A_225 = vector.shape_cast %parallel_loop3A_224 : vector<1x1x16xf32> to vector<16xf32>
          %parallel_loop3A_226 = arith.constant 2 : i32
          %parallel_loop3A_227 = arith.muli %parallel_loop3A_226, %parallel_loop3A_178 : i32
          %parallel_loop3A_228 = arith.index_cast %select_n3A_123 : i32 to index
          %parallel_loop3A_229 = arith.index_cast %parallel_loop3A_227 : i32 to index
          %parallel_loop3A_230 = arith.constant 16 : index
          %parallel_loop3A_231 = tpu.vector_load %arg9[%parallel_loop3A_228, %parallel_loop3A_229, %parallel_loop3A_230] {strides = array<i32>} : memref<3x80x128xf32, #tpu.memory_space<vmem>>, vector<1x1x16xf32>,
          %parallel_loop3A_232 = vector.shape_cast %parallel_loop3A_231 : vector<1x1x16xf32> to vector<16xf32>
          %parallel_loop3A_233 = arith.constant 2 : i32
          %parallel_loop3A_234 = arith.muli %parallel_loop3A_233, %parallel_loop3A_178 : i32
          %parallel_loop3A_235 = arith.index_cast %select_n3A_123 : i32 to index
          %parallel_loop3A_236 = arith.index_cast %parallel_loop3A_234 : i32 to index
          %parallel_loop3A_237 = arith.constant 32 : index
          %parallel_loop3A_238 = tpu.vector_load %arg9[%parallel_loop3A_235, %parallel_loop3A_236, %parallel_loop3A_237] {strides = array<i32>} : memref<3x80x128xf32, #tpu.memory_space<vmem>>, vector<1x1x16xf32>,
          %parallel_loop3A_239 = vector.shape_cast %parallel_loop3A_238 : vector<1x1x16xf32> to vector<16xf32>
          %parallel_loop3A_240 = arith.constant 2 : i32
          %parallel_loop3A_241 = arith.muli %parallel_loop3A_240, %parallel_loop3A_178 : i32
          %parallel_loop3A_242 = arith.index_cast %select_n3A_123 : i32 to index
          %parallel_loop3A_243 = arith.index_cast %parallel_loop3A_241 : i32 to index
          %parallel_loop3A_244 = arith.constant 48 : index
          %parallel_loop3A_245 = tpu.vector_load %arg9[%parallel_loop3A_242, %parallel_loop3A_243, %parallel_loop3A_244] {strides = array<i32>} : memref<3x80x128xf32, #tpu.memory_space<vmem>>, vector<1x1x16xf32>,
          %parallel_loop3A_246 = vector.shape_cast %parallel_loop3A_245 : vector<1x1x16xf32> to vector<16xf32>
          %parallel_loop3A_247 = arith.constant 2 : i32
          %parallel_loop3A_248 = arith.muli %parallel_loop3A_247, %parallel_loop3A_178 : i32
          %parallel_loop3A_249 = arith.index_cast %select_n3A_123 : i32 to index
          %parallel_loop3A_250 = arith.index_cast %parallel_loop3A_248 : i32 to index
          %parallel_loop3A_251 = arith.constant 64 : index
          %parallel_loop3A_252 = tpu.vector_load %arg9[%parallel_loop3A_249, %parallel_loop3A_250, %parallel_loop3A_251] {strides = array<i32>} : memref<3x80x128xf32, #tpu.memory_space<vmem>>, vector<1x1x16xf32>,
          %parallel_loop3A_253 = vector.shape_cast %parallel_loop3A_252 : vector<1x1x16xf32> to vector<16xf32>
          %parallel_loop3A_254 = arith.constant 2 : i32
          %parallel_loop3A_255 = arith.muli %parallel_loop3A_254, %parallel_loop3A_178 : i32
          %parallel_loop3A_256 = arith.index_cast %select_n3A_123 : i32 to index
          %parallel_loop3A_257 = arith.index_cast %parallel_loop3A_255 : i32 to index
          %parallel_loop3A_258 = arith.constant 80 : index
          %parallel_loop3A_259 = tpu.vector_load %arg9[%parallel_loop3A_256, %parallel_loop3A_257, %parallel_loop3A_258] {strides = array<i32>} : memref<3x80x128xf32, #tpu.memory_space<vmem>>, vector<1x1x16xf32>,
          %parallel_loop3A_260 = vector.shape_cast %parallel_loop3A_259 : vector<1x1x16xf32> to vector<16xf32>
          %parallel_loop3A_261 = arith.constant 2 : i32
          %parallel_loop3A_262 = arith.muli %parallel_loop3A_261, %parallel_loop3A_178 : i32
          %parallel_loop3A_263 = arith.index_cast %select_n3A_123 : i32 to index
          %parallel_loop3A_264 = arith.index_cast %parallel_loop3A_262 : i32 to index
          %parallel_loop3A_265 = arith.constant 96 : index
          %parallel_loop3A_266 = tpu.vector_load %arg9[%parallel_loop3A_263, %parallel_loop3A_264, %parallel_loop3A_265] {strides = array<i32>} : memref<3x80x128xf32, #tpu.memory_space<vmem>>, vector<1x1x16xf32>,
          %parallel_loop3A_267 = vector.shape_cast %parallel_loop3A_266 : vector<1x1x16xf32> to vector<16xf32>
          %parallel_loop3A_268 = arith.constant 2 : i32
          %parallel_loop3A_269 = arith.muli %parallel_loop3A_268, %parallel_loop3A_178 : i32
          %parallel_loop3A_270 = arith.index_cast %select_n3A_123 : i32 to index
          %parallel_loop3A_271 = arith.index_cast %parallel_loop3A_269 : i32 to index
          %parallel_loop3A_272 = arith.constant 112 : index
          %parallel_loop3A_273 = tpu.vector_load %arg9[%parallel_loop3A_270, %parallel_loop3A_271, %parallel_loop3A_272] {strides = array<i32>} : memref<3x80x128xf32, #tpu.memory_space<vmem>>, vector<1x1x16xf32>,
          %parallel_loop3A_274 = vector.shape_cast %parallel_loop3A_273 : vector<1x1x16xf32> to vector<16xf32>
          %parallel_loop3A_275 = arith.constant 2 : i32
          %parallel_loop3A_276 = arith.muli %parallel_loop3A_275, %parallel_loop3A_178 : i32
          %parallel_loop3A_277 = arith.constant 1 : i32
          %parallel_loop3A_278 = arith.addi %parallel_loop3A_276, %parallel_loop3A_277 : i32
          %parallel_loop3A_279 = arith.index_cast %select_n3A_123 : i32 to index
          %parallel_loop3A_280 = arith.index_cast %parallel_loop3A_278 : i32 to index
          %parallel_loop3A_281 = arith.constant 0 : index
          %parallel_loop3A_282 = tpu.vector_load %arg9[%parallel_loop3A_279, %parallel_loop3A_280, %parallel_loop3A_281] {strides = array<i32>} : memref<3x80x128xf32, #tpu.memory_space<vmem>>, vector<1x1x16xf32>,
          %parallel_loop3A_283 = vector.shape_cast %parallel_loop3A_282 : vector<1x1x16xf32> to vector<16xf32>
          %parallel_loop3A_284 = arith.constant 2 : i32
          %parallel_loop3A_285 = arith.muli %parallel_loop3A_284, %parallel_loop3A_178 : i32
          %parallel_loop3A_286 = arith.constant 1 : i32
          %parallel_loop3A_287 = arith.addi %parallel_loop3A_285, %parallel_loop3A_286 : i32
          %parallel_loop3A_288 = arith.index_cast %select_n3A_123 : i32 to index
          %parallel_loop3A_289 = arith.index_cast %parallel_loop3A_287 : i32 to index
          %parallel_loop3A_290 = arith.constant 16 : index
          %parallel_loop3A_291 = tpu.vector_load %arg9[%parallel_loop3A_288, %parallel_loop3A_289, %parallel_loop3A_290] {strides = array<i32>} : memref<3x80x128xf32, #tpu.memory_space<vmem>>, vector<1x1x16xf32>,
          %parallel_loop3A_292 = vector.shape_cast %parallel_loop3A_291 : vector<1x1x16xf32> to vector<16xf32>
          %parallel_loop3A_293 = arith.constant 2 : i32
          %parallel_loop3A_294 = arith.muli %parallel_loop3A_293, %parallel_loop3A_178 : i32
          %parallel_loop3A_295 = arith.constant 1 : i32
          %parallel_loop3A_296 = arith.addi %parallel_loop3A_294, %parallel_loop3A_295 : i32
          %parallel_loop3A_297 = arith.index_cast %select_n3A_123 : i32 to index
          %parallel_loop3A_298 = arith.index_cast %parallel_loop3A_296 : i32 to index
          %parallel_loop3A_299 = arith.constant 32 : index
          %parallel_loop3A_300 = tpu.vector_load %arg9[%parallel_loop3A_297, %parallel_loop3A_298, %parallel_loop3A_299] {strides = array<i32>} : memref<3x80x128xf32, #tpu.memory_space<vmem>>, vector<1x1x16xf32>,
          %parallel_loop3A_301 = vector.shape_cast %parallel_loop3A_300 : vector<1x1x16xf32> to vector<16xf32>
          %parallel_loop3A_302 = arith.constant 2 : i32
          %parallel_loop3A_303 = arith.muli %parallel_loop3A_302, %parallel_loop3A_178 : i32
          %parallel_loop3A_304 = arith.constant 1 : i32
          %parallel_loop3A_305 = arith.addi %parallel_loop3A_303, %parallel_loop3A_304 : i32
          %parallel_loop3A_306 = arith.index_cast %select_n3A_123 : i32 to index
          %parallel_loop3A_307 = arith.index_cast %parallel_loop3A_305 : i32 to index
          %parallel_loop3A_308 = arith.constant 48 : index
          %parallel_loop3A_309 = tpu.vector_load %arg9[%parallel_loop3A_306, %parallel_loop3A_307, %parallel_loop3A_308] {strides = array<i32>} : memref<3x80x128xf32, #tpu.memory_space<vmem>>, vector<1x1x16xf32>,
          %parallel_loop3A_310 = vector.shape_cast %parallel_loop3A_309 : vector<1x1x16xf32> to vector<16xf32>
          %parallel_loop3A_311 = arith.constant 2 : i32
          %parallel_loop3A_312 = arith.muli %parallel_loop3A_311, %parallel_loop3A_178 : i32
          %parallel_loop3A_313 = arith.constant 1 : i32
          %parallel_loop3A_314 = arith.addi %parallel_loop3A_312, %parallel_loop3A_313 : i32
          %parallel_loop3A_315 = arith.index_cast %select_n3A_123 : i32 to index
          %parallel_loop3A_316 = arith.index_cast %parallel_loop3A_314 : i32 to index
          %parallel_loop3A_317 = arith.constant 64 : index
          %parallel_loop3A_318 = tpu.vector_load %arg9[%parallel_loop3A_315, %parallel_loop3A_316, %parallel_loop3A_317] {strides = array<i32>} : memref<3x80x128xf32, #tpu.memory_space<vmem>>, vector<1x1x16xf32>,
          %parallel_loop3A_319 = vector.shape_cast %parallel_loop3A_318 : vector<1x1x16xf32> to vector<16xf32>
          %parallel_loop3A_320 = arith.constant 2 : i32
          %parallel_loop3A_321 = arith.muli %parallel_loop3A_320, %parallel_loop3A_178 : i32
          %parallel_loop3A_322 = arith.constant 1 : i32
          %parallel_loop3A_323 = arith.addi %parallel_loop3A_321, %parallel_loop3A_322 : i32
          %parallel_loop3A_324 = arith.index_cast %select_n3A_123 : i32 to index
          %parallel_loop3A_325 = arith.index_cast %parallel_loop3A_323 : i32 to index
          %parallel_loop3A_326 = arith.constant 80 : index
          %parallel_loop3A_327 = tpu.vector_load %arg9[%parallel_loop3A_324, %parallel_loop3A_325, %parallel_loop3A_326] {strides = array<i32>} : memref<3x80x128xf32, #tpu.memory_space<vmem>>, vector<1x1x16xf32>,
          %parallel_loop3A_328 = vector.shape_cast %parallel_loop3A_327 : vector<1x1x16xf32> to vector<16xf32>
          %parallel_loop3A_329 = arith.constant 2 : i32
          %parallel_loop3A_330 = arith.muli %parallel_loop3A_329, %parallel_loop3A_178 : i32
          %parallel_loop3A_331 = arith.constant 1 : i32
          %parallel_loop3A_332 = arith.addi %parallel_loop3A_330, %parallel_loop3A_331 : i32
          %parallel_loop3A_333 = arith.index_cast %select_n3A_123 : i32 to index
          %parallel_loop3A_334 = arith.index_cast %parallel_loop3A_332 : i32 to index
          %parallel_loop3A_335 = arith.constant 96 : index
          %parallel_loop3A_336 = tpu.vector_load %arg9[%parallel_loop3A_333, %parallel_loop3A_334, %parallel_loop3A_335] {strides = array<i32>} : memref<3x80x128xf32, #tpu.memory_space<vmem>>, vector<1x1x16xf32>,
          %parallel_loop3A_337 = vector.shape_cast %parallel_loop3A_336 : vector<1x1x16xf32> to vector<16xf32>
          %parallel_loop3A_338 = arith.constant 2 : i32
          %parallel_loop3A_339 = arith.muli %parallel_loop3A_338, %parallel_loop3A_178 : i32
          %parallel_loop3A_340 = arith.constant 1 : i32
          %parallel_loop3A_341 = arith.addi %parallel_loop3A_339, %parallel_loop3A_340 : i32
          %parallel_loop3A_342 = arith.index_cast %select_n3A_123 : i32 to index
          %parallel_loop3A_343 = arith.index_cast %parallel_loop3A_341 : i32 to index
          %parallel_loop3A_344 = arith.constant 112 : index
          %parallel_loop3A_345 = tpu.vector_load %arg9[%parallel_loop3A_342, %parallel_loop3A_343, %parallel_loop3A_344] {strides = array<i32>} : memref<3x80x128xf32, #tpu.memory_space<vmem>>, vector<1x1x16xf32>,
          %parallel_loop3A_346 = vector.shape_cast %parallel_loop3A_345 : vector<1x1x16xf32> to vector<16xf32>
          %parallel_loop3A_347 = arith.constant 16 : i32
          %parallel_loop3A_348 = vector.broadcast %parallel_loop3A_347 : i32 to vector<16xi32>
          %parallel_loop3A_349 = arith.shli %parallel_loop3A_183, %parallel_loop3A_348 : vector<16xi32>
          %parallel_loop3A_350 = tpu.bitcast %parallel_loop3A_349 : vector<16xi32> -> vector<16xf32>
          %parallel_loop3A_351 = arith.constant -65536 : i32
          %parallel_loop3A_352 = vector.broadcast %parallel_loop3A_351 : i32 to vector<16xi32>
          %parallel_loop3A_353 = arith.andi %parallel_loop3A_183, %parallel_loop3A_352 : vector<16xi32>
          %parallel_loop3A_354 = tpu.bitcast %parallel_loop3A_353 : vector<16xi32> -> vector<16xf32>
          %parallel_loop3A_355 = arith.mulf %parallel_loop3A_225, %parallel_loop3A_350 : vector<16xf32>
          %parallel_loop3A_356 = arith.constant 2 : i32
          %parallel_loop3A_357 = arith.muli %parallel_loop3A_356, %parallel_loop3A_178 : i32
          %parallel_loop3A_358 = arith.index_cast %select_n3A_123 : i32 to index
          %parallel_loop3A_359 = arith.index_cast %parallel_loop3A_357 : i32 to index
          %parallel_loop3A_360 = arith.constant 0 : index
          %parallel_loop3A_361 = tpu.vector_load %arg9[%parallel_loop3A_358, %parallel_loop3A_359, %parallel_loop3A_360] {strides = array<i32>} : memref<3x80x128xf32, #tpu.memory_space<vmem>>, vector<1x1x16xf32>,
          %parallel_loop3A_362 = vector.shape_cast %parallel_loop3A_361 : vector<1x1x16xf32> to vector<16xf32>
          %parallel_loop3A_363 = vector.shape_cast %parallel_loop3A_355 : vector<16xf32> to vector<1x1x16xf32>
          tpu.vector_store %arg9[%parallel_loop3A_358, %parallel_loop3A_359, %parallel_loop3A_360], %parallel_loop3A_363 {strides = array<i32>} : memref<3x80x128xf32, #tpu.memory_space<vmem>>, vector<1x1x16xf32>,
          %parallel_loop3A_364 = arith.mulf %parallel_loop3A_283, %parallel_loop3A_354 : vector<16xf32>
          %parallel_loop3A_365 = arith.constant 2 : i32
          %parallel_loop3A_366 = arith.muli %parallel_loop3A_365, %parallel_loop3A_178 : i32
          %parallel_loop3A_367 = arith.constant 1 : i32
          %parallel_loop3A_368 = arith.addi %parallel_loop3A_366, %parallel_loop3A_367 : i32
          %parallel_loop3A_369 = arith.index_cast %select_n3A_123 : i32 to index
          %parallel_loop3A_370 = arith.index_cast %parallel_loop3A_368 : i32 to index
          %parallel_loop3A_371 = arith.constant 0 : index
          %parallel_loop3A_372 = tpu.vector_load %arg9[%parallel_loop3A_369, %parallel_loop3A_370, %parallel_loop3A_371] {strides = array<i32>} : memref<3x80x128xf32, #tpu.memory_space<vmem>>, vector<1x1x16xf32>,
          %parallel_loop3A_373 = vector.shape_cast %parallel_loop3A_372 : vector<1x1x16xf32> to vector<16xf32>
          %parallel_loop3A_374 = vector.shape_cast %parallel_loop3A_364 : vector<16xf32> to vector<1x1x16xf32>
          tpu.vector_store %arg9[%parallel_loop3A_369, %parallel_loop3A_370, %parallel_loop3A_371], %parallel_loop3A_374 {strides = array<i32>} : memref<3x80x128xf32, #tpu.memory_space<vmem>>, vector<1x1x16xf32>,
          %parallel_loop3A_375 = arith.constant 16 : i32
          %parallel_loop3A_376 = vector.broadcast %parallel_loop3A_375 : i32 to vector<16xi32>
          %parallel_loop3A_377 = arith.shli %parallel_loop3A_188, %parallel_loop3A_376 : vector<16xi32>
          %parallel_loop3A_378 = tpu.bitcast %parallel_loop3A_377 : vector<16xi32> -> vector<16xf32>
          %parallel_loop3A_379 = arith.constant -65536 : i32
          %parallel_loop3A_380 = vector.broadcast %parallel_loop3A_379 : i32 to vector<16xi32>
          %parallel_loop3A_381 = arith.andi %parallel_loop3A_188, %parallel_loop3A_380 : vector<16xi32>
          %parallel_loop3A_382 = tpu.bitcast %parallel_loop3A_381 : vector<16xi32> -> vector<16xf32>
          %parallel_loop3A_383 = arith.mulf %parallel_loop3A_232, %parallel_loop3A_378 : vector<16xf32>
          %parallel_loop3A_384 = arith.constant 2 : i32
          %parallel_loop3A_385 = arith.muli %parallel_loop3A_384, %parallel_loop3A_178 : i32
          %parallel_loop3A_386 = arith.index_cast %select_n3A_123 : i32 to index
          %parallel_loop3A_387 = arith.index_cast %parallel_loop3A_385 : i32 to index
          %parallel_loop3A_388 = arith.constant 16 : index
          %parallel_loop3A_389 = tpu.vector_load %arg9[%parallel_loop3A_386, %parallel_loop3A_387, %parallel_loop3A_388] {strides = array<i32>} : memref<3x80x128xf32, #tpu.memory_space<vmem>>, vector<1x1x16xf32>,
          %parallel_loop3A_390 = vector.shape_cast %parallel_loop3A_389 : vector<1x1x16xf32> to vector<16xf32>
          %parallel_loop3A_391 = vector.shape_cast %parallel_loop3A_383 : vector<16xf32> to vector<1x1x16xf32>
          tpu.vector_store %arg9[%parallel_loop3A_386, %parallel_loop3A_387, %parallel_loop3A_388], %parallel_loop3A_391 {strides = array<i32>} : memref<3x80x128xf32, #tpu.memory_space<vmem>>, vector<1x1x16xf32>,
          %parallel_loop3A_392 = arith.mulf %parallel_loop3A_292, %parallel_loop3A_382 : vector<16xf32>
          %parallel_loop3A_393 = arith.constant 2 : i32
          %parallel_loop3A_394 = arith.muli %parallel_loop3A_393, %parallel_loop3A_178 : i32
          %parallel_loop3A_395 = arith.constant 1 : i32
          %parallel_loop3A_396 = arith.addi %parallel_loop3A_394, %parallel_loop3A_395 : i32
          %parallel_loop3A_397 = arith.index_cast %select_n3A_123 : i32 to index
          %parallel_loop3A_398 = arith.index_cast %parallel_loop3A_396 : i32 to index
          %parallel_loop3A_399 = arith.constant 16 : index
          %parallel_loop3A_400 = tpu.vector_load %arg9[%parallel_loop3A_397, %parallel_loop3A_398, %parallel_loop3A_399] {strides = array<i32>} : memref<3x80x128xf32, #tpu.memory_space<vmem>>, vector<1x1x16xf32>,
          %parallel_loop3A_401 = vector.shape_cast %parallel_loop3A_400 : vector<1x1x16xf32> to vector<16xf32>
          %parallel_loop3A_402 = vector.shape_cast %parallel_loop3A_392 : vector<16xf32> to vector<1x1x16xf32>
          tpu.vector_store %arg9[%parallel_loop3A_397, %parallel_loop3A_398, %parallel_loop3A_399], %parallel_loop3A_402 {strides = array<i32>} : memref<3x80x128xf32, #tpu.memory_space<vmem>>, vector<1x1x16xf32>,
          %parallel_loop3A_403 = arith.constant 16 : i32
          %parallel_loop3A_404 = vector.broadcast %parallel_loop3A_403 : i32 to vector<16xi32>
          %parallel_loop3A_405 = arith.shli %parallel_loop3A_193, %parallel_loop3A_404 : vector<16xi32>
          %parallel_loop3A_406 = tpu.bitcast %parallel_loop3A_405 : vector<16xi32> -> vector<16xf32>
          %parallel_loop3A_407 = arith.constant -65536 : i32
          %parallel_loop3A_408 = vector.broadcast %parallel_loop3A_407 : i32 to vector<16xi32>
          %parallel_loop3A_409 = arith.andi %parallel_loop3A_193, %parallel_loop3A_408 : vector<16xi32>
          %parallel_loop3A_410 = tpu.bitcast %parallel_loop3A_409 : vector<16xi32> -> vector<16xf32>
          %parallel_loop3A_411 = arith.mulf %parallel_loop3A_239, %parallel_loop3A_406 : vector<16xf32>
          %parallel_loop3A_412 = arith.constant 2 : i32
          %parallel_loop3A_413 = arith.muli %parallel_loop3A_412, %parallel_loop3A_178 : i32
          %parallel_loop3A_414 = arith.index_cast %select_n3A_123 : i32 to index
          %parallel_loop3A_415 = arith.index_cast %parallel_loop3A_413 : i32 to index
          %parallel_loop3A_416 = arith.constant 32 : index
          %parallel_loop3A_417 = tpu.vector_load %arg9[%parallel_loop3A_414, %parallel_loop3A_415, %parallel_loop3A_416] {strides = array<i32>} : memref<3x80x128xf32, #tpu.memory_space<vmem>>, vector<1x1x16xf32>,
          %parallel_loop3A_418 = vector.shape_cast %parallel_loop3A_417 : vector<1x1x16xf32> to vector<16xf32>
          %parallel_loop3A_419 = vector.shape_cast %parallel_loop3A_411 : vector<16xf32> to vector<1x1x16xf32>
          tpu.vector_store %arg9[%parallel_loop3A_414, %parallel_loop3A_415, %parallel_loop3A_416], %parallel_loop3A_419 {strides = array<i32>} : memref<3x80x128xf32, #tpu.memory_space<vmem>>, vector<1x1x16xf32>,
          %parallel_loop3A_420 = arith.mulf %parallel_loop3A_301, %parallel_loop3A_410 : vector<16xf32>
          %parallel_loop3A_421 = arith.constant 2 : i32
          %parallel_loop3A_422 = arith.muli %parallel_loop3A_421, %parallel_loop3A_178 : i32
          %parallel_loop3A_423 = arith.constant 1 : i32
          %parallel_loop3A_424 = arith.addi %parallel_loop3A_422, %parallel_loop3A_423 : i32
          %parallel_loop3A_425 = arith.index_cast %select_n3A_123 : i32 to index
          %parallel_loop3A_426 = arith.index_cast %parallel_loop3A_424 : i32 to index
          %parallel_loop3A_427 = arith.constant 32 : index
          %parallel_loop3A_428 = tpu.vector_load %arg9[%parallel_loop3A_425, %parallel_loop3A_426, %parallel_loop3A_427] {strides = array<i32>} : memref<3x80x128xf32, #tpu.memory_space<vmem>>, vector<1x1x16xf32>,
          %parallel_loop3A_429 = vector.shape_cast %parallel_loop3A_428 : vector<1x1x16xf32> to vector<16xf32>
          %parallel_loop3A_430 = vector.shape_cast %parallel_loop3A_420 : vector<16xf32> to vector<1x1x16xf32>
          tpu.vector_store %arg9[%parallel_loop3A_425, %parallel_loop3A_426, %parallel_loop3A_427], %parallel_loop3A_430 {strides = array<i32>} : memref<3x80x128xf32, #tpu.memory_space<vmem>>, vector<1x1x16xf32>,
          %parallel_loop3A_431 = arith.constant 16 : i32
          %parallel_loop3A_432 = vector.broadcast %parallel_loop3A_431 : i32 to vector<16xi32>
          %parallel_loop3A_433 = arith.shli %parallel_loop3A_198, %parallel_loop3A_432 : vector<16xi32>
          %parallel_loop3A_434 = tpu.bitcast %parallel_loop3A_433 : vector<16xi32> -> vector<16xf32>
          %parallel_loop3A_435 = arith.constant -65536 : i32
          %parallel_loop3A_436 = vector.broadcast %parallel_loop3A_435 : i32 to vector<16xi32>
          %parallel_loop3A_437 = arith.andi %parallel_loop3A_198, %parallel_loop3A_436 : vector<16xi32>
          %parallel_loop3A_438 = tpu.bitcast %parallel_loop3A_437 : vector<16xi32> -> vector<16xf32>
          %parallel_loop3A_439 = arith.mulf %parallel_loop3A_246, %parallel_loop3A_434 : vector<16xf32>
          %parallel_loop3A_440 = arith.constant 2 : i32
          %parallel_loop3A_441 = arith.muli %parallel_loop3A_440, %parallel_loop3A_178 : i32
          %parallel_loop3A_442 = arith.index_cast %select_n3A_123 : i32 to index
          %parallel_loop3A_443 = arith.index_cast %parallel_loop3A_441 : i32 to index
          %parallel_loop3A_444 = arith.constant 48 : index
          %parallel_loop3A_445 = tpu.vector_load %arg9[%parallel_loop3A_442, %parallel_loop3A_443, %parallel_loop3A_444] {strides = array<i32>} : memref<3x80x128xf32, #tpu.memory_space<vmem>>, vector<1x1x16xf32>,
          %parallel_loop3A_446 = vector.shape_cast %parallel_loop3A_445 : vector<1x1x16xf32> to vector<16xf32>
          %parallel_loop3A_447 = vector.shape_cast %parallel_loop3A_439 : vector<16xf32> to vector<1x1x16xf32>
          tpu.vector_store %arg9[%parallel_loop3A_442, %parallel_loop3A_443, %parallel_loop3A_444], %parallel_loop3A_447 {strides = array<i32>} : memref<3x80x128xf32, #tpu.memory_space<vmem>>, vector<1x1x16xf32>,
          %parallel_loop3A_448 = arith.mulf %parallel_loop3A_310, %parallel_loop3A_438 : vector<16xf32>
          %parallel_loop3A_449 = arith.constant 2 : i32
          %parallel_loop3A_450 = arith.muli %parallel_loop3A_449, %parallel_loop3A_178 : i32
          %parallel_loop3A_451 = arith.constant 1 : i32
          %parallel_loop3A_452 = arith.addi %parallel_loop3A_450, %parallel_loop3A_451 : i32
          %parallel_loop3A_453 = arith.index_cast %select_n3A_123 : i32 to index
          %parallel_loop3A_454 = arith.index_cast %parallel_loop3A_452 : i32 to index
          %parallel_loop3A_455 = arith.constant 48 : index
          %parallel_loop3A_456 = tpu.vector_load %arg9[%parallel_loop3A_453, %parallel_loop3A_454, %parallel_loop3A_455] {strides = array<i32>} : memref<3x80x128xf32, #tpu.memory_space<vmem>>, vector<1x1x16xf32>,
          %parallel_loop3A_457 = vector.shape_cast %parallel_loop3A_456 : vector<1x1x16xf32> to vector<16xf32>
          %parallel_loop3A_458 = vector.shape_cast %parallel_loop3A_448 : vector<16xf32> to vector<1x1x16xf32>
          tpu.vector_store %arg9[%parallel_loop3A_453, %parallel_loop3A_454, %parallel_loop3A_455], %parallel_loop3A_458 {strides = array<i32>} : memref<3x80x128xf32, #tpu.memory_space<vmem>>, vector<1x1x16xf32>,
          %parallel_loop3A_459 = arith.constant 16 : i32
          %parallel_loop3A_460 = vector.broadcast %parallel_loop3A_459 : i32 to vector<16xi32>
          %parallel_loop3A_461 = arith.shli %parallel_loop3A_203, %parallel_loop3A_460 : vector<16xi32>
          %parallel_loop3A_462 = tpu.bitcast %parallel_loop3A_461 : vector<16xi32> -> vector<16xf32>
          %parallel_loop3A_463 = arith.constant -65536 : i32
          %parallel_loop3A_464 = vector.broadcast %parallel_loop3A_463 : i32 to vector<16xi32>
          %parallel_loop3A_465 = arith.andi %parallel_loop3A_203, %parallel_loop3A_464 : vector<16xi32>
          %parallel_loop3A_466 = tpu.bitcast %parallel_loop3A_465 : vector<16xi32> -> vector<16xf32>
          %parallel_loop3A_467 = arith.mulf %parallel_loop3A_253, %parallel_loop3A_462 : vector<16xf32>
          %parallel_loop3A_468 = arith.constant 2 : i32
          %parallel_loop3A_469 = arith.muli %parallel_loop3A_468, %parallel_loop3A_178 : i32
          %parallel_loop3A_470 = arith.index_cast %select_n3A_123 : i32 to index
          %parallel_loop3A_471 = arith.index_cast %parallel_loop3A_469 : i32 to index
          %parallel_loop3A_472 = arith.constant 64 : index
          %parallel_loop3A_473 = tpu.vector_load %arg9[%parallel_loop3A_470, %parallel_loop3A_471, %parallel_loop3A_472] {strides = array<i32>} : memref<3x80x128xf32, #tpu.memory_space<vmem>>, vector<1x1x16xf32>,
          %parallel_loop3A_474 = vector.shape_cast %parallel_loop3A_473 : vector<1x1x16xf32> to vector<16xf32>
          %parallel_loop3A_475 = vector.shape_cast %parallel_loop3A_467 : vector<16xf32> to vector<1x1x16xf32>
          tpu.vector_store %arg9[%parallel_loop3A_470, %parallel_loop3A_471, %parallel_loop3A_472], %parallel_loop3A_475 {strides = array<i32>} : memref<3x80x128xf32, #tpu.memory_space<vmem>>, vector<1x1x16xf32>,
          %parallel_loop3A_476 = arith.mulf %parallel_loop3A_319, %parallel_loop3A_466 : vector<16xf32>
          %parallel_loop3A_477 = arith.constant 2 : i32
          %parallel_loop3A_478 = arith.muli %parallel_loop3A_477, %parallel_loop3A_178 : i32
          %parallel_loop3A_479 = arith.constant 1 : i32
          %parallel_loop3A_480 = arith.addi %parallel_loop3A_478, %parallel_loop3A_479 : i32
          %parallel_loop3A_481 = arith.index_cast %select_n3A_123 : i32 to index
          %parallel_loop3A_482 = arith.index_cast %parallel_loop3A_480 : i32 to index
          %parallel_loop3A_483 = arith.constant 64 : index
          %parallel_loop3A_484 = tpu.vector_load %arg9[%parallel_loop3A_481, %parallel_loop3A_482, %parallel_loop3A_483] {strides = array<i32>} : memref<3x80x128xf32, #tpu.memory_space<vmem>>, vector<1x1x16xf32>,
          %parallel_loop3A_485 = vector.shape_cast %parallel_loop3A_484 : vector<1x1x16xf32> to vector<16xf32>
          %parallel_loop3A_486 = vector.shape_cast %parallel_loop3A_476 : vector<16xf32> to vector<1x1x16xf32>
          tpu.vector_store %arg9[%parallel_loop3A_481, %parallel_loop3A_482, %parallel_loop3A_483], %parallel_loop3A_486 {strides = array<i32>} : memref<3x80x128xf32, #tpu.memory_space<vmem>>, vector<1x1x16xf32>,
          %parallel_loop3A_487 = arith.constant 16 : i32
          %parallel_loop3A_488 = vector.broadcast %parallel_loop3A_487 : i32 to vector<16xi32>
          %parallel_loop3A_489 = arith.shli %parallel_loop3A_208, %parallel_loop3A_488 : vector<16xi32>
          %parallel_loop3A_490 = tpu.bitcast %parallel_loop3A_489 : vector<16xi32> -> vector<16xf32>
          %parallel_loop3A_491 = arith.constant -65536 : i32
          %parallel_loop3A_492 = vector.broadcast %parallel_loop3A_491 : i32 to vector<16xi32>
          %parallel_loop3A_493 = arith.andi %parallel_loop3A_208, %parallel_loop3A_492 : vector<16xi32>
          %parallel_loop3A_494 = tpu.bitcast %parallel_loop3A_493 : vector<16xi32> -> vector<16xf32>
          %parallel_loop3A_495 = arith.mulf %parallel_loop3A_260, %parallel_loop3A_490 : vector<16xf32>
          %parallel_loop3A_496 = arith.constant 2 : i32
          %parallel_loop3A_497 = arith.muli %parallel_loop3A_496, %parallel_loop3A_178 : i32
          %parallel_loop3A_498 = arith.index_cast %select_n3A_123 : i32 to index
          %parallel_loop3A_499 = arith.index_cast %parallel_loop3A_497 : i32 to index
          %parallel_loop3A_500 = arith.constant 80 : index
          %parallel_loop3A_501 = tpu.vector_load %arg9[%parallel_loop3A_498, %parallel_loop3A_499, %parallel_loop3A_500] {strides = array<i32>} : memref<3x80x128xf32, #tpu.memory_space<vmem>>, vector<1x1x16xf32>,
          %parallel_loop3A_502 = vector.shape_cast %parallel_loop3A_501 : vector<1x1x16xf32> to vector<16xf32>
          %parallel_loop3A_503 = vector.shape_cast %parallel_loop3A_495 : vector<16xf32> to vector<1x1x16xf32>
          tpu.vector_store %arg9[%parallel_loop3A_498, %parallel_loop3A_499, %parallel_loop3A_500], %parallel_loop3A_503 {strides = array<i32>} : memref<3x80x128xf32, #tpu.memory_space<vmem>>, vector<1x1x16xf32>,
          %parallel_loop3A_504 = arith.mulf %parallel_loop3A_328, %parallel_loop3A_494 : vector<16xf32>
          %parallel_loop3A_505 = arith.constant 2 : i32
          %parallel_loop3A_506 = arith.muli %parallel_loop3A_505, %parallel_loop3A_178 : i32
          %parallel_loop3A_507 = arith.constant 1 : i32
          %parallel_loop3A_508 = arith.addi %parallel_loop3A_506, %parallel_loop3A_507 : i32
          %parallel_loop3A_509 = arith.index_cast %select_n3A_123 : i32 to index
          %parallel_loop3A_510 = arith.index_cast %parallel_loop3A_508 : i32 to index
          %parallel_loop3A_511 = arith.constant 80 : index
          %parallel_loop3A_512 = tpu.vector_load %arg9[%parallel_loop3A_509, %parallel_loop3A_510, %parallel_loop3A_511] {strides = array<i32>} : memref<3x80x128xf32, #tpu.memory_space<vmem>>, vector<1x1x16xf32>,
          %parallel_loop3A_513 = vector.shape_cast %parallel_loop3A_512 : vector<1x1x16xf32> to vector<16xf32>
          %parallel_loop3A_514 = vector.shape_cast %parallel_loop3A_504 : vector<16xf32> to vector<1x1x16xf32>
          tpu.vector_store %arg9[%parallel_loop3A_509, %parallel_loop3A_510, %parallel_loop3A_511], %parallel_loop3A_514 {strides = array<i32>} : memref<3x80x128xf32, #tpu.memory_space<vmem>>, vector<1x1x16xf32>,
          %parallel_loop3A_515 = arith.constant 16 : i32
          %parallel_loop3A_516 = vector.broadcast %parallel_loop3A_515 : i32 to vector<16xi32>
          %parallel_loop3A_517 = arith.shli %parallel_loop3A_213, %parallel_loop3A_516 : vector<16xi32>
          %parallel_loop3A_518 = tpu.bitcast %parallel_loop3A_517 : vector<16xi32> -> vector<16xf32>
          %parallel_loop3A_519 = arith.constant -65536 : i32
          %parallel_loop3A_520 = vector.broadcast %parallel_loop3A_519 : i32 to vector<16xi32>
          %parallel_loop3A_521 = arith.andi %parallel_loop3A_213, %parallel_loop3A_520 : vector<16xi32>
          %parallel_loop3A_522 = tpu.bitcast %parallel_loop3A_521 : vector<16xi32> -> vector<16xf32>
          %parallel_loop3A_523 = arith.mulf %parallel_loop3A_267, %parallel_loop3A_518 : vector<16xf32>
          %parallel_loop3A_524 = arith.constant 2 : i32
          %parallel_loop3A_525 = arith.muli %parallel_loop3A_524, %parallel_loop3A_178 : i32
          %parallel_loop3A_526 = arith.index_cast %select_n3A_123 : i32 to index
          %parallel_loop3A_527 = arith.index_cast %parallel_loop3A_525 : i32 to index
          %parallel_loop3A_528 = arith.constant 96 : index
          %parallel_loop3A_529 = tpu.vector_load %arg9[%parallel_loop3A_526, %parallel_loop3A_527, %parallel_loop3A_528] {strides = array<i32>} : memref<3x80x128xf32, #tpu.memory_space<vmem>>, vector<1x1x16xf32>,
          %parallel_loop3A_530 = vector.shape_cast %parallel_loop3A_529 : vector<1x1x16xf32> to vector<16xf32>
          %parallel_loop3A_531 = vector.shape_cast %parallel_loop3A_523 : vector<16xf32> to vector<1x1x16xf32>
          tpu.vector_store %arg9[%parallel_loop3A_526, %parallel_loop3A_527, %parallel_loop3A_528], %parallel_loop3A_531 {strides = array<i32>} : memref<3x80x128xf32, #tpu.memory_space<vmem>>, vector<1x1x16xf32>,
          %parallel_loop3A_532 = arith.mulf %parallel_loop3A_337, %parallel_loop3A_522 : vector<16xf32>
          %parallel_loop3A_533 = arith.constant 2 : i32
          %parallel_loop3A_534 = arith.muli %parallel_loop3A_533, %parallel_loop3A_178 : i32
          %parallel_loop3A_535 = arith.constant 1 : i32
          %parallel_loop3A_536 = arith.addi %parallel_loop3A_534, %parallel_loop3A_535 : i32
          %parallel_loop3A_537 = arith.index_cast %select_n3A_123 : i32 to index
          %parallel_loop3A_538 = arith.index_cast %parallel_loop3A_536 : i32 to index
          %parallel_loop3A_539 = arith.constant 96 : index
          %parallel_loop3A_540 = tpu.vector_load %arg9[%parallel_loop3A_537, %parallel_loop3A_538, %parallel_loop3A_539] {strides = array<i32>} : memref<3x80x128xf32, #tpu.memory_space<vmem>>, vector<1x1x16xf32>,
          %parallel_loop3A_541 = vector.shape_cast %parallel_loop3A_540 : vector<1x1x16xf32> to vector<16xf32>
          %parallel_loop3A_542 = vector.shape_cast %parallel_loop3A_532 : vector<16xf32> to vector<1x1x16xf32>
          tpu.vector_store %arg9[%parallel_loop3A_537, %parallel_loop3A_538, %parallel_loop3A_539], %parallel_loop3A_542 {strides = array<i32>} : memref<3x80x128xf32, #tpu.memory_space<vmem>>, vector<1x1x16xf32>,
          %parallel_loop3A_543 = arith.constant 16 : i32
          %parallel_loop3A_544 = vector.broadcast %parallel_loop3A_543 : i32 to vector<16xi32>
          %parallel_loop3A_545 = arith.shli %parallel_loop3A_218, %parallel_loop3A_544 : vector<16xi32>
          %parallel_loop3A_546 = tpu.bitcast %parallel_loop3A_545 : vector<16xi32> -> vector<16xf32>
          %parallel_loop3A_547 = arith.constant -65536 : i32
          %parallel_loop3A_548 = vector.broadcast %parallel_loop3A_547 : i32 to vector<16xi32>
          %parallel_loop3A_549 = arith.andi %parallel_loop3A_218, %parallel_loop3A_548 : vector<16xi32>
          %parallel_loop3A_550 = tpu.bitcast %parallel_loop3A_549 : vector<16xi32> -> vector<16xf32>
          %parallel_loop3A_551 = arith.mulf %parallel_loop3A_274, %parallel_loop3A_546 : vector<16xf32>
          %parallel_loop3A_552 = arith.constant 2 : i32
          %parallel_loop3A_553 = arith.muli %parallel_loop3A_552, %parallel_loop3A_178 : i32
          %parallel_loop3A_554 = arith.index_cast %select_n3A_123 : i32 to index
          %parallel_loop3A_555 = arith.index_cast %parallel_loop3A_553 : i32 to index
          %parallel_loop3A_556 = arith.constant 112 : index
          %parallel_loop3A_557 = tpu.vector_load %arg9[%parallel_loop3A_554, %parallel_loop3A_555, %parallel_loop3A_556] {strides = array<i32>} : memref<3x80x128xf32, #tpu.memory_space<vmem>>, vector<1x1x16xf32>,
          %parallel_loop3A_558 = vector.shape_cast %parallel_loop3A_557 : vector<1x1x16xf32> to vector<16xf32>
          %parallel_loop3A_559 = vector.shape_cast %parallel_loop3A_551 : vector<16xf32> to vector<1x1x16xf32>
          tpu.vector_store %arg9[%parallel_loop3A_554, %parallel_loop3A_555, %parallel_loop3A_556], %parallel_loop3A_559 {strides = array<i32>} : memref<3x80x128xf32, #tpu.memory_space<vmem>>, vector<1x1x16xf32>,
          %parallel_loop3A_560 = arith.mulf %parallel_loop3A_346, %parallel_loop3A_550 : vector<16xf32>
          %parallel_loop3A_561 = arith.constant 2 : i32
          %parallel_loop3A_562 = arith.muli %parallel_loop3A_561, %parallel_loop3A_178 : i32
          %parallel_loop3A_563 = arith.constant 1 : i32
          %parallel_loop3A_564 = arith.addi %parallel_loop3A_562, %parallel_loop3A_563 : i32
          %parallel_loop3A_565 = arith.index_cast %select_n3A_123 : i32 to index
          %parallel_loop3A_566 = arith.index_cast %parallel_loop3A_564 : i32 to index
          %parallel_loop3A_567 = arith.constant 112 : index
          %parallel_loop3A_568 = tpu.vector_load %arg9[%parallel_loop3A_565, %parallel_loop3A_566, %parallel_loop3A_567] {strides = array<i32>} : memref<3x80x128xf32, #tpu.memory_space<vmem>>, vector<1x1x16xf32>,
          %parallel_loop3A_569 = vector.shape_cast %parallel_loop3A_568 : vector<1x1x16xf32> to vector<16xf32>
          %parallel_loop3A_570 = vector.shape_cast %parallel_loop3A_560 : vector<16xf32> to vector<1x1x16xf32>
          tpu.vector_store %arg9[%parallel_loop3A_565, %parallel_loop3A_566, %parallel_loop3A_567], %parallel_loop3A_570 {strides = array<i32>} : memref<3x80x128xf32, #tpu.memory_space<vmem>>, vector<1x1x16xf32>,
        } {sc.loop_unroll_factor = 2 : i64, sc.parallel_access}
        %dma_start3A_168 = arith.constant 0 : i32
        %dma_start3A_169 = arith.constant 0 : i32
        %dma_start3A_170 = tpu.memref_slice %arg9[%select_n3A_123, %dma_start3A_168, %dma_start3A_169] : memref<3x80x128xf32, #tpu.memory_space<vmem>> -> memref<1x80x128xf32, #tpu.memory_space<vmem>>
        %dma_start3A_171 = tpu.memref_squeeze %dma_start3A_170 : memref<1x80x128xf32, #tpu.memory_space<vmem>> -> memref<80x128xf32, #tpu.memory_space<vmem>>
        %dma_start3A_172 = arith.constant 0 : i32
        %dma_start3A_173 = tpu.memref_slice %arg7[%select_n3A_123, %dma_start3A_172] : memref<3x80xi32, #tpu.memory_space<vmem>> -> memref<1x80xi32, #tpu.memory_space<vmem>>
        %dma_start3A_174 = tpu.memref_squeeze %dma_start3A_173 : memref<1x80xi32, #tpu.memory_space<vmem>> -> memref<80xi32, #tpu.memory_space<vmem>>
        %dma_start3A_175 = arith.constant 0 : i32
        %dma_start3A_176 = arith.constant 0 : i32
        %dma_start3A_177 = tpu.memref_slice %arg12[%dma_start3A_175, %dma_start3A_176] : memref<10000x128xf32, #tpu.memory_space<vmem_shared>> -> memref<10000x128xf32, #tpu.memory_space<vmem_shared>>
        tpu.enqueue_indirect_dma source(%dma_start3A_171 : memref<80x128xf32, #tpu.memory_space<vmem>>) target(%dma_start3A_177 : memref<10000x128xf32, #tpu.memory_space<vmem_shared>>) offsets(%dma_start3A_174 : memref<80xi32, #tpu.memory_space<vmem>>) semaphore(%arg15 : memref<!tpu.dma_semaphore, #tpu.memory_space<semaphore_mem>>) {add = true}
      } else {
      }
      %scan3A_106 = arith.constant 0 : i32
      scf.yield %scan3A_106 : i32
    }
    %scan3A_40 = arith.constant 126 : i32
    %dma_wait3A = arith.constant 0 : i32
    %dma_wait3A_41 = arith.constant 0 : i32
    %dma_wait3A_42 = arith.constant 0 : i32
    %dma_wait3A_43 = arith.constant 0 : i32
    %dma_wait3A_44 = tpu.memref_slice %arg9[%dma_wait3A, %dma_wait3A_42, %dma_wait3A_43] : memref<3x80x128xf32, #tpu.memory_space<vmem>> -> memref<1x80x128xf32, #tpu.memory_space<vmem>>
    %dma_wait3A_45 = tpu.memref_squeeze %dma_wait3A_44 : memref<1x80x128xf32, #tpu.memory_space<vmem>> -> memref<80x128xf32, #tpu.memory_space<vmem>>
    %dma_wait3A_46 = arith.constant 0 : i32
    %dma_wait3A_47 = tpu.memref_slice %arg7[%dma_wait3A_41, %dma_wait3A_46] : memref<3x80xi32, #tpu.memory_space<vmem>> -> memref<1x80xi32, #tpu.memory_space<vmem>>
    %dma_wait3A_48 = tpu.memref_squeeze %dma_wait3A_47 : memref<1x80xi32, #tpu.memory_space<vmem>> -> memref<80xi32, #tpu.memory_space<vmem>>
    %dma_wait3A_49 = arith.constant 0 : i32
    %dma_wait3A_50 = arith.constant 0 : i32
    %dma_wait3A_51 = tpu.memref_slice %arg12[%dma_wait3A_49, %dma_wait3A_50] : memref<10000x128xf32, #tpu.memory_space<vmem_shared>> -> memref<10000x128xf32, #tpu.memory_space<vmem_shared>>
    tpu.wait_indirect_dma semaphore(%arg15 : memref<!tpu.dma_semaphore, #tpu.memory_space<semaphore_mem>>) src(%dma_wait3A_45 : memref<80x128xf32, #tpu.memory_space<vmem>>) dst(%dma_wait3A_51 : memref<10000x128xf32, #tpu.memory_space<vmem_shared>>)
    %dma_wait3A_52 = arith.constant 0 : i32
    %dma_wait3A_53 = arith.constant 0 : i32
    %dma_wait3A_54 = arith.constant 0 : i32
    %dma_wait3A_55 = arith.constant 0 : i32
    %dma_wait3A_56 = tpu.memref_slice %arg9[%dma_wait3A_52, %dma_wait3A_54, %dma_wait3A_55] : memref<3x80x128xf32, #tpu.memory_space<vmem>> -> memref<1x80x128xf32, #tpu.memory_space<vmem>>
    %dma_wait3A_57 = tpu.memref_squeeze %dma_wait3A_56 : memref<1x80x128xf32, #tpu.memory_space<vmem>> -> memref<80x128xf32, #tpu.memory_space<vmem>>
    %dma_wait3A_58 = arith.constant 0 : i32
    %dma_wait3A_59 = tpu.memref_slice %arg7[%dma_wait3A_53, %dma_wait3A_58] : memref<3x80xi32, #tpu.memory_space<vmem>> -> memref<1x80xi32, #tpu.memory_space<vmem>>
    %dma_wait3A_60 = tpu.memref_squeeze %dma_wait3A_59 : memref<1x80xi32, #tpu.memory_space<vmem>> -> memref<80xi32, #tpu.memory_space<vmem>>
    %dma_wait3A_61 = arith.constant 0 : i32
    %dma_wait3A_62 = arith.constant 0 : i32
    %dma_wait3A_63 = tpu.memref_slice %arg12[%dma_wait3A_61, %dma_wait3A_62] : memref<10000x128xf32, #tpu.memory_space<vmem_shared>> -> memref<10000x128xf32, #tpu.memory_space<vmem_shared>>
    tpu.wait_indirect_dma semaphore(%arg15 : memref<!tpu.dma_semaphore, #tpu.memory_space<semaphore_mem>>) src(%dma_wait3A_57 : memref<80x128xf32, #tpu.memory_space<vmem>>) dst(%dma_wait3A_63 : memref<10000x128xf32, #tpu.memory_space<vmem_shared>>)
    %barrier3A_64 = arith.constant 0 : index
    tpu.barrier barrier_id(%barrier3A_64)
    %mul3A_65 = arith.constant 625 : i32
    %mul3A_66 = arith.muli %arg1, %mul3A_65 : i32
    "tpu.region"() ({
      %run_scoped3A = tpu.sem_alloc : memref<!tpu.dma_semaphore, #tpu.memory_space<semaphore_mem>>
      %dma_start3A_67 = arith.constant 0 : i32
      %dma_start3A_68 = arith.constant 0 : i32
      %dma_start3A_69 = tpu.memref_slice %arg5[%arg0, %arg1, %dma_start3A_67, %dma_start3A_68] : memref<2x16x625x128xf32, #tpu.memory_space<hbm>> -> memref<1x1x625x128xf32, #tpu.memory_space<hbm>>
      %dma_start3A_70 = tpu.memref_squeeze %dma_start3A_69 : memref<1x1x625x128xf32, #tpu.memory_space<hbm>> -> memref<625x128xf32, #tpu.memory_space<hbm>>
      %dma_start3A_71 = arith.constant 0 : i32
      %dma_start3A_72 = tpu.memref_slice %arg12[%mul3A_66, %dma_start3A_71] : memref<10000x128xf32, #tpu.memory_space<vmem_shared>> -> memref<625x128xf32, #tpu.memory_space<vmem_shared>>
      tpu.enqueue_dma source(%dma_start3A_72 : memref<625x128xf32, #tpu.memory_space<vmem_shared>>) target(%dma_start3A_70 : memref<625x128xf32, #tpu.memory_space<hbm>>) target_semaphore(%run_scoped3A : memref<!tpu.dma_semaphore, #tpu.memory_space<semaphore_mem>>)
      %dma_wait3A_73 = arith.constant 0 : i32
      %dma_wait3A_74 = arith.constant 0 : i32
      %dma_wait3A_75 = tpu.memref_slice %arg5[%arg0, %arg1, %dma_wait3A_73, %dma_wait3A_74] : memref<2x16x625x128xf32, #tpu.memory_space<hbm>> -> memref<1x1x625x128xf32, #tpu.memory_space<hbm>>
      %dma_wait3A_76 = tpu.memref_squeeze %dma_wait3A_75 : memref<1x1x625x128xf32, #tpu.memory_space<hbm>> -> memref<625x128xf32, #tpu.memory_space<hbm>>
      %dma_wait3A_77 = arith.constant 0 : i32
      %dma_wait3A_78 = tpu.memref_slice %arg12[%mul3A_66, %dma_wait3A_77] : memref<10000x128xf32, #tpu.memory_space<vmem_shared>> -> memref<625x128xf32, #tpu.memory_space<vmem_shared>>
      tpu.wait_dma2 semaphore(%run_scoped3A : memref<!tpu.dma_semaphore, #tpu.memory_space<semaphore_mem>>) src(%dma_wait3A_78 : memref<625x128xf32, #tpu.memory_space<vmem_shared>>) dst(%dma_wait3A_76 : memref<625x128xf32, #tpu.memory_space<hbm>>)
      tpu.yield
    }) : () -> ()
    return
  }
}

#map = affine_map<(d0, d1) -> (0, 0)>
#map1 = affine_map<(d0, d1) -> (0)>
#map2 = affine_map<(d0, d1) -> (0, 0, 0, 0)>
module attributes {stable_mosaic.version = 14 : i64} {
  func.func @_sc_body(%arg0: i32, %arg1: i32, %arg2: memref<10000x128xf32, #tpu.memory_space<hbm>>, %arg3: memref<160000x128xi32, #tpu.memory_space<hbm>>, %arg4: memref<320000xi32, #tpu.memory_space<hbm>>, %arg5: memref<2x16x625x128xf32, #tpu.memory_space<hbm>>, %arg6: memref<2x80xi32, #tpu.memory_space<vmem>>, %arg7: memref<3x80xi32, #tpu.memory_space<vmem>>, %arg8: memref<2x80xi32, #tpu.memory_space<vmem>>, %arg9: memref<3x80x128xf32, #tpu.memory_space<vmem>>, %arg10: memref<2x40x128xi32, #tpu.memory_space<vmem>>, %arg11: memref<25x128xf32, #tpu.memory_space<vmem>>, %arg12: memref<10000x128xf32, #tpu.memory_space<vmem_shared>>, %arg13: memref<!tpu.dma_semaphore, #tpu.memory_space<semaphore_mem>>, %arg14: memref<!tpu.dma_semaphore, #tpu.memory_space<semaphore_mem>>, %arg15: memref<!tpu.dma_semaphore, #tpu.memory_space<semaphore_mem>>, %arg16: memref<!tpu.dma_semaphore, #tpu.memory_space<semaphore_mem>>) attributes {dimension_semantics = [#tpu.dimension_semantics<core_parallel>, #tpu.dimension_semantics<subcore_parallel>], iteration_bounds = array<i64: 2, 16>, scalar_prefetch = 0 : i64, scratch_operands = 11 : i64, tpu.core_type = #tpu.core_type<sc_vector_subcore>, window_params = [{transform_indices = #map}, {transform_indices = #map}, {transform_indices = #map1}, {transform_indices = #map2}]} {
    %mul3A = arith.constant 2 : i32
    %mul3A_0 = arith.muli %arg1, %mul3A : i32
    %add3A = arith.addi %mul3A_0, %arg0 : i32
    %broadcast_in_dim3A = arith.constant 0.000000e+00 : f32
    %broadcast_in_dim3A_1 = vector.broadcast %broadcast_in_dim3A : f32 to vector<16xf32>
    %scan3A = arith.constant 0 : i32
    %scan3A_2 = arith.constant 0 : i32
    %scan3A_3 = arith.constant 25 : i32
    %scan3A_4 = arith.addi %scan3A_2, %scan3A_3 : i32
    %scan3A_5 = arith.constant 1 : i32
    %scan3A_6 = scf.for %scan3A_67 = %scan3A_2 to %scan3A_4 step %scan3A_5 iter_args(%scan3A_68 = %scan3A) -> (i32)  : i32 {
      %swap3A = arith.index_cast %scan3A_67 : i32 to index
      %swap3A_69 = arith.constant 0 : index
      %swap3A_70 = tpu.vector_load %arg11[%swap3A, %swap3A_69] {strides = array<i32>} : memref<25x128xf32, #tpu.memory_space<vmem>>, vector<1x16xf32>,
      %swap3A_71 = vector.shape_cast %swap3A_70 : vector<1x16xf32> to vector<16xf32>
      %swap3A_72 = vector.shape_cast %broadcast_in_dim3A_1 : vector<16xf32> to vector<1x16xf32>
      tpu.vector_store %arg11[%swap3A, %swap3A_69], %swap3A_72 {strides = array<i32>} : memref<25x128xf32, #tpu.memory_space<vmem>>, vector<1x16xf32>,
      %swap3A_73 = arith.index_cast %scan3A_67 : i32 to index
      %swap3A_74 = arith.constant 16 : index
      %swap3A_75 = tpu.vector_load %arg11[%swap3A_73, %swap3A_74] {strides = array<i32>} : memref<25x128xf32, #tpu.memory_space<vmem>>, vector<1x16xf32>,
      %swap3A_76 = vector.shape_cast %swap3A_75 : vector<1x16xf32> to vector<16xf32>
      %swap3A_77 = vector.shape_cast %broadcast_in_dim3A_1 : vector<16xf32> to vector<1x16xf32>
      tpu.vector_store %arg11[%swap3A_73, %swap3A_74], %swap3A_77 {strides = array<i32>} : memref<25x128xf32, #tpu.memory_space<vmem>>, vector<1x16xf32>,
      %swap3A_78 = arith.index_cast %scan3A_67 : i32 to index
      %swap3A_79 = arith.constant 32 : index
      %swap3A_80 = tpu.vector_load %arg11[%swap3A_78, %swap3A_79] {strides = array<i32>} : memref<25x128xf32, #tpu.memory_space<vmem>>, vector<1x16xf32>,
      %swap3A_81 = vector.shape_cast %swap3A_80 : vector<1x16xf32> to vector<16xf32>
      %swap3A_82 = vector.shape_cast %broadcast_in_dim3A_1 : vector<16xf32> to vector<1x16xf32>
      tpu.vector_store %arg11[%swap3A_78, %swap3A_79], %swap3A_82 {strides = array<i32>} : memref<25x128xf32, #tpu.memory_space<vmem>>, vector<1x16xf32>,
      %swap3A_83 = arith.index_cast %scan3A_67 : i32 to index
      %swap3A_84 = arith.constant 48 : index
      %swap3A_85 = tpu.vector_load %arg11[%swap3A_83, %swap3A_84] {strides = array<i32>} : memref<25x128xf32, #tpu.memory_space<vmem>>, vector<1x16xf32>,
      %swap3A_86 = vector.shape_cast %swap3A_85 : vector<1x16xf32> to vector<16xf32>
      %swap3A_87 = vector.shape_cast %broadcast_in_dim3A_1 : vector<16xf32> to vector<1x16xf32>
      tpu.vector_store %arg11[%swap3A_83, %swap3A_84], %swap3A_87 {strides = array<i32>} : memref<25x128xf32, #tpu.memory_space<vmem>>, vector<1x16xf32>,
      %swap3A_88 = arith.index_cast %scan3A_67 : i32 to index
      %swap3A_89 = arith.constant 64 : index
      %swap3A_90 = tpu.vector_load %arg11[%swap3A_88, %swap3A_89] {strides = array<i32>} : memref<25x128xf32, #tpu.memory_space<vmem>>, vector<1x16xf32>,
      %swap3A_91 = vector.shape_cast %swap3A_90 : vector<1x16xf32> to vector<16xf32>
      %swap3A_92 = vector.shape_cast %broadcast_in_dim3A_1 : vector<16xf32> to vector<1x16xf32>
      tpu.vector_store %arg11[%swap3A_88, %swap3A_89], %swap3A_92 {strides = array<i32>} : memref<25x128xf32, #tpu.memory_space<vmem>>, vector<1x16xf32>,
      %swap3A_93 = arith.index_cast %scan3A_67 : i32 to index
      %swap3A_94 = arith.constant 80 : index
      %swap3A_95 = tpu.vector_load %arg11[%swap3A_93, %swap3A_94] {strides = array<i32>} : memref<25x128xf32, #tpu.memory_space<vmem>>, vector<1x16xf32>,
      %swap3A_96 = vector.shape_cast %swap3A_95 : vector<1x16xf32> to vector<16xf32>
      %swap3A_97 = vector.shape_cast %broadcast_in_dim3A_1 : vector<16xf32> to vector<1x16xf32>
      tpu.vector_store %arg11[%swap3A_93, %swap3A_94], %swap3A_97 {strides = array<i32>} : memref<25x128xf32, #tpu.memory_space<vmem>>, vector<1x16xf32>,
      %swap3A_98 = arith.index_cast %scan3A_67 : i32 to index
      %swap3A_99 = arith.constant 96 : index
      %swap3A_100 = tpu.vector_load %arg11[%swap3A_98, %swap3A_99] {strides = array<i32>} : memref<25x128xf32, #tpu.memory_space<vmem>>, vector<1x16xf32>,
      %swap3A_101 = vector.shape_cast %swap3A_100 : vector<1x16xf32> to vector<16xf32>
      %swap3A_102 = vector.shape_cast %broadcast_in_dim3A_1 : vector<16xf32> to vector<1x16xf32>
      tpu.vector_store %arg11[%swap3A_98, %swap3A_99], %swap3A_102 {strides = array<i32>} : memref<25x128xf32, #tpu.memory_space<vmem>>, vector<1x16xf32>,
      %swap3A_103 = arith.index_cast %scan3A_67 : i32 to index
      %swap3A_104 = arith.constant 112 : index
      %swap3A_105 = tpu.vector_load %arg11[%swap3A_103, %swap3A_104] {strides = array<i32>} : memref<25x128xf32, #tpu.memory_space<vmem>>, vector<1x16xf32>,
      %swap3A_106 = vector.shape_cast %swap3A_105 : vector<1x16xf32> to vector<16xf32>
      %swap3A_107 = vector.shape_cast %broadcast_in_dim3A_1 : vector<16xf32> to vector<1x16xf32>
      tpu.vector_store %arg11[%swap3A_103, %swap3A_104], %swap3A_107 {strides = array<i32>} : memref<25x128xf32, #tpu.memory_space<vmem>>, vector<1x16xf32>,
      %scan3A_108 = arith.constant 0 : i32
      scf.yield %scan3A_108 : i32
    }
    %scan3A_7 = arith.constant 25 : i32
    %scan3A_8 = arith.constant 0 : i32
    %scan3A_9 = arith.constant 0 : i32
    %scan3A_10 = arith.constant 25 : i32
    %scan3A_11 = arith.addi %scan3A_9, %scan3A_10 : i32
    %scan3A_12 = arith.constant 1 : i32
    %scan3A_13 = scf.for %scan3A_67 = %scan3A_9 to %scan3A_11 step %scan3A_12 iter_args(%scan3A_68 = %scan3A_8) -> (i32)  : i32 {
      %mul3A_69 = arith.constant 625 : i32
      %mul3A_70 = arith.muli %arg1, %mul3A_69 : i32
      %mul3A_71 = arith.constant 25 : i32
      %mul3A_72 = arith.muli %scan3A_67, %mul3A_71 : i32
      %add3A_73 = arith.addi %mul3A_70, %mul3A_72 : i32
      %dma_start3A_74 = arith.constant 0 : i32
      %dma_start3A_75 = tpu.memref_slice %arg12[%add3A_73, %dma_start3A_74] : memref<10000x128xf32, #tpu.memory_space<vmem_shared>> -> memref<25x128xf32, #tpu.memory_space<vmem_shared>>
      %dma_start3A_76 = arith.constant 0 : i32
      %dma_start3A_77 = tpu.memref_slice %arg12[%add3A_73, %dma_start3A_76] : memref<10000x128xf32, #tpu.memory_space<vmem_shared>> -> memref<25x128xf32, #tpu.memory_space<vmem_shared>>
      tpu.enqueue_dma source(%arg11 : memref<25x128xf32, #tpu.memory_space<vmem>>) target(%dma_start3A_77 : memref<25x128xf32, #tpu.memory_space<vmem_shared>>) target_semaphore(%arg13 : memref<!tpu.dma_semaphore, #tpu.memory_space<semaphore_mem>>)
      %scan3A_78 = arith.constant 0 : i32
      scf.yield %scan3A_78 : i32
    }
    %scan3A_14 = arith.constant 25 : i32
    %scan3A_15 = arith.constant 0 : i32
    %scan3A_16 = arith.constant 0 : i32
    %scan3A_17 = arith.constant 25 : i32
    %scan3A_18 = arith.addi %scan3A_16, %scan3A_17 : i32
    %scan3A_19 = arith.constant 1 : i32
    %scan3A_20 = scf.for %scan3A_67 = %scan3A_16 to %scan3A_18 step %scan3A_19 iter_args(%scan3A_68 = %scan3A_15) -> (i32)  : i32 {
      %mul3A_69 = arith.constant 625 : i32
      %mul3A_70 = arith.muli %arg1, %mul3A_69 : i32
      %dma_wait3A_71 = arith.constant 0 : i32
      %dma_wait3A_72 = tpu.memref_slice %arg12[%mul3A_70, %dma_wait3A_71] : memref<10000x128xf32, #tpu.memory_space<vmem_shared>> -> memref<25x128xf32, #tpu.memory_space<vmem_shared>>
      %dma_wait3A_73 = arith.constant 0 : i32
      %dma_wait3A_74 = tpu.memref_slice %arg12[%mul3A_70, %dma_wait3A_73] : memref<10000x128xf32, #tpu.memory_space<vmem_shared>> -> memref<25x128xf32, #tpu.memory_space<vmem_shared>>
      tpu.wait_dma2 semaphore(%arg13 : memref<!tpu.dma_semaphore, #tpu.memory_space<semaphore_mem>>) src(%arg11 : memref<25x128xf32, #tpu.memory_space<vmem>>) dst(%dma_wait3A_74 : memref<25x128xf32, #tpu.memory_space<vmem_shared>>)
      %scan3A_75 = arith.constant 0 : i32
      scf.yield %scan3A_75 : i32
    }
    %scan3A_21 = arith.constant 25 : i32
    %mul3A_22 = arith.constant 125 : i32
    %mul3A_23 = arith.muli %add3A, %mul3A_22 : i32
    %mul3A_24 = arith.constant 80 : i32
    %mul3A_25 = arith.muli %mul3A_23, %mul3A_24 : i32
    %dma_start3A = arith.constant 0 : i32
    %dma_start3A_26 = arith.constant 0 : i32
    %dma_start3A_27 = tpu.memref_slice %arg8[%dma_start3A, %dma_start3A_26] : memref<2x80xi32, #tpu.memory_space<vmem>> -> memref<1x80xi32, #tpu.memory_space<vmem>>
    %dma_start3A_28 = tpu.memref_squeeze %dma_start3A_27 : memref<1x80xi32, #tpu.memory_space<vmem>> -> memref<80xi32, #tpu.memory_space<vmem>>
    %dma_start3A_29 = tpu.memref_slice %arg4[%mul3A_25] : memref<320000xi32, #tpu.memory_space<hbm>> -> memref<80xi32, #tpu.memory_space<hbm>>
    %dma_start3A_30 = arith.constant 0 : i32
    %dma_start3A_31 = tpu.memref_slice %arg8[%dma_start3A, %dma_start3A_30] : memref<2x80xi32, #tpu.memory_space<vmem>> -> memref<1x80xi32, #tpu.memory_space<vmem>>
    %dma_start3A_32 = tpu.memref_squeeze %dma_start3A_31 : memref<1x80xi32, #tpu.memory_space<vmem>> -> memref<80xi32, #tpu.memory_space<vmem>>
    %dma_start3A_33 = tpu.memref_slice %arg4[%mul3A_25] : memref<320000xi32, #tpu.memory_space<hbm>> -> memref<80xi32, #tpu.memory_space<hbm>>
    tpu.enqueue_dma source(%dma_start3A_33 : memref<80xi32, #tpu.memory_space<hbm>>) target(%dma_start3A_32 : memref<80xi32, #tpu.memory_space<vmem>>) target_semaphore(%arg16 : memref<!tpu.dma_semaphore, #tpu.memory_space<semaphore_mem>>)
    %barrier3A = arith.constant 0 : index
    tpu.barrier barrier_id(%barrier3A)
    %scan3A_34 = arith.constant 0 : i32
    %scan3A_35 = arith.constant 0 : i32
    %scan3A_36 = arith.constant 126 : i32
    %scan3A_37 = arith.addi %scan3A_35, %scan3A_36 : i32
    %scan3A_38 = arith.constant 1 : i32
    %scan3A_39 = scf.for %scan3A_67 = %scan3A_35 to %scan3A_37 step %scan3A_38 iter_args(%scan3A_68 = %scan3A_34) -> (i32)  : i32 {
      %jit3A = arith.constant 3 : i32
      %eq3A = arith.constant 0 : i32
      %eq3A_69 = arith.cmpi eq, %jit3A, %eq3A : i32
      %jit3A_70 = arith.constant 1 : i32
      %select_n3A = arith.select %eq3A_69, %jit3A_70, %jit3A : i32
      %rem3A = arith.remsi %scan3A_67, %select_n3A : i32
      %ne3A = arith.constant 0 : i32
      %ne3A_71 = arith.cmpi ne, %rem3A, %ne3A : i32
      %lt3A = arith.constant 0 : i32
      %lt3A_72 = arith.cmpi slt, %rem3A, %lt3A : i32
      %lt3A_73 = arith.constant 0 : i32
      %lt3A_74 = arith.cmpi slt, %select_n3A, %lt3A_73 : i32
      %ne3A_75 = arith.xori %lt3A_72, %lt3A_74 : i1
      %and3A = arith.andi %ne3A_75, %ne3A_71 : i1
      %add3A_76 = arith.addi %rem3A, %select_n3A : i32
      %select_n3A_77 = arith.select %and3A, %add3A_76, %rem3A : i32
      %jit3A_78 = arith.constant 2 : i32
      %eq3A_79 = arith.constant 0 : i32
      %eq3A_80 = arith.cmpi eq, %jit3A_78, %eq3A_79 : i32
      %jit3A_81 = arith.constant 1 : i32
      %select_n3A_82 = arith.select %eq3A_80, %jit3A_81, %jit3A_78 : i32
      %rem3A_83 = arith.remsi %scan3A_67, %select_n3A_82 : i32
      %ne3A_84 = arith.constant 0 : i32
      %ne3A_85 = arith.cmpi ne, %rem3A_83, %ne3A_84 : i32
      %lt3A_86 = arith.constant 0 : i32
      %lt3A_87 = arith.cmpi slt, %rem3A_83, %lt3A_86 : i32
      %lt3A_88 = arith.constant 0 : i32
      %lt3A_89 = arith.cmpi slt, %select_n3A_82, %lt3A_88 : i32
      %ne3A_90 = arith.xori %lt3A_87, %lt3A_89 : i1
      %and3A_91 = arith.andi %ne3A_90, %ne3A_85 : i1
      %add3A_92 = arith.addi %rem3A_83, %select_n3A_82 : i32
      %select_n3A_93 = arith.select %and3A_91, %add3A_92, %rem3A_83 : i32
      %ge3A = arith.constant 3 : i32
      %ge3A_94 = arith.cmpi sge, %scan3A_67, %ge3A : i32
      %convert_element_type3A = arith.extui %ge3A_94 : i1 to i32
      %cond3A = arith.constant 0 : i32
      %cond3A_95 = arith.cmpi ne, %convert_element_type3A, %cond3A : i32
      scf.if %cond3A_95 {
        %dma_wait3A_107 = arith.constant 0 : i32
        %dma_wait3A_108 = arith.constant 0 : i32
        %dma_wait3A_109 = tpu.memref_slice %arg9[%select_n3A_77, %dma_wait3A_107, %dma_wait3A_108] : memref<3x80x128xf32, #tpu.memory_space<vmem>> -> memref<1x80x128xf32, #tpu.memory_space<vmem>>
        %dma_wait3A_110 = tpu.memref_squeeze %dma_wait3A_109 : memref<1x80x128xf32, #tpu.memory_space<vmem>> -> memref<80x128xf32, #tpu.memory_space<vmem>>
        %dma_wait3A_111 = arith.constant 0 : i32
        %dma_wait3A_112 = tpu.memref_slice %arg7[%select_n3A_77, %dma_wait3A_111] : memref<3x80xi32, #tpu.memory_space<vmem>> -> memref<1x80xi32, #tpu.memory_space<vmem>>
        %dma_wait3A_113 = tpu.memref_squeeze %dma_wait3A_112 : memref<1x80xi32, #tpu.memory_space<vmem>> -> memref<80xi32, #tpu.memory_space<vmem>>
        %dma_wait3A_114 = arith.constant 0 : i32
        %dma_wait3A_115 = arith.constant 0 : i32
        %dma_wait3A_116 = tpu.memref_slice %arg12[%dma_wait3A_114, %dma_wait3A_115] : memref<10000x128xf32, #tpu.memory_space<vmem_shared>> -> memref<10000x128xf32, #tpu.memory_space<vmem_shared>>
        tpu.wait_indirect_dma semaphore(%arg15 : memref<!tpu.dma_semaphore, #tpu.memory_space<semaphore_mem>>) src(%dma_wait3A_110 : memref<80x128xf32, #tpu.memory_space<vmem>>) dst(%dma_wait3A_116 : memref<10000x128xf32, #tpu.memory_space<vmem_shared>>)
      } else {
      }
      %lt3A_96 = arith.constant 125 : i32
      %lt3A_97 = arith.cmpi slt, %scan3A_67, %lt3A_96 : i32
      %convert_element_type3A_98 = arith.extui %lt3A_97 : i1 to i32
      %cond3A_99 = arith.constant 0 : i32
      %cond3A_100 = arith.cmpi ne, %convert_element_type3A_98, %cond3A_99 : i32
      scf.if %cond3A_100 {
        %jit3A_107 = arith.constant 2 : i32
        %eq3A_108 = arith.constant 0 : i32
        %eq3A_109 = arith.cmpi eq, %jit3A_107, %eq3A_108 : i32
        %jit3A_110 = arith.constant 1 : i32
        %select_n3A_111 = arith.select %eq3A_109, %jit3A_110, %jit3A_107 : i32
        %rem3A_112 = arith.remsi %scan3A_67, %select_n3A_111 : i32
        %ne3A_113 = arith.constant 0 : i32
        %ne3A_114 = arith.cmpi ne, %rem3A_112, %ne3A_113 : i32
        %lt3A_115 = arith.constant 0 : i32
        %lt3A_116 = arith.cmpi slt, %rem3A_112, %lt3A_115 : i32
        %lt3A_117 = arith.constant 0 : i32
        %lt3A_118 = arith.cmpi slt, %select_n3A_111, %lt3A_117 : i32
        %ne3A_119 = arith.xori %lt3A_116, %lt3A_118 : i1
        %and3A_120 = arith.andi %ne3A_119, %ne3A_114 : i1
        %add3A_121 = arith.addi %rem3A_112, %select_n3A_111 : i32
        %select_n3A_122 = arith.select %and3A_120, %add3A_121, %rem3A_112 : i32
        %dma_wait3A_123 = arith.constant 0 : i32
        %dma_wait3A_124 = tpu.memref_slice %arg8[%select_n3A_122, %dma_wait3A_123] : memref<2x80xi32, #tpu.memory_space<vmem>> -> memref<1x80xi32, #tpu.memory_space<vmem>>
        %dma_wait3A_125 = tpu.memref_squeeze %dma_wait3A_124 : memref<1x80xi32, #tpu.memory_space<vmem>> -> memref<80xi32, #tpu.memory_space<vmem>>
        %dma_wait3A_126 = arith.constant 0 : i32
        %dma_wait3A_127 = tpu.memref_slice %arg4[%dma_wait3A_126] : memref<320000xi32, #tpu.memory_space<hbm>> -> memref<80xi32, #tpu.memory_space<hbm>>
        %dma_wait3A_128 = arith.constant 0 : i32
        %dma_wait3A_129 = tpu.memref_slice %arg8[%select_n3A_122, %dma_wait3A_128] : memref<2x80xi32, #tpu.memory_space<vmem>> -> memref<1x80xi32, #tpu.memory_space<vmem>>
        %dma_wait3A_130 = tpu.memref_squeeze %dma_wait3A_129 : memref<1x80xi32, #tpu.memory_space<vmem>> -> memref<80xi32, #tpu.memory_space<vmem>>
        %dma_wait3A_131 = arith.constant 0 : i32
        %dma_wait3A_132 = tpu.memref_slice %arg4[%dma_wait3A_131] : memref<320000xi32, #tpu.memory_space<hbm>> -> memref<80xi32, #tpu.memory_space<hbm>>
        tpu.wait_dma2 semaphore(%arg16 : memref<!tpu.dma_semaphore, #tpu.memory_space<semaphore_mem>>) src(%dma_wait3A_132 : memref<80xi32, #tpu.memory_space<hbm>>) dst(%dma_wait3A_130 : memref<80xi32, #tpu.memory_space<vmem>>)
        %add3A_133 = arith.constant 1 : i32
        %add3A_134 = arith.addi %scan3A_67, %add3A_133 : i32
        %lt3A_135 = arith.constant 125 : i32
        %lt3A_136 = arith.cmpi slt, %add3A_134, %lt3A_135 : i32
        %convert_element_type3A_137 = arith.extui %lt3A_136 : i1 to i32
        %cond3A_138 = arith.constant 0 : i32
        %cond3A_139 = arith.cmpi ne, %convert_element_type3A_137, %cond3A_138 : i32
        scf.if %cond3A_139 {
          %mul3A_264 = arith.constant 125 : i32
          %mul3A_265 = arith.muli %add3A, %mul3A_264 : i32
          %add3A_266 = arith.addi %mul3A_265, %scan3A_67 : i32
          %add3A_267 = arith.constant 1 : i32
          %add3A_268 = arith.addi %add3A_266, %add3A_267 : i32
          %mul3A_269 = arith.constant 80 : i32
          %mul3A_270 = arith.muli %add3A_268, %mul3A_269 : i32
          %sub3A = arith.constant 1 : i32
          %sub3A_271 = arith.subi %sub3A, %select_n3A_122 : i32
          %dma_start3A_272 = arith.constant 0 : i32
          %dma_start3A_273 = tpu.memref_slice %arg8[%sub3A_271, %dma_start3A_272] : memref<2x80xi32, #tpu.memory_space<vmem>> -> memref<1x80xi32, #tpu.memory_space<vmem>>
          %dma_start3A_274 = tpu.memref_squeeze %dma_start3A_273 : memref<1x80xi32, #tpu.memory_space<vmem>> -> memref<80xi32, #tpu.memory_space<vmem>>
          %dma_start3A_275 = tpu.memref_slice %arg4[%mul3A_270] : memref<320000xi32, #tpu.memory_space<hbm>> -> memref<80xi32, #tpu.memory_space<hbm>>
          %dma_start3A_276 = arith.constant 0 : i32
          %dma_start3A_277 = tpu.memref_slice %arg8[%sub3A_271, %dma_start3A_276] : memref<2x80xi32, #tpu.memory_space<vmem>> -> memref<1x80xi32, #tpu.memory_space<vmem>>
          %dma_start3A_278 = tpu.memref_squeeze %dma_start3A_277 : memref<1x80xi32, #tpu.memory_space<vmem>> -> memref<80xi32, #tpu.memory_space<vmem>>
          %dma_start3A_279 = tpu.memref_slice %arg4[%mul3A_270] : memref<320000xi32, #tpu.memory_space<hbm>> -> memref<80xi32, #tpu.memory_space<hbm>>
          tpu.enqueue_dma source(%dma_start3A_279 : memref<80xi32, #tpu.memory_space<hbm>>) target(%dma_start3A_278 : memref<80xi32, #tpu.memory_space<vmem>>) target_semaphore(%arg16 : memref<!tpu.dma_semaphore, #tpu.memory_space<semaphore_mem>>)
        } else {
        }
        %get3A = arith.index_cast %select_n3A_122 : i32 to index
        %get3A_140 = arith.constant 0 : index
        %get3A_141 = tpu.vector_load %arg8[%get3A, %get3A_140] {strides = array<i32>} : memref<2x80xi32, #tpu.memory_space<vmem>>, vector<1x16xi32>,
        %get3A_142 = vector.shape_cast %get3A_141 : vector<1x16xi32> to vector<16xi32>
        %and3A_143 = arith.constant 16383 : i32
        %and3A_144 = vector.broadcast %and3A_143 : i32 to vector<16xi32>
        %and3A_145 = arith.andi %get3A_142, %and3A_144 : vector<16xi32>
        %swap3A = arith.index_cast %select_n3A_93 : i32 to index
        %swap3A_146 = arith.constant 0 : index
        %swap3A_147 = tpu.vector_load %arg6[%swap3A, %swap3A_146] {strides = array<i32>} : memref<2x80xi32, #tpu.memory_space<vmem>>, vector<1x16xi32>,
        %swap3A_148 = vector.shape_cast %swap3A_147 : vector<1x16xi32> to vector<16xi32>
        %swap3A_149 = vector.shape_cast %and3A_145 : vector<16xi32> to vector<1x16xi32>
        tpu.vector_store %arg6[%swap3A, %swap3A_146], %swap3A_149 {strides = array<i32>} : memref<2x80xi32, #tpu.memory_space<vmem>>, vector<1x16xi32>,
        %shift_right_arithmetic3A = arith.constant 14 : i32
        %shift_right_arithmetic3A_150 = vector.broadcast %shift_right_arithmetic3A : i32 to vector<16xi32>
        %shift_right_arithmetic3A_151 = arith.shrsi %get3A_142, %shift_right_arithmetic3A_150 : vector<16xi32>
        %swap3A_152 = arith.index_cast %select_n3A_77 : i32 to index
        %swap3A_153 = arith.constant 0 : index
        %swap3A_154 = tpu.vector_load %arg7[%swap3A_152, %swap3A_153] {strides = array<i32>} : memref<3x80xi32, #tpu.memory_space<vmem>>, vector<1x16xi32>,
        %swap3A_155 = vector.shape_cast %swap3A_154 : vector<1x16xi32> to vector<16xi32>
        %swap3A_156 = vector.shape_cast %shift_right_arithmetic3A_151 : vector<16xi32> to vector<1x16xi32>
        tpu.vector_store %arg7[%swap3A_152, %swap3A_153], %swap3A_156 {strides = array<i32>} : memref<3x80xi32, #tpu.memory_space<vmem>>, vector<1x16xi32>,
        %get3A_157 = arith.index_cast %select_n3A_122 : i32 to index
        %get3A_158 = arith.constant 16 : index
        %get3A_159 = tpu.vector_load %arg8[%get3A_157, %get3A_158] {strides = array<i32>} : memref<2x80xi32, #tpu.memory_space<vmem>>, vector<1x16xi32>,
        %get3A_160 = vector.shape_cast %get3A_159 : vector<1x16xi32> to vector<16xi32>
        %and3A_161 = arith.constant 16383 : i32
        %and3A_162 = vector.broadcast %and3A_161 : i32 to vector<16xi32>
        %and3A_163 = arith.andi %get3A_160, %and3A_162 : vector<16xi32>
        %swap3A_164 = arith.index_cast %select_n3A_93 : i32 to index
        %swap3A_165 = arith.constant 16 : index
        %swap3A_166 = tpu.vector_load %arg6[%swap3A_164, %swap3A_165] {strides = array<i32>} : memref<2x80xi32, #tpu.memory_space<vmem>>, vector<1x16xi32>,
        %swap3A_167 = vector.shape_cast %swap3A_166 : vector<1x16xi32> to vector<16xi32>
        %swap3A_168 = vector.shape_cast %and3A_163 : vector<16xi32> to vector<1x16xi32>
        tpu.vector_store %arg6[%swap3A_164, %swap3A_165], %swap3A_168 {strides = array<i32>} : memref<2x80xi32, #tpu.memory_space<vmem>>, vector<1x16xi32>,
        %shift_right_arithmetic3A_169 = arith.constant 14 : i32
        %shift_right_arithmetic3A_170 = vector.broadcast %shift_right_arithmetic3A_169 : i32 to vector<16xi32>
        %shift_right_arithmetic3A_171 = arith.shrsi %get3A_160, %shift_right_arithmetic3A_170 : vector<16xi32>
        %swap3A_172 = arith.index_cast %select_n3A_77 : i32 to index
        %swap3A_173 = arith.constant 16 : index
        %swap3A_174 = tpu.vector_load %arg7[%swap3A_172, %swap3A_173] {strides = array<i32>} : memref<3x80xi32, #tpu.memory_space<vmem>>, vector<1x16xi32>,
        %swap3A_175 = vector.shape_cast %swap3A_174 : vector<1x16xi32> to vector<16xi32>
        %swap3A_176 = vector.shape_cast %shift_right_arithmetic3A_171 : vector<16xi32> to vector<1x16xi32>
        tpu.vector_store %arg7[%swap3A_172, %swap3A_173], %swap3A_176 {strides = array<i32>} : memref<3x80xi32, #tpu.memory_space<vmem>>, vector<1x16xi32>,
        %get3A_177 = arith.index_cast %select_n3A_122 : i32 to index
        %get3A_178 = arith.constant 32 : index
        %get3A_179 = tpu.vector_load %arg8[%get3A_177, %get3A_178] {strides = array<i32>} : memref<2x80xi32, #tpu.memory_space<vmem>>, vector<1x16xi32>,
        %get3A_180 = vector.shape_cast %get3A_179 : vector<1x16xi32> to vector<16xi32>
        %and3A_181 = arith.constant 16383 : i32
        %and3A_182 = vector.broadcast %and3A_181 : i32 to vector<16xi32>
        %and3A_183 = arith.andi %get3A_180, %and3A_182 : vector<16xi32>
        %swap3A_184 = arith.index_cast %select_n3A_93 : i32 to index
        %swap3A_185 = arith.constant 32 : index
        %swap3A_186 = tpu.vector_load %arg6[%swap3A_184, %swap3A_185] {strides = array<i32>} : memref<2x80xi32, #tpu.memory_space<vmem>>, vector<1x16xi32>,
        %swap3A_187 = vector.shape_cast %swap3A_186 : vector<1x16xi32> to vector<16xi32>
        %swap3A_188 = vector.shape_cast %and3A_183 : vector<16xi32> to vector<1x16xi32>
        tpu.vector_store %arg6[%swap3A_184, %swap3A_185], %swap3A_188 {strides = array<i32>} : memref<2x80xi32, #tpu.memory_space<vmem>>, vector<1x16xi32>,
        %shift_right_arithmetic3A_189 = arith.constant 14 : i32
        %shift_right_arithmetic3A_190 = vector.broadcast %shift_right_arithmetic3A_189 : i32 to vector<16xi32>
        %shift_right_arithmetic3A_191 = arith.shrsi %get3A_180, %shift_right_arithmetic3A_190 : vector<16xi32>
        %swap3A_192 = arith.index_cast %select_n3A_77 : i32 to index
        %swap3A_193 = arith.constant 32 : index
        %swap3A_194 = tpu.vector_load %arg7[%swap3A_192, %swap3A_193] {strides = array<i32>} : memref<3x80xi32, #tpu.memory_space<vmem>>, vector<1x16xi32>,
        %swap3A_195 = vector.shape_cast %swap3A_194 : vector<1x16xi32> to vector<16xi32>
        %swap3A_196 = vector.shape_cast %shift_right_arithmetic3A_191 : vector<16xi32> to vector<1x16xi32>
        tpu.vector_store %arg7[%swap3A_192, %swap3A_193], %swap3A_196 {strides = array<i32>} : memref<3x80xi32, #tpu.memory_space<vmem>>, vector<1x16xi32>,
        %get3A_197 = arith.index_cast %select_n3A_122 : i32 to index
        %get3A_198 = arith.constant 48 : index
        %get3A_199 = tpu.vector_load %arg8[%get3A_197, %get3A_198] {strides = array<i32>} : memref<2x80xi32, #tpu.memory_space<vmem>>, vector<1x16xi32>,
        %get3A_200 = vector.shape_cast %get3A_199 : vector<1x16xi32> to vector<16xi32>
        %and3A_201 = arith.constant 16383 : i32
        %and3A_202 = vector.broadcast %and3A_201 : i32 to vector<16xi32>
        %and3A_203 = arith.andi %get3A_200, %and3A_202 : vector<16xi32>
        %swap3A_204 = arith.index_cast %select_n3A_93 : i32 to index
        %swap3A_205 = arith.constant 48 : index
        %swap3A_206 = tpu.vector_load %arg6[%swap3A_204, %swap3A_205] {strides = array<i32>} : memref<2x80xi32, #tpu.memory_space<vmem>>, vector<1x16xi32>,
        %swap3A_207 = vector.shape_cast %swap3A_206 : vector<1x16xi32> to vector<16xi32>
        %swap3A_208 = vector.shape_cast %and3A_203 : vector<16xi32> to vector<1x16xi32>
        tpu.vector_store %arg6[%swap3A_204, %swap3A_205], %swap3A_208 {strides = array<i32>} : memref<2x80xi32, #tpu.memory_space<vmem>>, vector<1x16xi32>,
        %shift_right_arithmetic3A_209 = arith.constant 14 : i32
        %shift_right_arithmetic3A_210 = vector.broadcast %shift_right_arithmetic3A_209 : i32 to vector<16xi32>
        %shift_right_arithmetic3A_211 = arith.shrsi %get3A_200, %shift_right_arithmetic3A_210 : vector<16xi32>
        %swap3A_212 = arith.index_cast %select_n3A_77 : i32 to index
        %swap3A_213 = arith.constant 48 : index
        %swap3A_214 = tpu.vector_load %arg7[%swap3A_212, %swap3A_213] {strides = array<i32>} : memref<3x80xi32, #tpu.memory_space<vmem>>, vector<1x16xi32>,
        %swap3A_215 = vector.shape_cast %swap3A_214 : vector<1x16xi32> to vector<16xi32>
        %swap3A_216 = vector.shape_cast %shift_right_arithmetic3A_211 : vector<16xi32> to vector<1x16xi32>
        tpu.vector_store %arg7[%swap3A_212, %swap3A_213], %swap3A_216 {strides = array<i32>} : memref<3x80xi32, #tpu.memory_space<vmem>>, vector<1x16xi32>,
        %get3A_217 = arith.index_cast %select_n3A_122 : i32 to index
        %get3A_218 = arith.constant 64 : index
        %get3A_219 = tpu.vector_load %arg8[%get3A_217, %get3A_218] {strides = array<i32>} : memref<2x80xi32, #tpu.memory_space<vmem>>, vector<1x16xi32>,
        %get3A_220 = vector.shape_cast %get3A_219 : vector<1x16xi32> to vector<16xi32>
        %and3A_221 = arith.constant 16383 : i32
        %and3A_222 = vector.broadcast %and3A_221 : i32 to vector<16xi32>
        %and3A_223 = arith.andi %get3A_220, %and3A_222 : vector<16xi32>
        %swap3A_224 = arith.index_cast %select_n3A_93 : i32 to index
        %swap3A_225 = arith.constant 64 : index
        %swap3A_226 = tpu.vector_load %arg6[%swap3A_224, %swap3A_225] {strides = array<i32>} : memref<2x80xi32, #tpu.memory_space<vmem>>, vector<1x16xi32>,
        %swap3A_227 = vector.shape_cast %swap3A_226 : vector<1x16xi32> to vector<16xi32>
        %swap3A_228 = vector.shape_cast %and3A_223 : vector<16xi32> to vector<1x16xi32>
        tpu.vector_store %arg6[%swap3A_224, %swap3A_225], %swap3A_228 {strides = array<i32>} : memref<2x80xi32, #tpu.memory_space<vmem>>, vector<1x16xi32>,
        %shift_right_arithmetic3A_229 = arith.constant 14 : i32
        %shift_right_arithmetic3A_230 = vector.broadcast %shift_right_arithmetic3A_229 : i32 to vector<16xi32>
        %shift_right_arithmetic3A_231 = arith.shrsi %get3A_220, %shift_right_arithmetic3A_230 : vector<16xi32>
        %swap3A_232 = arith.index_cast %select_n3A_77 : i32 to index
        %swap3A_233 = arith.constant 64 : index
        %swap3A_234 = tpu.vector_load %arg7[%swap3A_232, %swap3A_233] {strides = array<i32>} : memref<3x80xi32, #tpu.memory_space<vmem>>, vector<1x16xi32>,
        %swap3A_235 = vector.shape_cast %swap3A_234 : vector<1x16xi32> to vector<16xi32>
        %swap3A_236 = vector.shape_cast %shift_right_arithmetic3A_231 : vector<16xi32> to vector<1x16xi32>
        tpu.vector_store %arg7[%swap3A_232, %swap3A_233], %swap3A_236 {strides = array<i32>} : memref<3x80xi32, #tpu.memory_space<vmem>>, vector<1x16xi32>,
        %dma_start3A_237 = arith.constant 0 : i32
        %dma_start3A_238 = arith.constant 0 : i32
        %dma_start3A_239 = tpu.memref_slice %arg9[%select_n3A_77, %dma_start3A_237, %dma_start3A_238] : memref<3x80x128xf32, #tpu.memory_space<vmem>> -> memref<1x80x128xf32, #tpu.memory_space<vmem>>
        %dma_start3A_240 = tpu.memref_squeeze %dma_start3A_239 : memref<1x80x128xf32, #tpu.memory_space<vmem>> -> memref<80x128xf32, #tpu.memory_space<vmem>>
        %dma_start3A_241 = arith.constant 0 : i32
        %dma_start3A_242 = tpu.memref_slice %arg6[%select_n3A_93, %dma_start3A_241] : memref<2x80xi32, #tpu.memory_space<vmem>> -> memref<1x80xi32, #tpu.memory_space<vmem>>
        %dma_start3A_243 = tpu.memref_squeeze %dma_start3A_242 : memref<1x80xi32, #tpu.memory_space<vmem>> -> memref<80xi32, #tpu.memory_space<vmem>>
        %dma_start3A_244 = arith.constant 0 : i32
        %dma_start3A_245 = arith.constant 0 : i32
        %dma_start3A_246 = tpu.memref_slice %arg2[%dma_start3A_244, %dma_start3A_245] : memref<10000x128xf32, #tpu.memory_space<hbm>> -> memref<10000x128xf32, #tpu.memory_space<hbm>>
        tpu.enqueue_indirect_dma source(%dma_start3A_246 : memref<10000x128xf32, #tpu.memory_space<hbm>>) target(%dma_start3A_240 : memref<80x128xf32, #tpu.memory_space<vmem>>) offsets(%dma_start3A_243 : memref<80xi32, #tpu.memory_space<vmem>>) semaphore(%arg13 : memref<!tpu.dma_semaphore, #tpu.memory_space<semaphore_mem>>)
        %mul3A_247 = arith.constant 125 : i32
        %mul3A_248 = arith.muli %add3A, %mul3A_247 : i32
        %add3A_249 = arith.addi %mul3A_248, %scan3A_67 : i32
        %mul3A_250 = arith.constant 40 : i32
        %mul3A_251 = arith.muli %add3A_249, %mul3A_250 : i32
        %dma_start3A_252 = arith.constant 0 : i32
        %dma_start3A_253 = arith.constant 0 : i32
        %dma_start3A_254 = tpu.memref_slice %arg10[%select_n3A_93, %dma_start3A_252, %dma_start3A_253] : memref<2x40x128xi32, #tpu.memory_space<vmem>> -> memref<1x40x128xi32, #tpu.memory_space<vmem>>
        %dma_start3A_255 = tpu.memref_squeeze %dma_start3A_254 : memref<1x40x128xi32, #tpu.memory_space<vmem>> -> memref<40x128xi32, #tpu.memory_space<vmem>>
        %dma_start3A_256 = arith.constant 0 : i32
        %dma_start3A_257 = tpu.memref_slice %arg3[%mul3A_251, %dma_start3A_256] : memref<160000x128xi32, #tpu.memory_space<hbm>> -> memref<40x128xi32, #tpu.memory_space<hbm>>
        %dma_start3A_258 = arith.constant 0 : i32
        %dma_start3A_259 = arith.constant 0 : i32
        %dma_start3A_260 = tpu.memref_slice %arg10[%select_n3A_93, %dma_start3A_258, %dma_start3A_259] : memref<2x40x128xi32, #tpu.memory_space<vmem>> -> memref<1x40x128xi32, #tpu.memory_space<vmem>>
        %dma_start3A_261 = tpu.memref_squeeze %dma_start3A_260 : memref<1x40x128xi32, #tpu.memory_space<vmem>> -> memref<40x128xi32, #tpu.memory_space<vmem>>
        %dma_start3A_262 = arith.constant 0 : i32
        %dma_start3A_263 = tpu.memref_slice %arg3[%mul3A_251, %dma_start3A_262] : memref<160000x128xi32, #tpu.memory_space<hbm>> -> memref<40x128xi32, #tpu.memory_space<hbm>>
        tpu.enqueue_dma source(%dma_start3A_263 : memref<40x128xi32, #tpu.memory_space<hbm>>) target(%dma_start3A_261 : memref<40x128xi32, #tpu.memory_space<vmem>>) target_semaphore(%arg14 : memref<!tpu.dma_semaphore, #tpu.memory_space<semaphore_mem>>)
      } else {
      }
      %ge3A_101 = arith.constant 1 : i32
      %ge3A_102 = arith.cmpi sge, %scan3A_67, %ge3A_101 : i32
      %convert_element_type3A_103 = arith.extui %ge3A_102 : i1 to i32
      %cond3A_104 = arith.constant 0 : i32
      %cond3A_105 = arith.cmpi ne, %convert_element_type3A_103, %cond3A_104 : i32
      scf.if %cond3A_105 {
        %sub3A = arith.constant 1 : i32
        %sub3A_107 = arith.subi %scan3A_67, %sub3A : i32
        %jit3A_108 = arith.constant 3 : i32
        %eq3A_109 = arith.constant 0 : i32
        %eq3A_110 = arith.cmpi eq, %jit3A_108, %eq3A_109 : i32
        %jit3A_111 = arith.constant 1 : i32
        %select_n3A_112 = arith.select %eq3A_110, %jit3A_111, %jit3A_108 : i32
        %rem3A_113 = arith.remsi %sub3A_107, %select_n3A_112 : i32
        %ne3A_114 = arith.constant 0 : i32
        %ne3A_115 = arith.cmpi ne, %rem3A_113, %ne3A_114 : i32
        %lt3A_116 = arith.constant 0 : i32
        %lt3A_117 = arith.cmpi slt, %rem3A_113, %lt3A_116 : i32
        %lt3A_118 = arith.constant 0 : i32
        %lt3A_119 = arith.cmpi slt, %select_n3A_112, %lt3A_118 : i32
        %ne3A_120 = arith.xori %lt3A_117, %lt3A_119 : i1
        %and3A_121 = arith.andi %ne3A_120, %ne3A_115 : i1
        %add3A_122 = arith.addi %rem3A_113, %select_n3A_112 : i32
        %select_n3A_123 = arith.select %and3A_121, %add3A_122, %rem3A_113 : i32
        %sub3A_124 = arith.constant 1 : i32
        %sub3A_125 = arith.subi %scan3A_67, %sub3A_124 : i32
        %jit3A_126 = arith.constant 2 : i32
        %eq3A_127 = arith.constant 0 : i32
        %eq3A_128 = arith.cmpi eq, %jit3A_126, %eq3A_127 : i32
        %jit3A_129 = arith.constant 1 : i32
        %select_n3A_130 = arith.select %eq3A_128, %jit3A_129, %jit3A_126 : i32
        %rem3A_131 = arith.remsi %sub3A_125, %select_n3A_130 : i32
        %ne3A_132 = arith.constant 0 : i32
        %ne3A_133 = arith.cmpi ne, %rem3A_131, %ne3A_132 : i32
        %lt3A_134 = arith.constant 0 : i32
        %lt3A_135 = arith.cmpi slt, %rem3A_131, %lt3A_134 : i32
        %lt3A_136 = arith.constant 0 : i32
        %lt3A_137 = arith.cmpi slt, %select_n3A_130, %lt3A_136 : i32
        %ne3A_138 = arith.xori %lt3A_135, %lt3A_137 : i1
        %and3A_139 = arith.andi %ne3A_138, %ne3A_133 : i1
        %add3A_140 = arith.addi %rem3A_131, %select_n3A_130 : i32
        %select_n3A_141 = arith.select %and3A_139, %add3A_140, %rem3A_131 : i32
        %dma_wait3A_142 = arith.constant 0 : i32
        %dma_wait3A_143 = arith.constant 0 : i32
        %dma_wait3A_144 = tpu.memref_slice %arg9[%select_n3A_123, %dma_wait3A_142, %dma_wait3A_143] : memref<3x80x128xf32, #tpu.memory_space<vmem>> -> memref<1x80x128xf32, #tpu.memory_space<vmem>>
        %dma_wait3A_145 = tpu.memref_squeeze %dma_wait3A_144 : memref<1x80x128xf32, #tpu.memory_space<vmem>> -> memref<80x128xf32, #tpu.memory_space<vmem>>
        %dma_wait3A_146 = arith.constant 0 : i32
        %dma_wait3A_147 = tpu.memref_slice %arg6[%select_n3A_141, %dma_wait3A_146] : memref<2x80xi32, #tpu.memory_space<vmem>> -> memref<1x80xi32, #tpu.memory_space<vmem>>
        %dma_wait3A_148 = tpu.memref_squeeze %dma_wait3A_147 : memref<1x80xi32, #tpu.memory_space<vmem>> -> memref<80xi32, #tpu.memory_space<vmem>>
        %dma_wait3A_149 = arith.constant 0 : i32
        %dma_wait3A_150 = arith.constant 0 : i32
        %dma_wait3A_151 = tpu.memref_slice %arg2[%dma_wait3A_149, %dma_wait3A_150] : memref<10000x128xf32, #tpu.memory_space<hbm>> -> memref<10000x128xf32, #tpu.memory_space<hbm>>
        tpu.wait_indirect_dma semaphore(%arg13 : memref<!tpu.dma_semaphore, #tpu.memory_space<semaphore_mem>>) src(%dma_wait3A_151 : memref<10000x128xf32, #tpu.memory_space<hbm>>) dst(%dma_wait3A_145 : memref<80x128xf32, #tpu.memory_space<vmem>>)
        %dma_wait3A_152 = arith.constant 0 : i32
        %dma_wait3A_153 = arith.constant 0 : i32
        %dma_wait3A_154 = tpu.memref_slice %arg10[%select_n3A_141, %dma_wait3A_152, %dma_wait3A_153] : memref<2x40x128xi32, #tpu.memory_space<vmem>> -> memref<1x40x128xi32, #tpu.memory_space<vmem>>
        %dma_wait3A_155 = tpu.memref_squeeze %dma_wait3A_154 : memref<1x40x128xi32, #tpu.memory_space<vmem>> -> memref<40x128xi32, #tpu.memory_space<vmem>>
        %dma_wait3A_156 = arith.constant 0 : i32
        %dma_wait3A_157 = arith.constant 0 : i32
        %dma_wait3A_158 = tpu.memref_slice %arg3[%dma_wait3A_156, %dma_wait3A_157] : memref<160000x128xi32, #tpu.memory_space<hbm>> -> memref<40x128xi32, #tpu.memory_space<hbm>>
        %dma_wait3A_159 = arith.constant 0 : i32
        %dma_wait3A_160 = arith.constant 0 : i32
        %dma_wait3A_161 = tpu.memref_slice %arg10[%select_n3A_141, %dma_wait3A_159, %dma_wait3A_160] : memref<2x40x128xi32, #tpu.memory_space<vmem>> -> memref<1x40x128xi32, #tpu.memory_space<vmem>>
        %dma_wait3A_162 = tpu.memref_squeeze %dma_wait3A_161 : memref<1x40x128xi32, #tpu.memory_space<vmem>> -> memref<40x128xi32, #tpu.memory_space<vmem>>
        %dma_wait3A_163 = arith.constant 0 : i32
        %dma_wait3A_164 = arith.constant 0 : i32
        %dma_wait3A_165 = tpu.memref_slice %arg3[%dma_wait3A_163, %dma_wait3A_164] : memref<160000x128xi32, #tpu.memory_space<hbm>> -> memref<40x128xi32, #tpu.memory_space<hbm>>
        tpu.wait_dma2 semaphore(%arg14 : memref<!tpu.dma_semaphore, #tpu.memory_space<semaphore_mem>>) src(%dma_wait3A_165 : memref<40x128xi32, #tpu.memory_space<hbm>>) dst(%dma_wait3A_162 : memref<40x128xi32, #tpu.memory_space<vmem>>)
        %parallel_loop3A = arith.constant 0 : i32
        %parallel_loop3A_166 = arith.constant 40 : i32
        %parallel_loop3A_167 = arith.constant 1 : i32
        scf.for %parallel_loop3A_178 = %parallel_loop3A to %parallel_loop3A_166 step %parallel_loop3A_167  : i32 {
          %parallel_loop3A_179 = arith.index_cast %select_n3A_141 : i32 to index
          %parallel_loop3A_180 = arith.index_cast %parallel_loop3A_178 : i32 to index
          %parallel_loop3A_181 = arith.constant 0 : index
          %parallel_loop3A_182 = tpu.vector_load %arg10[%parallel_loop3A_179, %parallel_loop3A_180, %parallel_loop3A_181] {strides = array<i32>} : memref<2x40x128xi32, #tpu.memory_space<vmem>>, vector<1x1x16xi32>,
          %parallel_loop3A_183 = vector.shape_cast %parallel_loop3A_182 : vector<1x1x16xi32> to vector<16xi32>
          %parallel_loop3A_184 = arith.index_cast %select_n3A_141 : i32 to index
          %parallel_loop3A_185 = arith.index_cast %parallel_loop3A_178 : i32 to index
          %parallel_loop3A_186 = arith.constant 16 : index
          %parallel_loop3A_187 = tpu.vector_load %arg10[%parallel_loop3A_184, %parallel_loop3A_185, %parallel_loop3A_186] {strides = array<i32>} : memref<2x40x128xi32, #tpu.memory_space<vmem>>, vector<1x1x16xi32>,
          %parallel_loop3A_188 = vector.shape_cast %parallel_loop3A_187 : vector<1x1x16xi32> to vector<16xi32>
          %parallel_loop3A_189 = arith.index_cast %select_n3A_141 : i32 to index
          %parallel_loop3A_190 = arith.index_cast %parallel_loop3A_178 : i32 to index
          %parallel_loop3A_191 = arith.constant 32 : index
          %parallel_loop3A_192 = tpu.vector_load %arg10[%parallel_loop3A_189, %parallel_loop3A_190, %parallel_loop3A_191] {strides = array<i32>} : memref<2x40x128xi32, #tpu.memory_space<vmem>>, vector<1x1x16xi32>,
          %parallel_loop3A_193 = vector.shape_cast %parallel_loop3A_192 : vector<1x1x16xi32> to vector<16xi32>
          %parallel_loop3A_194 = arith.index_cast %select_n3A_141 : i32 to index
          %parallel_loop3A_195 = arith.index_cast %parallel_loop3A_178 : i32 to index
          %parallel_loop3A_196 = arith.constant 48 : index
          %parallel_loop3A_197 = tpu.vector_load %arg10[%parallel_loop3A_194, %parallel_loop3A_195, %parallel_loop3A_196] {strides = array<i32>} : memref<2x40x128xi32, #tpu.memory_space<vmem>>, vector<1x1x16xi32>,
          %parallel_loop3A_198 = vector.shape_cast %parallel_loop3A_197 : vector<1x1x16xi32> to vector<16xi32>
          %parallel_loop3A_199 = arith.index_cast %select_n3A_141 : i32 to index
          %parallel_loop3A_200 = arith.index_cast %parallel_loop3A_178 : i32 to index
          %parallel_loop3A_201 = arith.constant 64 : index
          %parallel_loop3A_202 = tpu.vector_load %arg10[%parallel_loop3A_199, %parallel_loop3A_200, %parallel_loop3A_201] {strides = array<i32>} : memref<2x40x128xi32, #tpu.memory_space<vmem>>, vector<1x1x16xi32>,
          %parallel_loop3A_203 = vector.shape_cast %parallel_loop3A_202 : vector<1x1x16xi32> to vector<16xi32>
          %parallel_loop3A_204 = arith.index_cast %select_n3A_141 : i32 to index
          %parallel_loop3A_205 = arith.index_cast %parallel_loop3A_178 : i32 to index
          %parallel_loop3A_206 = arith.constant 80 : index
          %parallel_loop3A_207 = tpu.vector_load %arg10[%parallel_loop3A_204, %parallel_loop3A_205, %parallel_loop3A_206] {strides = array<i32>} : memref<2x40x128xi32, #tpu.memory_space<vmem>>, vector<1x1x16xi32>,
          %parallel_loop3A_208 = vector.shape_cast %parallel_loop3A_207 : vector<1x1x16xi32> to vector<16xi32>
          %parallel_loop3A_209 = arith.index_cast %select_n3A_141 : i32 to index
          %parallel_loop3A_210 = arith.index_cast %parallel_loop3A_178 : i32 to index
          %parallel_loop3A_211 = arith.constant 96 : index
          %parallel_loop3A_212 = tpu.vector_load %arg10[%parallel_loop3A_209, %parallel_loop3A_210, %parallel_loop3A_211] {strides = array<i32>} : memref<2x40x128xi32, #tpu.memory_space<vmem>>, vector<1x1x16xi32>,
          %parallel_loop3A_213 = vector.shape_cast %parallel_loop3A_212 : vector<1x1x16xi32> to vector<16xi32>
          %parallel_loop3A_214 = arith.index_cast %select_n3A_141 : i32 to index
          %parallel_loop3A_215 = arith.index_cast %parallel_loop3A_178 : i32 to index
          %parallel_loop3A_216 = arith.constant 112 : index
          %parallel_loop3A_217 = tpu.vector_load %arg10[%parallel_loop3A_214, %parallel_loop3A_215, %parallel_loop3A_216] {strides = array<i32>} : memref<2x40x128xi32, #tpu.memory_space<vmem>>, vector<1x1x16xi32>,
          %parallel_loop3A_218 = vector.shape_cast %parallel_loop3A_217 : vector<1x1x16xi32> to vector<16xi32>
          %parallel_loop3A_219 = arith.constant 2 : i32
          %parallel_loop3A_220 = arith.muli %parallel_loop3A_219, %parallel_loop3A_178 : i32
          %parallel_loop3A_221 = arith.index_cast %select_n3A_123 : i32 to index
          %parallel_loop3A_222 = arith.index_cast %parallel_loop3A_220 : i32 to index
          %parallel_loop3A_223 = arith.constant 0 : index
          %parallel_loop3A_224 = tpu.vector_load %arg9[%parallel_loop3A_221, %parallel_loop3A_222, %parallel_loop3A_223] {strides = array<i32>} : memref<3x80x128xf32, #tpu.memory_space<vmem>>, vector<1x1x16xf32>,
          %parallel_loop3A_225 = vector.shape_cast %parallel_loop3A_224 : vector<1x1x16xf32> to vector<16xf32>
          %parallel_loop3A_226 = arith.constant 2 : i32
          %parallel_loop3A_227 = arith.muli %parallel_loop3A_226, %parallel_loop3A_178 : i32
          %parallel_loop3A_228 = arith.index_cast %select_n3A_123 : i32 to index
          %parallel_loop3A_229 = arith.index_cast %parallel_loop3A_227 : i32 to index
          %parallel_loop3A_230 = arith.constant 16 : index
          %parallel_loop3A_231 = tpu.vector_load %arg9[%parallel_loop3A_228, %parallel_loop3A_229, %parallel_loop3A_230] {strides = array<i32>} : memref<3x80x128xf32, #tpu.memory_space<vmem>>, vector<1x1x16xf32>,
          %parallel_loop3A_232 = vector.shape_cast %parallel_loop3A_231 : vector<1x1x16xf32> to vector<16xf32>
          %parallel_loop3A_233 = arith.constant 2 : i32
          %parallel_loop3A_234 = arith.muli %parallel_loop3A_233, %parallel_loop3A_178 : i32
          %parallel_loop3A_235 = arith.index_cast %select_n3A_123 : i32 to index
          %parallel_loop3A_236 = arith.index_cast %parallel_loop3A_234 : i32 to index
          %parallel_loop3A_237 = arith.constant 32 : index
          %parallel_loop3A_238 = tpu.vector_load %arg9[%parallel_loop3A_235, %parallel_loop3A_236, %parallel_loop3A_237] {strides = array<i32>} : memref<3x80x128xf32, #tpu.memory_space<vmem>>, vector<1x1x16xf32>,
          %parallel_loop3A_239 = vector.shape_cast %parallel_loop3A_238 : vector<1x1x16xf32> to vector<16xf32>
          %parallel_loop3A_240 = arith.constant 2 : i32
          %parallel_loop3A_241 = arith.muli %parallel_loop3A_240, %parallel_loop3A_178 : i32
          %parallel_loop3A_242 = arith.index_cast %select_n3A_123 : i32 to index
          %parallel_loop3A_243 = arith.index_cast %parallel_loop3A_241 : i32 to index
          %parallel_loop3A_244 = arith.constant 48 : index
          %parallel_loop3A_245 = tpu.vector_load %arg9[%parallel_loop3A_242, %parallel_loop3A_243, %parallel_loop3A_244] {strides = array<i32>} : memref<3x80x128xf32, #tpu.memory_space<vmem>>, vector<1x1x16xf32>,
          %parallel_loop3A_246 = vector.shape_cast %parallel_loop3A_245 : vector<1x1x16xf32> to vector<16xf32>
          %parallel_loop3A_247 = arith.constant 2 : i32
          %parallel_loop3A_248 = arith.muli %parallel_loop3A_247, %parallel_loop3A_178 : i32
          %parallel_loop3A_249 = arith.index_cast %select_n3A_123 : i32 to index
          %parallel_loop3A_250 = arith.index_cast %parallel_loop3A_248 : i32 to index
          %parallel_loop3A_251 = arith.constant 64 : index
          %parallel_loop3A_252 = tpu.vector_load %arg9[%parallel_loop3A_249, %parallel_loop3A_250, %parallel_loop3A_251] {strides = array<i32>} : memref<3x80x128xf32, #tpu.memory_space<vmem>>, vector<1x1x16xf32>,
          %parallel_loop3A_253 = vector.shape_cast %parallel_loop3A_252 : vector<1x1x16xf32> to vector<16xf32>
          %parallel_loop3A_254 = arith.constant 2 : i32
          %parallel_loop3A_255 = arith.muli %parallel_loop3A_254, %parallel_loop3A_178 : i32
          %parallel_loop3A_256 = arith.index_cast %select_n3A_123 : i32 to index
          %parallel_loop3A_257 = arith.index_cast %parallel_loop3A_255 : i32 to index
          %parallel_loop3A_258 = arith.constant 80 : index
          %parallel_loop3A_259 = tpu.vector_load %arg9[%parallel_loop3A_256, %parallel_loop3A_257, %parallel_loop3A_258] {strides = array<i32>} : memref<3x80x128xf32, #tpu.memory_space<vmem>>, vector<1x1x16xf32>,
          %parallel_loop3A_260 = vector.shape_cast %parallel_loop3A_259 : vector<1x1x16xf32> to vector<16xf32>
          %parallel_loop3A_261 = arith.constant 2 : i32
          %parallel_loop3A_262 = arith.muli %parallel_loop3A_261, %parallel_loop3A_178 : i32
          %parallel_loop3A_263 = arith.index_cast %select_n3A_123 : i32 to index
          %parallel_loop3A_264 = arith.index_cast %parallel_loop3A_262 : i32 to index
          %parallel_loop3A_265 = arith.constant 96 : index
          %parallel_loop3A_266 = tpu.vector_load %arg9[%parallel_loop3A_263, %parallel_loop3A_264, %parallel_loop3A_265] {strides = array<i32>} : memref<3x80x128xf32, #tpu.memory_space<vmem>>, vector<1x1x16xf32>,
          %parallel_loop3A_267 = vector.shape_cast %parallel_loop3A_266 : vector<1x1x16xf32> to vector<16xf32>
          %parallel_loop3A_268 = arith.constant 2 : i32
          %parallel_loop3A_269 = arith.muli %parallel_loop3A_268, %parallel_loop3A_178 : i32
          %parallel_loop3A_270 = arith.index_cast %select_n3A_123 : i32 to index
          %parallel_loop3A_271 = arith.index_cast %parallel_loop3A_269 : i32 to index
          %parallel_loop3A_272 = arith.constant 112 : index
          %parallel_loop3A_273 = tpu.vector_load %arg9[%parallel_loop3A_270, %parallel_loop3A_271, %parallel_loop3A_272] {strides = array<i32>} : memref<3x80x128xf32, #tpu.memory_space<vmem>>, vector<1x1x16xf32>,
          %parallel_loop3A_274 = vector.shape_cast %parallel_loop3A_273 : vector<1x1x16xf32> to vector<16xf32>
          %parallel_loop3A_275 = arith.constant 2 : i32
          %parallel_loop3A_276 = arith.muli %parallel_loop3A_275, %parallel_loop3A_178 : i32
          %parallel_loop3A_277 = arith.constant 1 : i32
          %parallel_loop3A_278 = arith.addi %parallel_loop3A_276, %parallel_loop3A_277 : i32
          %parallel_loop3A_279 = arith.index_cast %select_n3A_123 : i32 to index
          %parallel_loop3A_280 = arith.index_cast %parallel_loop3A_278 : i32 to index
          %parallel_loop3A_281 = arith.constant 0 : index
          %parallel_loop3A_282 = tpu.vector_load %arg9[%parallel_loop3A_279, %parallel_loop3A_280, %parallel_loop3A_281] {strides = array<i32>} : memref<3x80x128xf32, #tpu.memory_space<vmem>>, vector<1x1x16xf32>,
          %parallel_loop3A_283 = vector.shape_cast %parallel_loop3A_282 : vector<1x1x16xf32> to vector<16xf32>
          %parallel_loop3A_284 = arith.constant 2 : i32
          %parallel_loop3A_285 = arith.muli %parallel_loop3A_284, %parallel_loop3A_178 : i32
          %parallel_loop3A_286 = arith.constant 1 : i32
          %parallel_loop3A_287 = arith.addi %parallel_loop3A_285, %parallel_loop3A_286 : i32
          %parallel_loop3A_288 = arith.index_cast %select_n3A_123 : i32 to index
          %parallel_loop3A_289 = arith.index_cast %parallel_loop3A_287 : i32 to index
          %parallel_loop3A_290 = arith.constant 16 : index
          %parallel_loop3A_291 = tpu.vector_load %arg9[%parallel_loop3A_288, %parallel_loop3A_289, %parallel_loop3A_290] {strides = array<i32>} : memref<3x80x128xf32, #tpu.memory_space<vmem>>, vector<1x1x16xf32>,
          %parallel_loop3A_292 = vector.shape_cast %parallel_loop3A_291 : vector<1x1x16xf32> to vector<16xf32>
          %parallel_loop3A_293 = arith.constant 2 : i32
          %parallel_loop3A_294 = arith.muli %parallel_loop3A_293, %parallel_loop3A_178 : i32
          %parallel_loop3A_295 = arith.constant 1 : i32
          %parallel_loop3A_296 = arith.addi %parallel_loop3A_294, %parallel_loop3A_295 : i32
          %parallel_loop3A_297 = arith.index_cast %select_n3A_123 : i32 to index
          %parallel_loop3A_298 = arith.index_cast %parallel_loop3A_296 : i32 to index
          %parallel_loop3A_299 = arith.constant 32 : index
          %parallel_loop3A_300 = tpu.vector_load %arg9[%parallel_loop3A_297, %parallel_loop3A_298, %parallel_loop3A_299] {strides = array<i32>} : memref<3x80x128xf32, #tpu.memory_space<vmem>>, vector<1x1x16xf32>,
          %parallel_loop3A_301 = vector.shape_cast %parallel_loop3A_300 : vector<1x1x16xf32> to vector<16xf32>
          %parallel_loop3A_302 = arith.constant 2 : i32
          %parallel_loop3A_303 = arith.muli %parallel_loop3A_302, %parallel_loop3A_178 : i32
          %parallel_loop3A_304 = arith.constant 1 : i32
          %parallel_loop3A_305 = arith.addi %parallel_loop3A_303, %parallel_loop3A_304 : i32
          %parallel_loop3A_306 = arith.index_cast %select_n3A_123 : i32 to index
          %parallel_loop3A_307 = arith.index_cast %parallel_loop3A_305 : i32 to index
          %parallel_loop3A_308 = arith.constant 48 : index
          %parallel_loop3A_309 = tpu.vector_load %arg9[%parallel_loop3A_306, %parallel_loop3A_307, %parallel_loop3A_308] {strides = array<i32>} : memref<3x80x128xf32, #tpu.memory_space<vmem>>, vector<1x1x16xf32>,
          %parallel_loop3A_310 = vector.shape_cast %parallel_loop3A_309 : vector<1x1x16xf32> to vector<16xf32>
          %parallel_loop3A_311 = arith.constant 2 : i32
          %parallel_loop3A_312 = arith.muli %parallel_loop3A_311, %parallel_loop3A_178 : i32
          %parallel_loop3A_313 = arith.constant 1 : i32
          %parallel_loop3A_314 = arith.addi %parallel_loop3A_312, %parallel_loop3A_313 : i32
          %parallel_loop3A_315 = arith.index_cast %select_n3A_123 : i32 to index
          %parallel_loop3A_316 = arith.index_cast %parallel_loop3A_314 : i32 to index
          %parallel_loop3A_317 = arith.constant 64 : index
          %parallel_loop3A_318 = tpu.vector_load %arg9[%parallel_loop3A_315, %parallel_loop3A_316, %parallel_loop3A_317] {strides = array<i32>} : memref<3x80x128xf32, #tpu.memory_space<vmem>>, vector<1x1x16xf32>,
          %parallel_loop3A_319 = vector.shape_cast %parallel_loop3A_318 : vector<1x1x16xf32> to vector<16xf32>
          %parallel_loop3A_320 = arith.constant 2 : i32
          %parallel_loop3A_321 = arith.muli %parallel_loop3A_320, %parallel_loop3A_178 : i32
          %parallel_loop3A_322 = arith.constant 1 : i32
          %parallel_loop3A_323 = arith.addi %parallel_loop3A_321, %parallel_loop3A_322 : i32
          %parallel_loop3A_324 = arith.index_cast %select_n3A_123 : i32 to index
          %parallel_loop3A_325 = arith.index_cast %parallel_loop3A_323 : i32 to index
          %parallel_loop3A_326 = arith.constant 80 : index
          %parallel_loop3A_327 = tpu.vector_load %arg9[%parallel_loop3A_324, %parallel_loop3A_325, %parallel_loop3A_326] {strides = array<i32>} : memref<3x80x128xf32, #tpu.memory_space<vmem>>, vector<1x1x16xf32>,
          %parallel_loop3A_328 = vector.shape_cast %parallel_loop3A_327 : vector<1x1x16xf32> to vector<16xf32>
          %parallel_loop3A_329 = arith.constant 2 : i32
          %parallel_loop3A_330 = arith.muli %parallel_loop3A_329, %parallel_loop3A_178 : i32
          %parallel_loop3A_331 = arith.constant 1 : i32
          %parallel_loop3A_332 = arith.addi %parallel_loop3A_330, %parallel_loop3A_331 : i32
          %parallel_loop3A_333 = arith.index_cast %select_n3A_123 : i32 to index
          %parallel_loop3A_334 = arith.index_cast %parallel_loop3A_332 : i32 to index
          %parallel_loop3A_335 = arith.constant 96 : index
          %parallel_loop3A_336 = tpu.vector_load %arg9[%parallel_loop3A_333, %parallel_loop3A_334, %parallel_loop3A_335] {strides = array<i32>} : memref<3x80x128xf32, #tpu.memory_space<vmem>>, vector<1x1x16xf32>,
          %parallel_loop3A_337 = vector.shape_cast %parallel_loop3A_336 : vector<1x1x16xf32> to vector<16xf32>
          %parallel_loop3A_338 = arith.constant 2 : i32
          %parallel_loop3A_339 = arith.muli %parallel_loop3A_338, %parallel_loop3A_178 : i32
          %parallel_loop3A_340 = arith.constant 1 : i32
          %parallel_loop3A_341 = arith.addi %parallel_loop3A_339, %parallel_loop3A_340 : i32
          %parallel_loop3A_342 = arith.index_cast %select_n3A_123 : i32 to index
          %parallel_loop3A_343 = arith.index_cast %parallel_loop3A_341 : i32 to index
          %parallel_loop3A_344 = arith.constant 112 : index
          %parallel_loop3A_345 = tpu.vector_load %arg9[%parallel_loop3A_342, %parallel_loop3A_343, %parallel_loop3A_344] {strides = array<i32>} : memref<3x80x128xf32, #tpu.memory_space<vmem>>, vector<1x1x16xf32>,
          %parallel_loop3A_346 = vector.shape_cast %parallel_loop3A_345 : vector<1x1x16xf32> to vector<16xf32>
          %parallel_loop3A_347 = arith.constant 16 : i32
          %parallel_loop3A_348 = vector.broadcast %parallel_loop3A_347 : i32 to vector<16xi32>
          %parallel_loop3A_349 = arith.shli %parallel_loop3A_183, %parallel_loop3A_348 : vector<16xi32>
          %parallel_loop3A_350 = tpu.bitcast %parallel_loop3A_349 : vector<16xi32> -> vector<16xf32>
          %parallel_loop3A_351 = arith.constant -65536 : i32
          %parallel_loop3A_352 = vector.broadcast %parallel_loop3A_351 : i32 to vector<16xi32>
          %parallel_loop3A_353 = arith.andi %parallel_loop3A_183, %parallel_loop3A_352 : vector<16xi32>
          %parallel_loop3A_354 = tpu.bitcast %parallel_loop3A_353 : vector<16xi32> -> vector<16xf32>
          %parallel_loop3A_355 = arith.mulf %parallel_loop3A_225, %parallel_loop3A_350 : vector<16xf32>
          %parallel_loop3A_356 = arith.constant 2 : i32
          %parallel_loop3A_357 = arith.muli %parallel_loop3A_356, %parallel_loop3A_178 : i32
          %parallel_loop3A_358 = arith.index_cast %select_n3A_123 : i32 to index
          %parallel_loop3A_359 = arith.index_cast %parallel_loop3A_357 : i32 to index
          %parallel_loop3A_360 = arith.constant 0 : index
          %parallel_loop3A_361 = tpu.vector_load %arg9[%parallel_loop3A_358, %parallel_loop3A_359, %parallel_loop3A_360] {strides = array<i32>} : memref<3x80x128xf32, #tpu.memory_space<vmem>>, vector<1x1x16xf32>,
          %parallel_loop3A_362 = vector.shape_cast %parallel_loop3A_361 : vector<1x1x16xf32> to vector<16xf32>
          %parallel_loop3A_363 = vector.shape_cast %parallel_loop3A_355 : vector<16xf32> to vector<1x1x16xf32>
          tpu.vector_store %arg9[%parallel_loop3A_358, %parallel_loop3A_359, %parallel_loop3A_360], %parallel_loop3A_363 {strides = array<i32>} : memref<3x80x128xf32, #tpu.memory_space<vmem>>, vector<1x1x16xf32>,
          %parallel_loop3A_364 = arith.mulf %parallel_loop3A_283, %parallel_loop3A_354 : vector<16xf32>
          %parallel_loop3A_365 = arith.constant 2 : i32
          %parallel_loop3A_366 = arith.muli %parallel_loop3A_365, %parallel_loop3A_178 : i32
          %parallel_loop3A_367 = arith.constant 1 : i32
          %parallel_loop3A_368 = arith.addi %parallel_loop3A_366, %parallel_loop3A_367 : i32
          %parallel_loop3A_369 = arith.index_cast %select_n3A_123 : i32 to index
          %parallel_loop3A_370 = arith.index_cast %parallel_loop3A_368 : i32 to index
          %parallel_loop3A_371 = arith.constant 0 : index
          %parallel_loop3A_372 = tpu.vector_load %arg9[%parallel_loop3A_369, %parallel_loop3A_370, %parallel_loop3A_371] {strides = array<i32>} : memref<3x80x128xf32, #tpu.memory_space<vmem>>, vector<1x1x16xf32>,
          %parallel_loop3A_373 = vector.shape_cast %parallel_loop3A_372 : vector<1x1x16xf32> to vector<16xf32>
          %parallel_loop3A_374 = vector.shape_cast %parallel_loop3A_364 : vector<16xf32> to vector<1x1x16xf32>
          tpu.vector_store %arg9[%parallel_loop3A_369, %parallel_loop3A_370, %parallel_loop3A_371], %parallel_loop3A_374 {strides = array<i32>} : memref<3x80x128xf32, #tpu.memory_space<vmem>>, vector<1x1x16xf32>,
          %parallel_loop3A_375 = arith.constant 16 : i32
          %parallel_loop3A_376 = vector.broadcast %parallel_loop3A_375 : i32 to vector<16xi32>
          %parallel_loop3A_377 = arith.shli %parallel_loop3A_188, %parallel_loop3A_376 : vector<16xi32>
          %parallel_loop3A_378 = tpu.bitcast %parallel_loop3A_377 : vector<16xi32> -> vector<16xf32>
          %parallel_loop3A_379 = arith.constant -65536 : i32
          %parallel_loop3A_380 = vector.broadcast %parallel_loop3A_379 : i32 to vector<16xi32>
          %parallel_loop3A_381 = arith.andi %parallel_loop3A_188, %parallel_loop3A_380 : vector<16xi32>
          %parallel_loop3A_382 = tpu.bitcast %parallel_loop3A_381 : vector<16xi32> -> vector<16xf32>
          %parallel_loop3A_383 = arith.mulf %parallel_loop3A_232, %parallel_loop3A_378 : vector<16xf32>
          %parallel_loop3A_384 = arith.constant 2 : i32
          %parallel_loop3A_385 = arith.muli %parallel_loop3A_384, %parallel_loop3A_178 : i32
          %parallel_loop3A_386 = arith.index_cast %select_n3A_123 : i32 to index
          %parallel_loop3A_387 = arith.index_cast %parallel_loop3A_385 : i32 to index
          %parallel_loop3A_388 = arith.constant 16 : index
          %parallel_loop3A_389 = tpu.vector_load %arg9[%parallel_loop3A_386, %parallel_loop3A_387, %parallel_loop3A_388] {strides = array<i32>} : memref<3x80x128xf32, #tpu.memory_space<vmem>>, vector<1x1x16xf32>,
          %parallel_loop3A_390 = vector.shape_cast %parallel_loop3A_389 : vector<1x1x16xf32> to vector<16xf32>
          %parallel_loop3A_391 = vector.shape_cast %parallel_loop3A_383 : vector<16xf32> to vector<1x1x16xf32>
          tpu.vector_store %arg9[%parallel_loop3A_386, %parallel_loop3A_387, %parallel_loop3A_388], %parallel_loop3A_391 {strides = array<i32>} : memref<3x80x128xf32, #tpu.memory_space<vmem>>, vector<1x1x16xf32>,
          %parallel_loop3A_392 = arith.mulf %parallel_loop3A_292, %parallel_loop3A_382 : vector<16xf32>
          %parallel_loop3A_393 = arith.constant 2 : i32
          %parallel_loop3A_394 = arith.muli %parallel_loop3A_393, %parallel_loop3A_178 : i32
          %parallel_loop3A_395 = arith.constant 1 : i32
          %parallel_loop3A_396 = arith.addi %parallel_loop3A_394, %parallel_loop3A_395 : i32
          %parallel_loop3A_397 = arith.index_cast %select_n3A_123 : i32 to index
          %parallel_loop3A_398 = arith.index_cast %parallel_loop3A_396 : i32 to index
          %parallel_loop3A_399 = arith.constant 16 : index
          %parallel_loop3A_400 = tpu.vector_load %arg9[%parallel_loop3A_397, %parallel_loop3A_398, %parallel_loop3A_399] {strides = array<i32>} : memref<3x80x128xf32, #tpu.memory_space<vmem>>, vector<1x1x16xf32>,
          %parallel_loop3A_401 = vector.shape_cast %parallel_loop3A_400 : vector<1x1x16xf32> to vector<16xf32>
          %parallel_loop3A_402 = vector.shape_cast %parallel_loop3A_392 : vector<16xf32> to vector<1x1x16xf32>
          tpu.vector_store %arg9[%parallel_loop3A_397, %parallel_loop3A_398, %parallel_loop3A_399], %parallel_loop3A_402 {strides = array<i32>} : memref<3x80x128xf32, #tpu.memory_space<vmem>>, vector<1x1x16xf32>,
          %parallel_loop3A_403 = arith.constant 16 : i32
          %parallel_loop3A_404 = vector.broadcast %parallel_loop3A_403 : i32 to vector<16xi32>
          %parallel_loop3A_405 = arith.shli %parallel_loop3A_193, %parallel_loop3A_404 : vector<16xi32>
          %parallel_loop3A_406 = tpu.bitcast %parallel_loop3A_405 : vector<16xi32> -> vector<16xf32>
          %parallel_loop3A_407 = arith.constant -65536 : i32
          %parallel_loop3A_408 = vector.broadcast %parallel_loop3A_407 : i32 to vector<16xi32>
          %parallel_loop3A_409 = arith.andi %parallel_loop3A_193, %parallel_loop3A_408 : vector<16xi32>
          %parallel_loop3A_410 = tpu.bitcast %parallel_loop3A_409 : vector<16xi32> -> vector<16xf32>
          %parallel_loop3A_411 = arith.mulf %parallel_loop3A_239, %parallel_loop3A_406 : vector<16xf32>
          %parallel_loop3A_412 = arith.constant 2 : i32
          %parallel_loop3A_413 = arith.muli %parallel_loop3A_412, %parallel_loop3A_178 : i32
          %parallel_loop3A_414 = arith.index_cast %select_n3A_123 : i32 to index
          %parallel_loop3A_415 = arith.index_cast %parallel_loop3A_413 : i32 to index
          %parallel_loop3A_416 = arith.constant 32 : index
          %parallel_loop3A_417 = tpu.vector_load %arg9[%parallel_loop3A_414, %parallel_loop3A_415, %parallel_loop3A_416] {strides = array<i32>} : memref<3x80x128xf32, #tpu.memory_space<vmem>>, vector<1x1x16xf32>,
          %parallel_loop3A_418 = vector.shape_cast %parallel_loop3A_417 : vector<1x1x16xf32> to vector<16xf32>
          %parallel_loop3A_419 = vector.shape_cast %parallel_loop3A_411 : vector<16xf32> to vector<1x1x16xf32>
          tpu.vector_store %arg9[%parallel_loop3A_414, %parallel_loop3A_415, %parallel_loop3A_416], %parallel_loop3A_419 {strides = array<i32>} : memref<3x80x128xf32, #tpu.memory_space<vmem>>, vector<1x1x16xf32>,
          %parallel_loop3A_420 = arith.mulf %parallel_loop3A_301, %parallel_loop3A_410 : vector<16xf32>
          %parallel_loop3A_421 = arith.constant 2 : i32
          %parallel_loop3A_422 = arith.muli %parallel_loop3A_421, %parallel_loop3A_178 : i32
          %parallel_loop3A_423 = arith.constant 1 : i32
          %parallel_loop3A_424 = arith.addi %parallel_loop3A_422, %parallel_loop3A_423 : i32
          %parallel_loop3A_425 = arith.index_cast %select_n3A_123 : i32 to index
          %parallel_loop3A_426 = arith.index_cast %parallel_loop3A_424 : i32 to index
          %parallel_loop3A_427 = arith.constant 32 : index
          %parallel_loop3A_428 = tpu.vector_load %arg9[%parallel_loop3A_425, %parallel_loop3A_426, %parallel_loop3A_427] {strides = array<i32>} : memref<3x80x128xf32, #tpu.memory_space<vmem>>, vector<1x1x16xf32>,
          %parallel_loop3A_429 = vector.shape_cast %parallel_loop3A_428 : vector<1x1x16xf32> to vector<16xf32>
          %parallel_loop3A_430 = vector.shape_cast %parallel_loop3A_420 : vector<16xf32> to vector<1x1x16xf32>
          tpu.vector_store %arg9[%parallel_loop3A_425, %parallel_loop3A_426, %parallel_loop3A_427], %parallel_loop3A_430 {strides = array<i32>} : memref<3x80x128xf32, #tpu.memory_space<vmem>>, vector<1x1x16xf32>,
          %parallel_loop3A_431 = arith.constant 16 : i32
          %parallel_loop3A_432 = vector.broadcast %parallel_loop3A_431 : i32 to vector<16xi32>
          %parallel_loop3A_433 = arith.shli %parallel_loop3A_198, %parallel_loop3A_432 : vector<16xi32>
          %parallel_loop3A_434 = tpu.bitcast %parallel_loop3A_433 : vector<16xi32> -> vector<16xf32>
          %parallel_loop3A_435 = arith.constant -65536 : i32
          %parallel_loop3A_436 = vector.broadcast %parallel_loop3A_435 : i32 to vector<16xi32>
          %parallel_loop3A_437 = arith.andi %parallel_loop3A_198, %parallel_loop3A_436 : vector<16xi32>
          %parallel_loop3A_438 = tpu.bitcast %parallel_loop3A_437 : vector<16xi32> -> vector<16xf32>
          %parallel_loop3A_439 = arith.mulf %parallel_loop3A_246, %parallel_loop3A_434 : vector<16xf32>
          %parallel_loop3A_440 = arith.constant 2 : i32
          %parallel_loop3A_441 = arith.muli %parallel_loop3A_440, %parallel_loop3A_178 : i32
          %parallel_loop3A_442 = arith.index_cast %select_n3A_123 : i32 to index
          %parallel_loop3A_443 = arith.index_cast %parallel_loop3A_441 : i32 to index
          %parallel_loop3A_444 = arith.constant 48 : index
          %parallel_loop3A_445 = tpu.vector_load %arg9[%parallel_loop3A_442, %parallel_loop3A_443, %parallel_loop3A_444] {strides = array<i32>} : memref<3x80x128xf32, #tpu.memory_space<vmem>>, vector<1x1x16xf32>,
          %parallel_loop3A_446 = vector.shape_cast %parallel_loop3A_445 : vector<1x1x16xf32> to vector<16xf32>
          %parallel_loop3A_447 = vector.shape_cast %parallel_loop3A_439 : vector<16xf32> to vector<1x1x16xf32>
          tpu.vector_store %arg9[%parallel_loop3A_442, %parallel_loop3A_443, %parallel_loop3A_444], %parallel_loop3A_447 {strides = array<i32>} : memref<3x80x128xf32, #tpu.memory_space<vmem>>, vector<1x1x16xf32>,
          %parallel_loop3A_448 = arith.mulf %parallel_loop3A_310, %parallel_loop3A_438 : vector<16xf32>
          %parallel_loop3A_449 = arith.constant 2 : i32
          %parallel_loop3A_450 = arith.muli %parallel_loop3A_449, %parallel_loop3A_178 : i32
          %parallel_loop3A_451 = arith.constant 1 : i32
          %parallel_loop3A_452 = arith.addi %parallel_loop3A_450, %parallel_loop3A_451 : i32
          %parallel_loop3A_453 = arith.index_cast %select_n3A_123 : i32 to index
          %parallel_loop3A_454 = arith.index_cast %parallel_loop3A_452 : i32 to index
          %parallel_loop3A_455 = arith.constant 48 : index
          %parallel_loop3A_456 = tpu.vector_load %arg9[%parallel_loop3A_453, %parallel_loop3A_454, %parallel_loop3A_455] {strides = array<i32>} : memref<3x80x128xf32, #tpu.memory_space<vmem>>, vector<1x1x16xf32>,
          %parallel_loop3A_457 = vector.shape_cast %parallel_loop3A_456 : vector<1x1x16xf32> to vector<16xf32>
          %parallel_loop3A_458 = vector.shape_cast %parallel_loop3A_448 : vector<16xf32> to vector<1x1x16xf32>
          tpu.vector_store %arg9[%parallel_loop3A_453, %parallel_loop3A_454, %parallel_loop3A_455], %parallel_loop3A_458 {strides = array<i32>} : memref<3x80x128xf32, #tpu.memory_space<vmem>>, vector<1x1x16xf32>,
          %parallel_loop3A_459 = arith.constant 16 : i32
          %parallel_loop3A_460 = vector.broadcast %parallel_loop3A_459 : i32 to vector<16xi32>
          %parallel_loop3A_461 = arith.shli %parallel_loop3A_203, %parallel_loop3A_460 : vector<16xi32>
          %parallel_loop3A_462 = tpu.bitcast %parallel_loop3A_461 : vector<16xi32> -> vector<16xf32>
          %parallel_loop3A_463 = arith.constant -65536 : i32
          %parallel_loop3A_464 = vector.broadcast %parallel_loop3A_463 : i32 to vector<16xi32>
          %parallel_loop3A_465 = arith.andi %parallel_loop3A_203, %parallel_loop3A_464 : vector<16xi32>
          %parallel_loop3A_466 = tpu.bitcast %parallel_loop3A_465 : vector<16xi32> -> vector<16xf32>
          %parallel_loop3A_467 = arith.mulf %parallel_loop3A_253, %parallel_loop3A_462 : vector<16xf32>
          %parallel_loop3A_468 = arith.constant 2 : i32
          %parallel_loop3A_469 = arith.muli %parallel_loop3A_468, %parallel_loop3A_178 : i32
          %parallel_loop3A_470 = arith.index_cast %select_n3A_123 : i32 to index
          %parallel_loop3A_471 = arith.index_cast %parallel_loop3A_469 : i32 to index
          %parallel_loop3A_472 = arith.constant 64 : index
          %parallel_loop3A_473 = tpu.vector_load %arg9[%parallel_loop3A_470, %parallel_loop3A_471, %parallel_loop3A_472] {strides = array<i32>} : memref<3x80x128xf32, #tpu.memory_space<vmem>>, vector<1x1x16xf32>,
          %parallel_loop3A_474 = vector.shape_cast %parallel_loop3A_473 : vector<1x1x16xf32> to vector<16xf32>
          %parallel_loop3A_475 = vector.shape_cast %parallel_loop3A_467 : vector<16xf32> to vector<1x1x16xf32>
          tpu.vector_store %arg9[%parallel_loop3A_470, %parallel_loop3A_471, %parallel_loop3A_472], %parallel_loop3A_475 {strides = array<i32>} : memref<3x80x128xf32, #tpu.memory_space<vmem>>, vector<1x1x16xf32>,
          %parallel_loop3A_476 = arith.mulf %parallel_loop3A_319, %parallel_loop3A_466 : vector<16xf32>
          %parallel_loop3A_477 = arith.constant 2 : i32
          %parallel_loop3A_478 = arith.muli %parallel_loop3A_477, %parallel_loop3A_178 : i32
          %parallel_loop3A_479 = arith.constant 1 : i32
          %parallel_loop3A_480 = arith.addi %parallel_loop3A_478, %parallel_loop3A_479 : i32
          %parallel_loop3A_481 = arith.index_cast %select_n3A_123 : i32 to index
          %parallel_loop3A_482 = arith.index_cast %parallel_loop3A_480 : i32 to index
          %parallel_loop3A_483 = arith.constant 64 : index
          %parallel_loop3A_484 = tpu.vector_load %arg9[%parallel_loop3A_481, %parallel_loop3A_482, %parallel_loop3A_483] {strides = array<i32>} : memref<3x80x128xf32, #tpu.memory_space<vmem>>, vector<1x1x16xf32>,
          %parallel_loop3A_485 = vector.shape_cast %parallel_loop3A_484 : vector<1x1x16xf32> to vector<16xf32>
          %parallel_loop3A_486 = vector.shape_cast %parallel_loop3A_476 : vector<16xf32> to vector<1x1x16xf32>
          tpu.vector_store %arg9[%parallel_loop3A_481, %parallel_loop3A_482, %parallel_loop3A_483], %parallel_loop3A_486 {strides = array<i32>} : memref<3x80x128xf32, #tpu.memory_space<vmem>>, vector<1x1x16xf32>,
          %parallel_loop3A_487 = arith.constant 16 : i32
          %parallel_loop3A_488 = vector.broadcast %parallel_loop3A_487 : i32 to vector<16xi32>
          %parallel_loop3A_489 = arith.shli %parallel_loop3A_208, %parallel_loop3A_488 : vector<16xi32>
          %parallel_loop3A_490 = tpu.bitcast %parallel_loop3A_489 : vector<16xi32> -> vector<16xf32>
          %parallel_loop3A_491 = arith.constant -65536 : i32
          %parallel_loop3A_492 = vector.broadcast %parallel_loop3A_491 : i32 to vector<16xi32>
          %parallel_loop3A_493 = arith.andi %parallel_loop3A_208, %parallel_loop3A_492 : vector<16xi32>
          %parallel_loop3A_494 = tpu.bitcast %parallel_loop3A_493 : vector<16xi32> -> vector<16xf32>
          %parallel_loop3A_495 = arith.mulf %parallel_loop3A_260, %parallel_loop3A_490 : vector<16xf32>
          %parallel_loop3A_496 = arith.constant 2 : i32
          %parallel_loop3A_497 = arith.muli %parallel_loop3A_496, %parallel_loop3A_178 : i32
          %parallel_loop3A_498 = arith.index_cast %select_n3A_123 : i32 to index
          %parallel_loop3A_499 = arith.index_cast %parallel_loop3A_497 : i32 to index
          %parallel_loop3A_500 = arith.constant 80 : index
          %parallel_loop3A_501 = tpu.vector_load %arg9[%parallel_loop3A_498, %parallel_loop3A_499, %parallel_loop3A_500] {strides = array<i32>} : memref<3x80x128xf32, #tpu.memory_space<vmem>>, vector<1x1x16xf32>,
          %parallel_loop3A_502 = vector.shape_cast %parallel_loop3A_501 : vector<1x1x16xf32> to vector<16xf32>
          %parallel_loop3A_503 = vector.shape_cast %parallel_loop3A_495 : vector<16xf32> to vector<1x1x16xf32>
          tpu.vector_store %arg9[%parallel_loop3A_498, %parallel_loop3A_499, %parallel_loop3A_500], %parallel_loop3A_503 {strides = array<i32>} : memref<3x80x128xf32, #tpu.memory_space<vmem>>, vector<1x1x16xf32>,
          %parallel_loop3A_504 = arith.mulf %parallel_loop3A_328, %parallel_loop3A_494 : vector<16xf32>
          %parallel_loop3A_505 = arith.constant 2 : i32
          %parallel_loop3A_506 = arith.muli %parallel_loop3A_505, %parallel_loop3A_178 : i32
          %parallel_loop3A_507 = arith.constant 1 : i32
          %parallel_loop3A_508 = arith.addi %parallel_loop3A_506, %parallel_loop3A_507 : i32
          %parallel_loop3A_509 = arith.index_cast %select_n3A_123 : i32 to index
          %parallel_loop3A_510 = arith.index_cast %parallel_loop3A_508 : i32 to index
          %parallel_loop3A_511 = arith.constant 80 : index
          %parallel_loop3A_512 = tpu.vector_load %arg9[%parallel_loop3A_509, %parallel_loop3A_510, %parallel_loop3A_511] {strides = array<i32>} : memref<3x80x128xf32, #tpu.memory_space<vmem>>, vector<1x1x16xf32>,
          %parallel_loop3A_513 = vector.shape_cast %parallel_loop3A_512 : vector<1x1x16xf32> to vector<16xf32>
          %parallel_loop3A_514 = vector.shape_cast %parallel_loop3A_504 : vector<16xf32> to vector<1x1x16xf32>
          tpu.vector_store %arg9[%parallel_loop3A_509, %parallel_loop3A_510, %parallel_loop3A_511], %parallel_loop3A_514 {strides = array<i32>} : memref<3x80x128xf32, #tpu.memory_space<vmem>>, vector<1x1x16xf32>,
          %parallel_loop3A_515 = arith.constant 16 : i32
          %parallel_loop3A_516 = vector.broadcast %parallel_loop3A_515 : i32 to vector<16xi32>
          %parallel_loop3A_517 = arith.shli %parallel_loop3A_213, %parallel_loop3A_516 : vector<16xi32>
          %parallel_loop3A_518 = tpu.bitcast %parallel_loop3A_517 : vector<16xi32> -> vector<16xf32>
          %parallel_loop3A_519 = arith.constant -65536 : i32
          %parallel_loop3A_520 = vector.broadcast %parallel_loop3A_519 : i32 to vector<16xi32>
          %parallel_loop3A_521 = arith.andi %parallel_loop3A_213, %parallel_loop3A_520 : vector<16xi32>
          %parallel_loop3A_522 = tpu.bitcast %parallel_loop3A_521 : vector<16xi32> -> vector<16xf32>
          %parallel_loop3A_523 = arith.mulf %parallel_loop3A_267, %parallel_loop3A_518 : vector<16xf32>
          %parallel_loop3A_524 = arith.constant 2 : i32
          %parallel_loop3A_525 = arith.muli %parallel_loop3A_524, %parallel_loop3A_178 : i32
          %parallel_loop3A_526 = arith.index_cast %select_n3A_123 : i32 to index
          %parallel_loop3A_527 = arith.index_cast %parallel_loop3A_525 : i32 to index
          %parallel_loop3A_528 = arith.constant 96 : index
          %parallel_loop3A_529 = tpu.vector_load %arg9[%parallel_loop3A_526, %parallel_loop3A_527, %parallel_loop3A_528] {strides = array<i32>} : memref<3x80x128xf32, #tpu.memory_space<vmem>>, vector<1x1x16xf32>,
          %parallel_loop3A_530 = vector.shape_cast %parallel_loop3A_529 : vector<1x1x16xf32> to vector<16xf32>
          %parallel_loop3A_531 = vector.shape_cast %parallel_loop3A_523 : vector<16xf32> to vector<1x1x16xf32>
          tpu.vector_store %arg9[%parallel_loop3A_526, %parallel_loop3A_527, %parallel_loop3A_528], %parallel_loop3A_531 {strides = array<i32>} : memref<3x80x128xf32, #tpu.memory_space<vmem>>, vector<1x1x16xf32>,
          %parallel_loop3A_532 = arith.mulf %parallel_loop3A_337, %parallel_loop3A_522 : vector<16xf32>
          %parallel_loop3A_533 = arith.constant 2 : i32
          %parallel_loop3A_534 = arith.muli %parallel_loop3A_533, %parallel_loop3A_178 : i32
          %parallel_loop3A_535 = arith.constant 1 : i32
          %parallel_loop3A_536 = arith.addi %parallel_loop3A_534, %parallel_loop3A_535 : i32
          %parallel_loop3A_537 = arith.index_cast %select_n3A_123 : i32 to index
          %parallel_loop3A_538 = arith.index_cast %parallel_loop3A_536 : i32 to index
          %parallel_loop3A_539 = arith.constant 96 : index
          %parallel_loop3A_540 = tpu.vector_load %arg9[%parallel_loop3A_537, %parallel_loop3A_538, %parallel_loop3A_539] {strides = array<i32>} : memref<3x80x128xf32, #tpu.memory_space<vmem>>, vector<1x1x16xf32>,
          %parallel_loop3A_541 = vector.shape_cast %parallel_loop3A_540 : vector<1x1x16xf32> to vector<16xf32>
          %parallel_loop3A_542 = vector.shape_cast %parallel_loop3A_532 : vector<16xf32> to vector<1x1x16xf32>
          tpu.vector_store %arg9[%parallel_loop3A_537, %parallel_loop3A_538, %parallel_loop3A_539], %parallel_loop3A_542 {strides = array<i32>} : memref<3x80x128xf32, #tpu.memory_space<vmem>>, vector<1x1x16xf32>,
          %parallel_loop3A_543 = arith.constant 16 : i32
          %parallel_loop3A_544 = vector.broadcast %parallel_loop3A_543 : i32 to vector<16xi32>
          %parallel_loop3A_545 = arith.shli %parallel_loop3A_218, %parallel_loop3A_544 : vector<16xi32>
          %parallel_loop3A_546 = tpu.bitcast %parallel_loop3A_545 : vector<16xi32> -> vector<16xf32>
          %parallel_loop3A_547 = arith.constant -65536 : i32
          %parallel_loop3A_548 = vector.broadcast %parallel_loop3A_547 : i32 to vector<16xi32>
          %parallel_loop3A_549 = arith.andi %parallel_loop3A_218, %parallel_loop3A_548 : vector<16xi32>
          %parallel_loop3A_550 = tpu.bitcast %parallel_loop3A_549 : vector<16xi32> -> vector<16xf32>
          %parallel_loop3A_551 = arith.mulf %parallel_loop3A_274, %parallel_loop3A_546 : vector<16xf32>
          %parallel_loop3A_552 = arith.constant 2 : i32
          %parallel_loop3A_553 = arith.muli %parallel_loop3A_552, %parallel_loop3A_178 : i32
          %parallel_loop3A_554 = arith.index_cast %select_n3A_123 : i32 to index
          %parallel_loop3A_555 = arith.index_cast %parallel_loop3A_553 : i32 to index
          %parallel_loop3A_556 = arith.constant 112 : index
          %parallel_loop3A_557 = tpu.vector_load %arg9[%parallel_loop3A_554, %parallel_loop3A_555, %parallel_loop3A_556] {strides = array<i32>} : memref<3x80x128xf32, #tpu.memory_space<vmem>>, vector<1x1x16xf32>,
          %parallel_loop3A_558 = vector.shape_cast %parallel_loop3A_557 : vector<1x1x16xf32> to vector<16xf32>
          %parallel_loop3A_559 = vector.shape_cast %parallel_loop3A_551 : vector<16xf32> to vector<1x1x16xf32>
          tpu.vector_store %arg9[%parallel_loop3A_554, %parallel_loop3A_555, %parallel_loop3A_556], %parallel_loop3A_559 {strides = array<i32>} : memref<3x80x128xf32, #tpu.memory_space<vmem>>, vector<1x1x16xf32>,
          %parallel_loop3A_560 = arith.mulf %parallel_loop3A_346, %parallel_loop3A_550 : vector<16xf32>
          %parallel_loop3A_561 = arith.constant 2 : i32
          %parallel_loop3A_562 = arith.muli %parallel_loop3A_561, %parallel_loop3A_178 : i32
          %parallel_loop3A_563 = arith.constant 1 : i32
          %parallel_loop3A_564 = arith.addi %parallel_loop3A_562, %parallel_loop3A_563 : i32
          %parallel_loop3A_565 = arith.index_cast %select_n3A_123 : i32 to index
          %parallel_loop3A_566 = arith.index_cast %parallel_loop3A_564 : i32 to index
          %parallel_loop3A_567 = arith.constant 112 : index
          %parallel_loop3A_568 = tpu.vector_load %arg9[%parallel_loop3A_565, %parallel_loop3A_566, %parallel_loop3A_567] {strides = array<i32>} : memref<3x80x128xf32, #tpu.memory_space<vmem>>, vector<1x1x16xf32>,
          %parallel_loop3A_569 = vector.shape_cast %parallel_loop3A_568 : vector<1x1x16xf32> to vector<16xf32>
          %parallel_loop3A_570 = vector.shape_cast %parallel_loop3A_560 : vector<16xf32> to vector<1x1x16xf32>
          tpu.vector_store %arg9[%parallel_loop3A_565, %parallel_loop3A_566, %parallel_loop3A_567], %parallel_loop3A_570 {strides = array<i32>} : memref<3x80x128xf32, #tpu.memory_space<vmem>>, vector<1x1x16xf32>,
        } {sc.loop_unroll_factor = 2 : i64, sc.parallel_access}
        %dma_start3A_168 = arith.constant 0 : i32
        %dma_start3A_169 = arith.constant 0 : i32
        %dma_start3A_170 = tpu.memref_slice %arg9[%select_n3A_123, %dma_start3A_168, %dma_start3A_169] : memref<3x80x128xf32, #tpu.memory_space<vmem>> -> memref<1x80x128xf32, #tpu.memory_space<vmem>>
        %dma_start3A_171 = tpu.memref_squeeze %dma_start3A_170 : memref<1x80x128xf32, #tpu.memory_space<vmem>> -> memref<80x128xf32, #tpu.memory_space<vmem>>
        %dma_start3A_172 = arith.constant 0 : i32
        %dma_start3A_173 = tpu.memref_slice %arg7[%select_n3A_123, %dma_start3A_172] : memref<3x80xi32, #tpu.memory_space<vmem>> -> memref<1x80xi32, #tpu.memory_space<vmem>>
        %dma_start3A_174 = tpu.memref_squeeze %dma_start3A_173 : memref<1x80xi32, #tpu.memory_space<vmem>> -> memref<80xi32, #tpu.memory_space<vmem>>
        %dma_start3A_175 = arith.constant 0 : i32
        %dma_start3A_176 = arith.constant 0 : i32
        %dma_start3A_177 = tpu.memref_slice %arg12[%dma_start3A_175, %dma_start3A_176] : memref<10000x128xf32, #tpu.memory_space<vmem_shared>> -> memref<10000x128xf32, #tpu.memory_space<vmem_shared>>
        tpu.enqueue_indirect_dma source(%dma_start3A_171 : memref<80x128xf32, #tpu.memory_space<vmem>>) target(%dma_start3A_177 : memref<10000x128xf32, #tpu.memory_space<vmem_shared>>) offsets(%dma_start3A_174 : memref<80xi32, #tpu.memory_space<vmem>>) semaphore(%arg15 : memref<!tpu.dma_semaphore, #tpu.memory_space<semaphore_mem>>) {add = true}
      } else {
      }
      %scan3A_106 = arith.constant 0 : i32
      scf.yield %scan3A_106 : i32
    }
    %scan3A_40 = arith.constant 126 : i32
    %dma_wait3A = arith.constant 0 : i32
    %dma_wait3A_41 = arith.constant 0 : i32
    %dma_wait3A_42 = arith.constant 0 : i32
    %dma_wait3A_43 = arith.constant 0 : i32
    %dma_wait3A_44 = tpu.memref_slice %arg9[%dma_wait3A, %dma_wait3A_42, %dma_wait3A_43] : memref<3x80x128xf32, #tpu.memory_space<vmem>> -> memref<1x80x128xf32, #tpu.memory_space<vmem>>
    %dma_wait3A_45 = tpu.memref_squeeze %dma_wait3A_44 : memref<1x80x128xf32, #tpu.memory_space<vmem>> -> memref<80x128xf32, #tpu.memory_space<vmem>>
    %dma_wait3A_46 = arith.constant 0 : i32
    %dma_wait3A_47 = tpu.memref_slice %arg7[%dma_wait3A_41, %dma_wait3A_46] : memref<3x80xi32, #tpu.memory_space<vmem>> -> memref<1x80xi32, #tpu.memory_space<vmem>>
    %dma_wait3A_48 = tpu.memref_squeeze %dma_wait3A_47 : memref<1x80xi32, #tpu.memory_space<vmem>> -> memref<80xi32, #tpu.memory_space<vmem>>
    %dma_wait3A_49 = arith.constant 0 : i32
    %dma_wait3A_50 = arith.constant 0 : i32
    %dma_wait3A_51 = tpu.memref_slice %arg12[%dma_wait3A_49, %dma_wait3A_50] : memref<10000x128xf32, #tpu.memory_space<vmem_shared>> -> memref<10000x128xf32, #tpu.memory_space<vmem_shared>>
    tpu.wait_indirect_dma semaphore(%arg15 : memref<!tpu.dma_semaphore, #tpu.memory_space<semaphore_mem>>) src(%dma_wait3A_45 : memref<80x128xf32, #tpu.memory_space<vmem>>) dst(%dma_wait3A_51 : memref<10000x128xf32, #tpu.memory_space<vmem_shared>>)
    %dma_wait3A_52 = arith.constant 0 : i32
    %dma_wait3A_53 = arith.constant 0 : i32
    %dma_wait3A_54 = arith.constant 0 : i32
    %dma_wait3A_55 = arith.constant 0 : i32
    %dma_wait3A_56 = tpu.memref_slice %arg9[%dma_wait3A_52, %dma_wait3A_54, %dma_wait3A_55] : memref<3x80x128xf32, #tpu.memory_space<vmem>> -> memref<1x80x128xf32, #tpu.memory_space<vmem>>
    %dma_wait3A_57 = tpu.memref_squeeze %dma_wait3A_56 : memref<1x80x128xf32, #tpu.memory_space<vmem>> -> memref<80x128xf32, #tpu.memory_space<vmem>>
    %dma_wait3A_58 = arith.constant 0 : i32
    %dma_wait3A_59 = tpu.memref_slice %arg7[%dma_wait3A_53, %dma_wait3A_58] : memref<3x80xi32, #tpu.memory_space<vmem>> -> memref<1x80xi32, #tpu.memory_space<vmem>>
    %dma_wait3A_60 = tpu.memref_squeeze %dma_wait3A_59 : memref<1x80xi32, #tpu.memory_space<vmem>> -> memref<80xi32, #tpu.memory_space<vmem>>
    %dma_wait3A_61 = arith.constant 0 : i32
    %dma_wait3A_62 = arith.constant 0 : i32
    %dma_wait3A_63 = tpu.memref_slice %arg12[%dma_wait3A_61, %dma_wait3A_62] : memref<10000x128xf32, #tpu.memory_space<vmem_shared>> -> memref<10000x128xf32, #tpu.memory_space<vmem_shared>>
    tpu.wait_indirect_dma semaphore(%arg15 : memref<!tpu.dma_semaphore, #tpu.memory_space<semaphore_mem>>) src(%dma_wait3A_57 : memref<80x128xf32, #tpu.memory_space<vmem>>) dst(%dma_wait3A_63 : memref<10000x128xf32, #tpu.memory_space<vmem_shared>>)
    %barrier3A_64 = arith.constant 0 : index
    tpu.barrier barrier_id(%barrier3A_64)
    %mul3A_65 = arith.constant 625 : i32
    %mul3A_66 = arith.muli %arg1, %mul3A_65 : i32
    "tpu.region"() ({
      %run_scoped3A = tpu.sem_alloc : memref<!tpu.dma_semaphore, #tpu.memory_space<semaphore_mem>>
      %dma_start3A_67 = arith.constant 0 : i32
      %dma_start3A_68 = arith.constant 0 : i32
      %dma_start3A_69 = tpu.memref_slice %arg5[%arg0, %arg1, %dma_start3A_67, %dma_start3A_68] : memref<2x16x625x128xf32, #tpu.memory_space<hbm>> -> memref<1x1x625x128xf32, #tpu.memory_space<hbm>>
      %dma_start3A_70 = tpu.memref_squeeze %dma_start3A_69 : memref<1x1x625x128xf32, #tpu.memory_space<hbm>> -> memref<625x128xf32, #tpu.memory_space<hbm>>
      %dma_start3A_71 = arith.constant 0 : i32
      %dma_start3A_72 = tpu.memref_slice %arg12[%mul3A_66, %dma_start3A_71] : memref<10000x128xf32, #tpu.memory_space<vmem_shared>> -> memref<625x128xf32, #tpu.memory_space<vmem_shared>>
      tpu.enqueue_dma source(%dma_start3A_72 : memref<625x128xf32, #tpu.memory_space<vmem_shared>>) target(%dma_start3A_70 : memref<625x128xf32, #tpu.memory_space<hbm>>) target_semaphore(%run_scoped3A : memref<!tpu.dma_semaphore, #tpu.memory_space<semaphore_mem>>)
      %dma_wait3A_73 = arith.constant 0 : i32
      %dma_wait3A_74 = arith.constant 0 : i32
      %dma_wait3A_75 = tpu.memref_slice %arg5[%arg0, %arg1, %dma_wait3A_73, %dma_wait3A_74] : memref<2x16x625x128xf32, #tpu.memory_space<hbm>> -> memref<1x1x625x128xf32, #tpu.memory_space<hbm>>
      %dma_wait3A_76 = tpu.memref_squeeze %dma_wait3A_75 : memref<1x1x625x128xf32, #tpu.memory_space<hbm>> -> memref<625x128xf32, #tpu.memory_space<hbm>>
      %dma_wait3A_77 = arith.constant 0 : i32
      %dma_wait3A_78 = tpu.memref_slice %arg12[%mul3A_66, %dma_wait3A_77] : memref<10000x128xf32, #tpu.memory_space<vmem_shared>> -> memref<625x128xf32, #tpu.memory_space<vmem_shared>>
      tpu.wait_dma2 semaphore(%run_scoped3A : memref<!tpu.dma_semaphore, #tpu.memory_space<semaphore_mem>>) src(%dma_wait3A_78 : memref<625x128xf32, #tpu.memory_space<vmem_shared>>) dst(%dma_wait3A_76 : memref<625x128xf32, #tpu.memory_space<hbm>>)
      tpu.yield
    }) : () -> ()
    return
  }
}

module attributes {stable_mosaic.version = 14 : i64} {
  func.func @_mm_kernel(%arg0: i32, %arg1: memref<2000x128xf32, #tpu.memory_space<vmem>>, %arg2: memref<128x128xf32, #tpu.memory_space<vmem>>, %arg3: memref<2000x128xf32, #tpu.memory_space<vmem>>) attributes {dimension_semantics = [#tpu.dimension_semantics<arbitrary>], iteration_bounds = array<i64: 5>, scalar_prefetch = 0 : i64, scratch_operands = 0 : i64, tpu.core_type = #tpu.core_type<tc>, window_params = [{transform_indices = @transform_0, window_bounds = array<i64: 2000, 128>}, {pipeline_mode = #tpu.pipeline_mode<synchronous>, transform_indices = @transform_1, window_bounds = array<i64: 128, 128>}, {transform_indices = @transform_2, window_bounds = array<i64: 2000, 128>}]} {
    %get3A = arith.constant 0 : index
    %get3A_0 = arith.constant 0 : index
    %get3A_1 = vector.load %arg1[%get3A, %get3A_0] : memref<2000x128xf32, #tpu.memory_space<vmem>>, vector<2000x128xf32>
    %get3A_2 = arith.constant 0 : index
    %get3A_3 = arith.constant 0 : index
    %get3A_4 = vector.load %arg2[%get3A_2, %get3A_3] : memref<128x128xf32, #tpu.memory_space<vmem>>, vector<128x128xf32>
    %dot_general3A = arith.constant dense<0.000000e+00> : vector<2000x128xf32>
    %dot_general3A_5 = tpu.matmul %get3A_1, %get3A_4, %dot_general3A {dimension_numbers = #tpu.dot_dimension_numbers<[1], [0], [0], [1], [0, 0, 1, 1], [], []>, transpose_lhs_hint = false} : vector<2000x128xf32>, vector<128x128xf32>, vector<2000x128xf32> -> vector<2000x128xf32>
    %swap3A = arith.constant 0 : index
    %swap3A_6 = arith.constant 0 : index
    %swap3A_7 = vector.load %arg3[%swap3A, %swap3A_6] : memref<2000x128xf32, #tpu.memory_space<vmem>>, vector<2000x128xf32>
    tpu.vector_store %arg3[%swap3A, %swap3A_6], %dot_general3A_5 {strides = array<i32>} : memref<2000x128xf32, #tpu.memory_space<vmem>>, vector<2000x128xf32>,
    return
  }
  func.func @transform_0(%arg0: i32) -> (i32, i32) {
    %c0_i32 = arith.constant 0 : i32
    %c0_i32_0 = arith.constant 0 : i32
    return %arg0, %c0_i32 : i32, i32
  }
  func.func @transform_1(%arg0: i32) -> (i32, i32) {
    %c0_i32 = arith.constant 0 : i32
    %c0_i32_0 = arith.constant 0 : i32
    %c0_i32_1 = arith.constant 0 : i32
    return %c0_i32, %c0_i32_0 : i32, i32
  }
  func.func @transform_2(%arg0: i32) -> (i32, i32) {
    %c0_i32 = arith.constant 0 : i32
    %c0_i32_0 = arith.constant 0 : i32
    return %arg0, %c0_i32 : i32, i32
  }
}

module attributes {stable_mosaic.version = 14 : i64} {
  func.func @_ew_kernel(%arg0: i32, %arg1: memref<8000x2x16xf32, #tpu.memory_space<vmem>>, %arg2: memref<16x128xf32, #tpu.memory_space<vmem>>, %arg3: memref<8000x128xi32, #tpu.memory_space<vmem>>) attributes {dimension_semantics = [#tpu.dimension_semantics<arbitrary>], iteration_bounds = array<i64: 20>, scalar_prefetch = 0 : i64, scratch_operands = 0 : i64, tpu.core_type = #tpu.core_type<tc>, window_params = [{transform_indices = @transform_0, window_bounds = array<i64: 8000, 2, 16>}, {pipeline_mode = #tpu.pipeline_mode<synchronous>, transform_indices = @transform_1, window_bounds = array<i64: 16, 128>}, {transform_indices = @transform_2, window_bounds = array<i64: 8000, 128>}]} {
    %get3A = arith.constant 0 : index
    %get3A_0 = arith.constant 0 : index
    %get3A_1 = arith.constant 0 : index
    %get3A_2 = vector.load %arg1[%get3A, %get3A_0, %get3A_1] : memref<8000x2x16xf32, #tpu.memory_space<vmem>>, vector<8000x2x16xf32>
    %reshape3A = vector.shape_cast %get3A_2 : vector<8000x2x16xf32> to vector<16000x16xf32>
    %get3A_3 = arith.constant 0 : index
    %get3A_4 = arith.constant 0 : index
    %get3A_5 = vector.load %arg2[%get3A_3, %get3A_4] : memref<16x128xf32, #tpu.memory_space<vmem>>, vector<16x128xf32>
    %dot_general3A = arith.constant dense<0.000000e+00> : vector<16000x128xf32>
    %dot_general3A_6 = tpu.matmul %reshape3A, %get3A_5, %dot_general3A {dimension_numbers = #tpu.dot_dimension_numbers<[1], [0], [0], [1], [0, 0, 1, 1], [], []>, transpose_lhs_hint = false} : vector<16000x16xf32>, vector<16x128xf32>, vector<16000x128xf32> -> vector<16000x128xf32>
    %convert_element_type3A = arith.truncf %dot_general3A_6 : vector<16000x128xf32> to vector<16000x128xbf16>
    %bitcast_convert_type3A = tpu.bitcast %convert_element_type3A : vector<16000x128xbf16> -> vector<16000x128xi16>
    %convert_element_type3A_7 = arith.extui %bitcast_convert_type3A : vector<16000x128xi16> to vector<16000x128xi32>
    %reshape3A_8 = vector.shape_cast %convert_element_type3A_7 : vector<16000x128xi32> to vector<8000x2x128xi32>
    %slice3A = vector.extract_strided_slice %reshape3A_8 {offsets = [0, 0, 0], sizes = [8000, 1, 128], strides = [1, 1, 1]} : vector<8000x2x128xi32> to vector<8000x1x128xi32>
    %squeeze3A = vector.shape_cast %slice3A : vector<8000x1x128xi32> to vector<8000x128xi32>
    %slice3A_9 = vector.extract_strided_slice %reshape3A_8 {offsets = [0, 1, 0], sizes = [8000, 1, 128], strides = [1, 1, 1]} : vector<8000x2x128xi32> to vector<8000x1x128xi32>
    %squeeze3A_10 = vector.shape_cast %slice3A_9 : vector<8000x1x128xi32> to vector<8000x128xi32>
    %shift_left3A = arith.constant 16 : i32
    %shift_left3A_11 = vector.broadcast %shift_left3A : i32 to vector<8000x128xi32>
    %shift_left3A_12 = arith.shli %squeeze3A_10, %shift_left3A_11 : vector<8000x128xi32>
    %or3A = arith.ori %squeeze3A, %shift_left3A_12 : vector<8000x128xi32>
    %swap3A = arith.constant 0 : index
    %swap3A_13 = arith.constant 0 : index
    %swap3A_14 = vector.load %arg3[%swap3A, %swap3A_13] : memref<8000x128xi32, #tpu.memory_space<vmem>>, vector<8000x128xi32>
    tpu.vector_store %arg3[%swap3A, %swap3A_13], %or3A {strides = array<i32>} : memref<8000x128xi32, #tpu.memory_space<vmem>>, vector<8000x128xi32>,
    return
  }
  func.func @transform_0(%arg0: i32) -> (i32, i32, i32) {
    %c0_i32 = arith.constant 0 : i32
    %c0_i32_0 = arith.constant 0 : i32
    %c0_i32_1 = arith.constant 0 : i32
    return %arg0, %c0_i32, %c0_i32_0 : i32, i32, i32
  }
  func.func @transform_1(%arg0: i32) -> (i32, i32) {
    %c0_i32 = arith.constant 0 : i32
    %c0_i32_0 = arith.constant 0 : i32
    %c0_i32_1 = arith.constant 0 : i32
    return %c0_i32, %c0_i32_0 : i32, i32
  }
  func.func @transform_2(%arg0: i32) -> (i32, i32) {
    %c0_i32 = arith.constant 0 : i32
    %c0_i32_0 = arith.constant 0 : i32
    return %arg0, %c0_i32 : i32, i32
  }
}

module attributes {stable_mosaic.version = 14 : i64} {
  func.func @_epi_h_kernel(%arg0: i32, %arg1: memref<2x2000x128xf32, #tpu.memory_space<vmem>>, %arg2: memref<128x128xf32, #tpu.memory_space<vmem>>, %arg3: memref<2000x128xf32, #tpu.memory_space<vmem>>, %arg4: memref<128x128xf32, #tpu.memory_space<vmem>>, %arg5: memref<2000x128xf32, #tpu.memory_space<vmem>>, %arg6: memref<2000x128xf32, #tpu.memory_space<vmem>>) attributes {dimension_semantics = [#tpu.dimension_semantics<arbitrary>], iteration_bounds = array<i64: 5>, scalar_prefetch = 0 : i64, scratch_operands = 0 : i64, tpu.core_type = #tpu.core_type<tc>, window_params = [{transform_indices = @transform_0, window_bounds = array<i64: 2, 2000, 128>}, {pipeline_mode = #tpu.pipeline_mode<synchronous>, transform_indices = @transform_1, window_bounds = array<i64: 128, 128>}, {transform_indices = @transform_2, window_bounds = array<i64: 2000, 128>}, {pipeline_mode = #tpu.pipeline_mode<synchronous>, transform_indices = @transform_3, window_bounds = array<i64: 128, 128>}, {transform_indices = @transform_4, window_bounds = array<i64: 2000, 128>}, {transform_indices = @transform_5, window_bounds = array<i64: 2000, 128>}]} {
    %get3A = arith.constant 0 : index
    %get3A_0 = arith.constant 0 : index
    %get3A_1 = arith.constant 0 : index
    %get3A_2 = vector.load %arg1[%get3A, %get3A_0, %get3A_1] : memref<2x2000x128xf32, #tpu.memory_space<vmem>>, vector<1x2000x128xf32>
    %get3A_3 = vector.shape_cast %get3A_2 : vector<1x2000x128xf32> to vector<2000x128xf32>
    %get3A_4 = arith.constant 1 : index
    %get3A_5 = arith.constant 0 : index
    %get3A_6 = arith.constant 0 : index
    %get3A_7 = vector.load %arg1[%get3A_4, %get3A_5, %get3A_6] : memref<2x2000x128xf32, #tpu.memory_space<vmem>>, vector<1x2000x128xf32>
    %get3A_8 = vector.shape_cast %get3A_7 : vector<1x2000x128xf32> to vector<2000x128xf32>
    %add3A = arith.addf %get3A_3, %get3A_8 : vector<2000x128xf32>
    %mul3A = arith.constant 0.176776692 : f32
    %mul3A_9 = vector.broadcast %mul3A : f32 to vector<2000x128xf32>
    %mul3A_10 = arith.mulf %add3A, %mul3A_9 : vector<2000x128xf32>
    %get3A_11 = arith.constant 0 : index
    %get3A_12 = arith.constant 0 : index
    %get3A_13 = vector.load %arg2[%get3A_11, %get3A_12] : memref<128x128xf32, #tpu.memory_space<vmem>>, vector<128x128xf32>
    %dot_general3A = arith.constant dense<0.000000e+00> : vector<2000x128xf32>
    %dot_general3A_14 = tpu.matmul %mul3A_10, %get3A_13, %dot_general3A {dimension_numbers = #tpu.dot_dimension_numbers<[1], [0], [0], [1], [0, 0, 1, 1], [], []>, transpose_lhs_hint = false} : vector<2000x128xf32>, vector<128x128xf32>, vector<2000x128xf32> -> vector<2000x128xf32>
    %get3A_15 = arith.constant 0 : index
    %get3A_16 = arith.constant 0 : index
    %get3A_17 = vector.load %arg3[%get3A_15, %get3A_16] : memref<2000x128xf32, #tpu.memory_space<vmem>>, vector<2000x128xf32>
    %custom_jvp_call3A = arith.constant 0.000000e+00 : f32
    %max3A = vector.broadcast %custom_jvp_call3A : f32 to vector<2000x128xf32>
    %max3A_18 = arith.maximumf %dot_general3A_14, %max3A : vector<2000x128xf32>
    %sub3A = vector.broadcast %custom_jvp_call3A : f32 to vector<2000x128xf32>
    %sub3A_19 = arith.subf %dot_general3A_14, %sub3A : vector<2000x128xf32>
    %ne3A = arith.cmpf one, %sub3A_19, %sub3A_19 : vector<2000x128xf32>
    %add3A_20 = vector.broadcast %custom_jvp_call3A : f32 to vector<2000x128xf32>
    %add3A_21 = arith.addf %dot_general3A_14, %add3A_20 : vector<2000x128xf32>
    %abs3A = math.absf %sub3A_19 : vector<2000x128xf32>
    %neg3A = arith.constant 0.000000e+00 : f32
    %neg3A_22 = vector.broadcast %neg3A : f32 to vector<2000x128xf32>
    %neg3A_23 = arith.subf %neg3A_22, %abs3A : vector<2000x128xf32>
    %exp3A = math.exp %neg3A_23 : vector<2000x128xf32>
    %log1p3A = math.log1p %exp3A : vector<2000x128xf32>
    %add3A_24 = arith.addf %max3A_18, %log1p3A : vector<2000x128xf32>
    %select_n3A = arith.select %ne3A, %add3A_21, %add3A_24 : vector<2000x128xi1>, vector<2000x128xf32>
    %add3A_25 = arith.addf %get3A_17, %select_n3A : vector<2000x128xf32>
    %sub3A_26 = arith.constant 0.693147182 : f32
    %sub3A_27 = vector.broadcast %sub3A_26 : f32 to vector<2000x128xf32>
    %sub3A_28 = arith.subf %add3A_25, %sub3A_27 : vector<2000x128xf32>
    %swap3A = arith.constant 0 : index
    %swap3A_29 = arith.constant 0 : index
    %swap3A_30 = vector.load %arg5[%swap3A, %swap3A_29] : memref<2000x128xf32, #tpu.memory_space<vmem>>, vector<2000x128xf32>
    tpu.vector_store %arg5[%swap3A, %swap3A_29], %sub3A_28 {strides = array<i32>} : memref<2000x128xf32, #tpu.memory_space<vmem>>, vector<2000x128xf32>,
    %get3A_31 = arith.constant 0 : index
    %get3A_32 = arith.constant 0 : index
    %get3A_33 = vector.load %arg4[%get3A_31, %get3A_32] : memref<128x128xf32, #tpu.memory_space<vmem>>, vector<128x128xf32>
    %dot_general3A_34 = arith.constant dense<0.000000e+00> : vector<2000x128xf32>
    %dot_general3A_35 = tpu.matmul %sub3A_28, %get3A_33, %dot_general3A_34 {dimension_numbers = #tpu.dot_dimension_numbers<[1], [0], [0], [1], [0, 0, 1, 1], [], []>, transpose_lhs_hint = false} : vector<2000x128xf32>, vector<128x128xf32>, vector<2000x128xf32> -> vector<2000x128xf32>
    %swap3A_36 = arith.constant 0 : index
    %swap3A_37 = arith.constant 0 : index
    %swap3A_38 = vector.load %arg6[%swap3A_36, %swap3A_37] : memref<2000x128xf32, #tpu.memory_space<vmem>>, vector<2000x128xf32>
    tpu.vector_store %arg6[%swap3A_36, %swap3A_37], %dot_general3A_35 {strides = array<i32>} : memref<2000x128xf32, #tpu.memory_space<vmem>>, vector<2000x128xf32>,
    return
  }
  func.func @transform_0(%arg0: i32) -> (i32, i32, i32) {
    %c0_i32 = arith.constant 0 : i32
    %c0_i32_0 = arith.constant 0 : i32
    %c0_i32_1 = arith.constant 0 : i32
    return %c0_i32, %arg0, %c0_i32_0 : i32, i32, i32
  }
  func.func @transform_1(%arg0: i32) -> (i32, i32) {
    %c0_i32 = arith.constant 0 : i32
    %c0_i32_0 = arith.constant 0 : i32
    %c0_i32_1 = arith.constant 0 : i32
    return %c0_i32, %c0_i32_0 : i32, i32
  }
  func.func @transform_2(%arg0: i32) -> (i32, i32) {
    %c0_i32 = arith.constant 0 : i32
    %c0_i32_0 = arith.constant 0 : i32
    return %arg0, %c0_i32 : i32, i32
  }
  func.func @transform_3(%arg0: i32) -> (i32, i32) {
    %c0_i32 = arith.constant 0 : i32
    %c0_i32_0 = arith.constant 0 : i32
    %c0_i32_1 = arith.constant 0 : i32
    return %c0_i32, %c0_i32_0 : i32, i32
  }
  func.func @transform_4(%arg0: i32) -> (i32, i32) {
    %c0_i32 = arith.constant 0 : i32
    %c0_i32_0 = arith.constant 0 : i32
    return %arg0, %c0_i32 : i32, i32
  }
  func.func @transform_5(%arg0: i32) -> (i32, i32) {
    %c0_i32 = arith.constant 0 : i32
    %c0_i32_0 = arith.constant 0 : i32
    return %arg0, %c0_i32 : i32, i32
  }
}

module attributes {stable_mosaic.version = 14 : i64} {
  func.func @_epilogue_kernel(%arg0: i32, %arg1: memref<2x2000x128xf32, #tpu.memory_space<vmem>>, %arg2: memref<128x128xf32, #tpu.memory_space<vmem>>, %arg3: memref<2000x128xf32, #tpu.memory_space<vmem>>, %arg4: memref<2000x128xf32, #tpu.memory_space<vmem>>) attributes {dimension_semantics = [#tpu.dimension_semantics<arbitrary>], iteration_bounds = array<i64: 5>, scalar_prefetch = 0 : i64, scratch_operands = 0 : i64, tpu.core_type = #tpu.core_type<tc>, window_params = [{transform_indices = @transform_0, window_bounds = array<i64: 2, 2000, 128>}, {pipeline_mode = #tpu.pipeline_mode<synchronous>, transform_indices = @transform_1, window_bounds = array<i64: 128, 128>}, {transform_indices = @transform_2, window_bounds = array<i64: 2000, 128>}, {transform_indices = @transform_3, window_bounds = array<i64: 2000, 128>}]} {
    %get3A = arith.constant 0 : index
    %get3A_0 = arith.constant 0 : index
    %get3A_1 = arith.constant 0 : index
    %get3A_2 = vector.load %arg1[%get3A, %get3A_0, %get3A_1] : memref<2x2000x128xf32, #tpu.memory_space<vmem>>, vector<1x2000x128xf32>
    %get3A_3 = vector.shape_cast %get3A_2 : vector<1x2000x128xf32> to vector<2000x128xf32>
    %get3A_4 = arith.constant 1 : index
    %get3A_5 = arith.constant 0 : index
    %get3A_6 = arith.constant 0 : index
    %get3A_7 = vector.load %arg1[%get3A_4, %get3A_5, %get3A_6] : memref<2x2000x128xf32, #tpu.memory_space<vmem>>, vector<1x2000x128xf32>
    %get3A_8 = vector.shape_cast %get3A_7 : vector<1x2000x128xf32> to vector<2000x128xf32>
    %add3A = arith.addf %get3A_3, %get3A_8 : vector<2000x128xf32>
    %mul3A = arith.constant 0.176776692 : f32
    %mul3A_9 = vector.broadcast %mul3A : f32 to vector<2000x128xf32>
    %mul3A_10 = arith.mulf %add3A, %mul3A_9 : vector<2000x128xf32>
    %get3A_11 = arith.constant 0 : index
    %get3A_12 = arith.constant 0 : index
    %get3A_13 = vector.load %arg2[%get3A_11, %get3A_12] : memref<128x128xf32, #tpu.memory_space<vmem>>, vector<128x128xf32>
    %dot_general3A = arith.constant dense<0.000000e+00> : vector<2000x128xf32>
    %dot_general3A_14 = tpu.matmul %mul3A_10, %get3A_13, %dot_general3A {dimension_numbers = #tpu.dot_dimension_numbers<[1], [0], [0], [1], [0, 0, 1, 1], [], []>, transpose_lhs_hint = false} : vector<2000x128xf32>, vector<128x128xf32>, vector<2000x128xf32> -> vector<2000x128xf32>
    %get3A_15 = arith.constant 0 : index
    %get3A_16 = arith.constant 0 : index
    %get3A_17 = vector.load %arg3[%get3A_15, %get3A_16] : memref<2000x128xf32, #tpu.memory_space<vmem>>, vector<2000x128xf32>
    %custom_jvp_call3A = arith.constant 0.000000e+00 : f32
    %max3A = vector.broadcast %custom_jvp_call3A : f32 to vector<2000x128xf32>
    %max3A_18 = arith.maximumf %dot_general3A_14, %max3A : vector<2000x128xf32>
    %sub3A = vector.broadcast %custom_jvp_call3A : f32 to vector<2000x128xf32>
    %sub3A_19 = arith.subf %dot_general3A_14, %sub3A : vector<2000x128xf32>
    %ne3A = arith.cmpf one, %sub3A_19, %sub3A_19 : vector<2000x128xf32>
    %add3A_20 = vector.broadcast %custom_jvp_call3A : f32 to vector<2000x128xf32>
    %add3A_21 = arith.addf %dot_general3A_14, %add3A_20 : vector<2000x128xf32>
    %abs3A = math.absf %sub3A_19 : vector<2000x128xf32>
    %neg3A = arith.constant 0.000000e+00 : f32
    %neg3A_22 = vector.broadcast %neg3A : f32 to vector<2000x128xf32>
    %neg3A_23 = arith.subf %neg3A_22, %abs3A : vector<2000x128xf32>
    %exp3A = math.exp %neg3A_23 : vector<2000x128xf32>
    %log1p3A = math.log1p %exp3A : vector<2000x128xf32>
    %add3A_24 = arith.addf %max3A_18, %log1p3A : vector<2000x128xf32>
    %select_n3A = arith.select %ne3A, %add3A_21, %add3A_24 : vector<2000x128xi1>, vector<2000x128xf32>
    %add3A_25 = arith.addf %get3A_17, %select_n3A : vector<2000x128xf32>
    %sub3A_26 = arith.constant 0.693147182 : f32
    %sub3A_27 = vector.broadcast %sub3A_26 : f32 to vector<2000x128xf32>
    %sub3A_28 = arith.subf %add3A_25, %sub3A_27 : vector<2000x128xf32>
    %swap3A = arith.constant 0 : index
    %swap3A_29 = arith.constant 0 : index
    %swap3A_30 = vector.load %arg4[%swap3A, %swap3A_29] : memref<2000x128xf32, #tpu.memory_space<vmem>>, vector<2000x128xf32>
    tpu.vector_store %arg4[%swap3A, %swap3A_29], %sub3A_28 {strides = array<i32>} : memref<2000x128xf32, #tpu.memory_space<vmem>>, vector<2000x128xf32>,
    return
  }
  func.func @transform_0(%arg0: i32) -> (i32, i32, i32) {
    %c0_i32 = arith.constant 0 : i32
    %c0_i32_0 = arith.constant 0 : i32
    %c0_i32_1 = arith.constant 0 : i32
    return %c0_i32, %arg0, %c0_i32_0 : i32, i32, i32
  }
  func.func @transform_1(%arg0: i32) -> (i32, i32) {
    %c0_i32 = arith.constant 0 : i32
    %c0_i32_0 = arith.constant 0 : i32
    %c0_i32_1 = arith.constant 0 : i32
    return %c0_i32, %c0_i32_0 : i32, i32
  }
  func.func @transform_2(%arg0: i32) -> (i32, i32) {
    %c0_i32 = arith.constant 0 : i32
    %c0_i32_0 = arith.constant 0 : i32
    return %arg0, %c0_i32 : i32, i32
  }
  func.func @transform_3(%arg0: i32) -> (i32, i32) {
    %c0_i32 = arith.constant 0 : i32
    %c0_i32_0 = arith.constant 0 : i32
    return %arg0, %c0_i32 : i32, i32
  }
}

</mosaic_0001>

<sc_bundles>
// kernel: kernel.12.cloned.1.call-start
scs
__scs_entry_jumppad:
0x0: {  	(pc) =	sbr.rel $0x88, $3  }
0x1: {  	(tag) =	ssettag $0x0;
	lr =	simm.s32 $0x1  }
0x2: {  	[smem:$0x3F98] =	sst lr;
	_ =	strace $0xD0000000  }
0x3: {  	_ = 	snop  }
0x4: {  	_ = 	snop  }
0x5: {  	_ = 	snop  }
0x6: {  	_ = 	snop  }
0x7: {  	_ = 	snop  }
__scs_overlays_trampoline_lowered:
0x8: {  	[smem:$0x3FA7] =	sst s0  }
0x9: {  	[smem:$0x3FA8] =	sst s1  }
0xa: {  	[smem:$0x3FA9] =	sst s2  }
0xb: {  	[smem:$0x3FAA] =	sst s3  }
0xc: {  	[smem:$0x3FAB] =	sst s4  }
0xd: {  	[smem:$0x3FAC] =	sst s5  }
0xe: {  	[smem:$0x3FAD] =	sst s6  }
0xf: {  	[smem:$0x3FAE] =	sst s7  }
0x10: {  	[smem:$0x3FAF] =	sst s8  }
0x11: {  	[smem:$0x3FB0] =	sst s9;
	s0 =	simm.s32 @!p0 $0x0  }
0x12: {  	s1 =	sld [smem:$0x3F96];
	s0 =	simm.s32 @p0 $0x1  }
0x13: {  	[smem:$0x3FB1] =	sst s0;
	s0 =	simm.s32 @!p1 $0x0  }
0x14: {  	s2 =	sld [smem:$0x3F95];
	s0 =	simm.s32 @p1 $0x1  }
0x15: {  	[smem:$0x3FB2] =	sst s0;
	s0 =	simm.s32 @!p2 $0x0  }
0x16: {  	s3 =	sld [smem:$0x3FDB];
	s0 =	simm.s32 @p2 $0x1  }
0x17: {  	s4 =	simm.s32 $0x1BF5;
	[smem:$0x3FB4] =	sst s0  }
0x18: {  	s0 =	sld [smem:$0x3F97];
	_ =	swait.ge [sflag:s4], $0x0  }
0x19: {  	s7 =	sld [smem:$0x3F98]  }
0x1a: {  	s8 =	sadd.s32 $0xFFFFE003, lr  }
0x1b: {  	s9 =	sadd.s32 $0xFFFFFEF7, lr;
	s5 =	simm.s32 $0xFFFFFFFF;
	p2 =	slt.u32 s8, $0xFFFFF086  }
0x1c: {  	p1 =	slt.u32 s9, $0xF7A;
	s5 =	simm.s32 @!p2 $0x0  }
0x1d: {  	s5 =	simm.s32 @p1 $0x1;
	p0 =	seq.s32 s7, s2  }
0x1e: {  	s7 =	smul.u32 @!p0 $0xF7A, s2;
	p2 =	seq.s32 @!p0 s5, $0x0  }
0x1f: {  	s9 =	smul.u32 $0xF7A, s1;
	s8 =	simm.s32 @!p0 $0x1BF5;
	p2 =	por !p2, p0  }
0x20: {  	[sflag:s8] =	ssyncset.s32 @!p0 $0xFFFFF086;
	s6 =	sadd.s32 @!p0 s3, s7;
	s7 =	simm.s32 @!p0 $0x108  }
0x21: {  	s3 =	sadd.s32 s3, s9;
	s6 =	sadd.s32 @!p0 $0x88, s6;
	s7 =	simm.s32 @p2 $0x1082  }
0x22: {  	[simem:s7], [sflag:s8] =	dma.local @!p0 [hbm:s6], $0xF7A  }
0x23: {  	s9 =	sor.u32 $0xD0000000, s2;
	s6 =	simm.s32 $0x108;
	_ =	swait.ge @!p0 [sflag:s8], $0x0  }
0x24: {  	s3 =	sadd.s32 $0x88, s3;
	s6 =	simm.s32 @!p1 $0x1082;
	[sflag:s4] =	ssyncset.s32 $0xFFFFF086  }
0x25: {  	[simem:s6], [sflag:s4] =	dma.local [hbm:s3], $0xF7A  }
0x26: {  	[smem:$0x3F98] =	sst s1;
	(tag) =	ssettag s2;
	_ =	strace s9  }
0x27: {  	s1 =	sld [smem:$0x3FA8]  }
0x28: {  	s2 =	sld [smem:$0x3FA9]  }
0x29: {  	s4 =	sld [smem:$0x3FAB]  }
0x2a: {  	p0 =	seq.s32 s5, $0x0;
	s5 =	sld [smem:$0x3FAC]  }
0x2b: {  	s6 =	sld [smem:$0x3FAD]  }
0x2c: {  	s7 =	sld [smem:$0x3FAE]  }
0x2d: {  	s3 =	simm.s32 $0x108;
	s8 =	sld [smem:$0x3FAF]  }
0x2e: {  	s3 =	simm.s32 @!p0 $0x1082;
	s9 =	sld [smem:$0x3FB0]  }
0x2f: {  	lr =	sadd.s32 s0, s3;
	s0 =	sld [smem:$0x3FA7]  }
0x30: {  	s3 =	sld [smem:$0x3FAA]  }
0x31: {  	[smem:$0x3FB3] =	sst s10  }
0x32: {  	s10 =	sld [smem:$0x3FB1];
	_ =	sdelay $0x3  }
0x33: {  	p0 =	seq.s32 s10, $0x1;
	s10 =	sld [smem:$0x3FB3];
	_ =	sdelay $0x3  }
0x34: {  	[smem:$0x3FB3] =	sst s10  }
0x35: {  	s10 =	sld [smem:$0x3FB2];
	_ =	sdelay $0x3  }
0x36: {  	p1 =	seq.s32 s10, $0x1;
	s10 =	sld [smem:$0x3FB3];
	_ =	sdelay $0x3  }
0x37: {  	[smem:$0x3FB3] =	sst s10  }
0x38: {  	s10 =	sld [smem:$0x3FB4]  }
0x39: {  	_ = 	snop;
	(pc) =	sbr.ind lr, $3  }
0x3a: {  	_ = 	snop  }
0x3b: {  	_ = 	snop  }
0x3c: {  	p2 =	seq.s32 s10, $0x1;
	s10 =	sld [smem:$0x3FB3]  }
0x3d: {  	_ =	shalt  }
0x3e: {  	_ =	shalt  }
0x3f: {  	_ =	shalt  }
0x40: {  	_ =	shalt  }
0x41: {  	_ =	shalt  }
0x42: {  	_ =	shalt  }
0x43: {  	_ =	shalt  }
0x44: {  	_ =	shalt  }
0x45: {  	_ =	shalt  }
0x46: {  	_ =	shalt  }
0x47: {  	_ =	shalt  }
0x48: {  	_ =	shalt  }
0x49: {  	_ =	shalt  }
0x4a: {  	_ =	shalt  }
0x4b: {  	_ =	shalt  }
0x4c: {  	_ =	shalt  }
0x4d: {  	_ =	shalt  }
0x4e: {  	_ =	shalt  }
0x4f: {  	_ =	shalt  }
0x50: {  	_ =	shalt  }
0x51: {  	_ =	shalt  }
0x52: {  	_ =	shalt  }
0x53: {  	_ =	shalt  }
0x54: {  	_ =	shalt  }
0x55: {  	_ =	shalt  }
0x56: {  	_ =	shalt  }
0x57: {  	_ =	shalt  }
0x58: {  	_ =	shalt  }
0x59: {  	_ =	shalt  }
0x5a: {  	_ =	shalt  }
0x5b: {  	_ =	shalt  }
0x5c: {  	_ =	shalt  }
0x5d: {  	_ =	shalt  }
0x5e: {  	_ =	shalt  }
0x5f: {  	_ =	shalt  }
0x60: {  	_ =	shalt  }
0x61: {  	_ =	shalt  }
0x62: {  	_ =	shalt  }
0x63: {  	_ =	shalt  }
0x64: {  	_ =	shalt  }
0x65: {  	_ =	shalt  }
0x66: {  	_ =	shalt  }
0x67: {  	_ =	shalt  }
0x68: {  	_ =	shalt  }
0x69: {  	_ =	shalt  }
0x6a: {  	_ =	shalt  }
0x6b: {  	_ =	shalt  }
0x6c: {  	_ =	shalt  }
0x6d: {  	_ =	shalt  }
0x6e: {  	_ =	shalt  }
0x6f: {  	_ =	shalt  }
0x70: {  	_ =	shalt  }
0x71: {  	_ =	shalt  }
0x72: {  	_ =	shalt  }
0x73: {  	_ =	shalt  }
0x74: {  	_ =	shalt  }
0x75: {  	_ =	shalt  }
0x76: {  	_ =	shalt  }
0x77: {  	_ =	shalt  }
0x78: {  	_ =	shalt  }
0x79: {  	_ =	shalt  }
0x7a: {  	_ =	shalt  }
0x7b: {  	_ =	shalt  }
0x7c: {  	_ =	shalt  }
0x7d: {  	_ =	shalt  }
0x7e: {  	_ =	shalt  }
0x7f: {  	_ =	shalt  }
0x80: {  	_ =	shalt  }
0x81: {  	_ =	shalt  }
0x82: {  	_ =	shalt  }
0x83: {  	_ =	shalt  }
0x84: {  	_ =	shalt  }
0x85: {  	_ =	shalt  }
0x86: {  	_ =	shalt  }
0x87: {  	_ =	shalt  }
.Lfunc_end0:
.L_simem_size_0:
called_computation.1_lowered:
.L_overlay_start_0:
0x88: {  	s2 =	sld [smem:$0x3FD9]  }
0x89: {  	s3 =	sld [smem:$0x3FFE];
	_ =	sdelay $0x1  }
0x8a: {  	s1 =	srdreg.scid  }
0x8b: {  	s0 =	sand.u32 $0x1, s1  }
0x8c: {  	s17 =	sshll.u32 s0, $0xA;
	s2 =	sadd.s32 s3, s2  }
0x8d: {  	s2 =	sadd.s32 s2, s17  }
0x8e: {  	[smem:$0x3FBF] =	sst s2  }
0x8f: {  	_ = 	snop  }
0x90: {  	s2 =	sld [smem:$0x3FD0];
	(tm) =	ssettm $0x1  }
0x91: {  	s18 =	sld [smem:$0x3FFB];
	_ =	sdelay $0x3  }
0x92: {  	_ =	strace s18  }
0x93: {  	s3 =	sld [smem:$0x3FFC];
	_ =	sdelay $0x3  }
0x94: {  	_ =	strace s3  }
0x95: {  	s3 =	sld [smem:$0x3FFD];
	_ =	sdelay $0x3  }
0x96: {  	_ =	strace s3  }
0x97: {  	_ =	strace $0x8FFFFFFF  }
0x98: {  	s19 =	sld [smem:$0x3FDB];
	_ =	sdelay $0x1  }
0x99: {  	s4 =	simm.s32 $_scs_section_size  }
0x9a: {  	s5 =	simm.s32 $_size__tile_overlayer_lowered;
	s6 =	simm.s32 $_tile_overlayer_lowered  }
0x9b: {  	s22 =	simm.s32 $0x1BFF;
	s21 =	sshll.u32 s6, $0x1;
	s3 =	sadd.s32 s4, s19  }
0x9c: {  	s7 =	simm.s32 $0x0;
	s20 =	sshll.u32 s5, $0x1;
	s5 =	sadd.s32 s21, s3  }
0x9d: {  	[timem:s7], [sflag:s22] =	dma.local [hbm:s5], s20  }
0x9e: {  	_ =	swait.ge [sflag:s22], s20  }
0x9f: {  	s4 =	ssub.s32 $0x0, s20;
	[sflag:s22] =	ssyncset.done $0x0  }
0xa0: {  	[sflag:s22] =	ssyncadd.s32 s4;
	_ =	sdelay $0x1  }
0xa1: {  	s23 =	simm.s32 $0x1B8B  }
0xa2: {  	_ =	swait.ge [sflag:s23], $0x1  }
0xa3: {  	[sflag:s23] =	ssyncset.done $0x0  }
0xa4: {  	s25 =	simm.s32 $0x1B8E;
	s24 =	sld [smem:$0x3FFE];
	[sflag:s23] =	ssyncadd.s32 $0xFFFFFFFF  }
0xa5: {  	s26 =	simm.s32 $execute0_lowered;
	[smem:$0x3FD2] =	sst s25  }
0xa6: {  	s5 =	sshll.u32 s26, $0x1;
	_ =	strace $0x80000049;
	[dreg:$0x1] =	wrdreg $0xFFFFFFFF  }
0xa7: {  	s28 =	simm.s32 $_size_execute0_lowered;
	s3 =	sadd.s32 s3, s5;
	[dreg:$0x0] =	wrdreg $0x0  }
0xa8: {  	s5 =	sshll.u32 s28, $0x1;
	[dreg:$0x2] =	wrdreg s3  }
0xa9: {  	[dreg:$0x3] =	wrdreg s5  }
0xaa: {  	[dreg:$0x4] =	wrdreg $0xC0  }
0xab: {  	_ =	task [dreg:s7], $0x5FFFF  }
0xac: {  	[dreg:$0x1] =	wrdreg $0xFFFFFFFF  }
0xad: {  	[dreg:$0x0] =	wrdreg $0x60  }
0xae: {  	[dreg:$0x2] =	wrdreg s2  }
0xaf: {  	[dreg:$0x3] =	wrdreg s24  }
0xb0: {  	[dreg:$0x4] =	wrdreg $0xB4000  }
0xb1: {  	[dreg:$0x5] =	wrdreg $0x9  }
0xb2: {  	_ =	task.clear_ibuf [dreg:s7], $0x6FFFF;
	_ =	strace $0x90000049  }
0xb3: {  	s29 =	simm.s32 $0x9;
	_ =	strace $0x8000004B  }
0xb4: {  	_ =	swait.ge [sflag:s29], $0x1  }
0xb5: {  	[sflag:s29] =	ssyncadd.s32 $0xFFFFFFFF  }
0xb6: {  	_ =	strace $0x9000004B  }
0xb7: {  	_ =	sfence  }
0xb8: {  	s30 =	sld [smem:$0x0];
	_ =	sdelay $0x2  }
0xb9: {  	s31 =	sshll.u32 s1, $0xD;
	s1 =	sshrl.u32 s1, $0x2  }
0xba: {  	s3 =	sand.u32 $0x4000, s31;
	s1 =	sadd.s32 s1, s30  }
0xbb: {  	s0 =	sor.u32 s3, s0;
	s1 =	sshll.u32 s1, $0x11  }
0xbc: {  	s0 =	sor.u32 s1, s0  }
0xbd: {  	s0 =	sadd.s32 $0x8F2B, s0  }
0xbe: {  	[sflag:s0] =	ssyncadd.remote.s32 $0x1  }
0xbf: {  	_ =	sfence.sel $0xFFFF  }
0xc0: {  	[dreg:$0x0] =	wrdreg $0xFFFFFFFF;
	(pc) =	sbr.abs _section_cstart, $3  }
0xc1: {  	[dreg:$0x1] =	wrdreg $0xFFFFFFFF  }
0xc2: {  	_ =	task.clear_ibuf [dreg:s7], $0x2FFFF;
	_ =	strace $0x9FFFFFFF  }
0xc3: {  	(tm) =	ssettm $0x7FFFFFFF  }
tec
execute0_lowered:
.L_overlay_start_1:
0x0: {  	(tag) =	ssettag $0x1  }
0x1: {  	s1 =	rddreg [dreg:$0x0]  }
0x2: {  	s0 =	rddreg [dreg:$0x1]  }
0x3: {  	s2 =	rddreg [dreg:$0x2];
	s10 =	stileid.u32  }
0x4: {  	s3 =	srdreg.scid;
	s4 =	simm.s32 $0x0;
	s8 =	smul.u32 $0x13C00, s10  }
0x5: {  	s3 =	sand.u32 $0x1, s3;
	s22 =	sshll.u32 s10, $0x1;
	s23 =	smul.u32 $0x4E200, s10  }
0x6: {  	s7 =	smul.u32 $0x13C000, s3;
	s9 =	ssub.s32 $0x2, s3;
	s3 =	sor.u32 s3, s22  }
0x7: {  	[smem:$0x7FF] =	sst s4;
	s11 =	smul.u32 $0x4E2, s3  }
0x8: {  	s6 =	sadd.s32 $0x4E4200, s0;
	_ =	strace $0x8000004A;
	s24 =	sshrl.u32 s9, $0x1  }
0x9: {  	s26 =	sshrl.u32 s23, $0x2;
	s25 =	ssub.s32 s9, s24;
	s10 =	sadd.s32 s6, s11  }
0xa: {  	s9 =	sadd.s32 s26, s2;
	s11 =	smax.u32 s25, $0x1;
	[dreg:$0x4] =	wrdreg s10  }
0xb: {  	s12 =	sadd.s32 $0xC80, s9;
	[dreg:$0x6] =	wrdreg s11  }
0xc: {  	s13 =	sadd.s32 $0x1900, s9;
	[dreg:$0x7] =	wrdreg s12  }
0xd: {  	s14 =	sadd.s32 $0x2580, s9;
	[dreg:$0x8] =	wrdreg s13  }
0xe: {  	s15 =	sadd.s32 $0x3200, s9;
	[dreg:$0x9] =	wrdreg s14  }
0xf: {  	s16 =	sadd.s32 $0x3E80, s9;
	[dreg:$0xa] =	wrdreg s15  }
0x10: {  	s17 =	sadd.s32 $0x4B00, s9;
	[dreg:$0xb] =	wrdreg s16  }
0x11: {  	s5 =	sadd.s32 $0x7AE000, s0;
	s18 =	sadd.s32 $0x5780, s9;
	[dreg:$0xc] =	wrdreg s17  }
0x12: {  	s7 =	sadd.s32 s8, s7;
	s19 =	sadd.s32 $0x6400, s9;
	[dreg:$0xd] =	wrdreg s18  }
0x13: {  	s8 =	smul.u32 $0x7D, s3;
	s20 =	sadd.s32 $0x7080, s9;
	[dreg:$0xe] =	wrdreg s19  }
0x14: {  	s7 =	sshrl.u32 s7, $0x3;
	s21 =	sadd.s32 $0x7D00, s9;
	[dreg:$0xf] =	wrdreg s20  }
0x15: {  	s22 =	sadd.s32 $0x8980, s9;
	s23 =	sadd.s32 $0x9600, s9;
	[dreg:$0x10] =	wrdreg s21  }
0x16: {  	s24 =	sadd.s32 $0xA280, s9;
	s25 =	sadd.s32 $0xAF00, s9;
	[dreg:$0x11] =	wrdreg s22  }
0x17: {  	s26 =	sadd.s32 $0xBB80, s9;
	s28 =	sadd.s32 $0xC800, s9;
	[dreg:$0x12] =	wrdreg s23  }
0x18: {  	s29 =	sadd.s32 $0xD480, s9;
	s30 =	sadd.s32 $0xE100, s9;
	[dreg:$0x13] =	wrdreg s24  }
0x19: {  	s31 =	sadd.s32 $0xED80, s9;
	s3 =	sadd.s32 $0x10680, s9;
	[dreg:$0x14] =	wrdreg s25  }
.Ltmp0:
0x1a: {  	s0 =	sadd.s32 s7, s0;
	[dreg:$0x15] =	wrdreg s26;
	(pc) =	sbr.rel .LBB2_1-.Ltmp0, $4  }
0x1b: {  	s7 =	sadd.s32 $0x11300, s9;
	s10 =	sadd.s32 $0x11F80, s9;
	s11 =	sadd.s32 $0x12C00, s9  }
0x1c: {  	s12 =	simm.s32 $0xA400;
	s13 =	simm.s32 $0x1;
	s14 =	simm.s32 $0x3  }
0x1d: {  	s15 =	simm.s32 $0x5;
	s16 =	simm.s32 $0x2;
	s0 =	sadd.s32 $0x4EE000, s0  }
0x1e: {  	v0 =	vimm.f32 $0.0e+00;
	s17 =	simm.s32 $0x50;
	[dreg:$0x5] =	wrdreg s0;
	s0 =	sadd.s32 $0xFA00, s9  }
.LBB2_9:
0x1f: {  	_ =	swait.ge [sflag:s14], $0x2800  }
0x20: {  	[sflag:s14] =	ssyncset.done $0x0  }
0x21: {  	[sflag:s14] =	ssyncadd.s32 $0xFFFFD800  }
0x22: {  	_ =	swait.ge [sflag:s14], $0x2800  }
0x23: {  	[sflag:s14] =	ssyncset.done $0x0  }
0x24: {  	s18 =	stileid.u32;
	[sflag:s14] =	ssyncadd.s32 $0xFFFFD800  }
0x25: {  	s18 =	sshll.u32 s18, $0x6;
	[bflag:$0x0] =	sbarrier.arrive $0xFFFF  }
0x26: {  	s19 =	sshrl.u32 s9, $0x3;
	s18 =	sor.u32 $0x1C05, s18;
	s20 =	rddreg [dreg:$0x5]  }
0x27: {  	[hbm:s20], [sflag:s18] =	dma.local [spmem:s19], $0x2710  }
0x28: {  	_ =	swait.ge [sflag:s15], $0x2710  }
0x29: {  	s4 =	sadd.s32 $0x1, s4;
	s26 =	rddreg [dreg:$0x6]  }
0x2a: {  	p0 =	sne.s32 s4, s26  }
.Ltmp1:
0x2b: {  	_ = 	snop;
	(pc) =	sbr.rel @!p0 .LBB2_10-.Ltmp1, $3  }
0x2c: {  	_ =	sdelay $0x1  }
0x2d: {  	[sflag:s15] =	ssyncset.done $0x0  }
0x2e: {  	[sflag:s15] =	ssyncadd.s32 $0xFFFFD8F0  }
.LBB2_1:
0x2f: {  	s18 =	simm.s32 $0x0;
	s19 =	simm.s32 $0x200  }
.LBB2_2:
0x30: {  	p0 =	sne.s32 s19, $0x3000;
	[tilespmem:s18+$0xA470] =	vst v0  }
0x31: {  	[tilespmem:s18+$0xA400] =	vst v0  }
0x32: {  	[tilespmem:s18+$0xA410] =	vst v0  }
.Ltmp2:
0x33: {  	[tilespmem:s18+$0xA420] =	vst v0;
	(pc) =	sbr.rel @p0 .LBB2_2-.Ltmp2, $4  }
0x34: {  	[tilespmem:s18+$0xA430] =	vst v0  }
0x35: {  	[tilespmem:s18+$0xA440] =	vst v0  }
0x36: {  	[tilespmem:s18+$0xA450] =	vst v0  }
0x37: {  	[tilespmem:s18+$0xA460] =	vst v0;
	s18 =	sshra.s32 s19, $0x2;
	s19 =	sadd.s32 $0x200, s19  }
0x38: {  	[tilespmem:s18+$0xA470] =	vst v0  }
0x39: {  	[tilespmem:s18+$0xA400] =	vst v0  }
0x3a: {  	[tilespmem:s18+$0xA410] =	vst v0  }
0x3b: {  	[tilespmem:s18+$0xA420] =	vst v0  }
0x3c: {  	[tilespmem:s18+$0xA430] =	vst v0  }
0x3d: {  	[tilespmem:s18+$0xA440] =	vst v0  }
0x3e: {  	[tilespmem:s18+$0xA450] =	vst v0  }
0x3f: {  	[tilespmem:s18+$0xA460] =	vst v0  }
0x40: {  	[spmem:s9] =	stream.linear.scatter [tilespmem:s12], [sflag:$0x1], $0xC80, $0x38;
	[tilespmem:$0x1EC80] =	vst v63  }
0x41: {  	s20 =	rddreg [dreg:$0x7]  }
0x42: {  	[spmem:s20] =	stream.linear.scatter [tilespmem:s12], [sflag:$0x1], $0xC80, $0x38;
	[tilespmem:$0x1EC80] =	vst v63  }
0x43: {  	s21 =	rddreg [dreg:$0x8]  }
0x44: {  	[spmem:s21] =	stream.linear.scatter [tilespmem:s12], [sflag:$0x1], $0xC80, $0x38;
	[tilespmem:$0x1EC80] =	vst v63  }
0x45: {  	s22 =	rddreg [dreg:$0x9]  }
0x46: {  	[spmem:s22] =	stream.linear.scatter [tilespmem:s12], [sflag:$0x1], $0xC80, $0x38;
	[tilespmem:$0x1EC80] =	vst v63  }
0x47: {  	s23 =	rddreg [dreg:$0xa]  }
0x48: {  	[spmem:s23] =	stream.linear.scatter [tilespmem:s12], [sflag:$0x1], $0xC80, $0x38;
	[tilespmem:$0x1EC80] =	vst v63  }
0x49: {  	s24 =	rddreg [dreg:$0xb]  }
0x4a: {  	[spmem:s24] =	stream.linear.scatter [tilespmem:s12], [sflag:$0x1], $0xC80, $0x38;
	[tilespmem:$0x1EC80] =	vst v63  }
0x4b: {  	s25 =	rddreg [dreg:$0xc]  }
0x4c: {  	[spmem:s25] =	stream.linear.scatter [tilespmem:s12], [sflag:$0x1], $0xC80, $0x38;
	[tilespmem:$0x1EC80] =	vst v63  }
0x4d: {  	s26 =	rddreg [dreg:$0xd]  }
0x4e: {  	[spmem:s26] =	stream.linear.scatter [tilespmem:s12], [sflag:$0x1], $0xC80, $0x38;
	[tilespmem:$0x1EC80] =	vst v63  }
0x4f: {  	s19 =	rddreg [dreg:$0xe]  }
0x50: {  	[spmem:s19] =	stream.linear.scatter [tilespmem:s12], [sflag:$0x1], $0xC80, $0x38;
	[tilespmem:$0x1EC80] =	vst v63  }
0x51: {  	s20 =	rddreg [dreg:$0xf]  }
0x52: {  	[spmem:s20] =	stream.linear.scatter [tilespmem:s12], [sflag:$0x1], $0xC80, $0x38;
	[tilespmem:$0x1EC80] =	vst v63  }
0x53: {  	s21 =	rddreg [dreg:$0x10]  }
0x54: {  	[spmem:s21] =	stream.linear.scatter [tilespmem:s12], [sflag:$0x1], $0xC80, $0x38;
	[tilespmem:$0x1EC80] =	vst v63  }
0x55: {  	s22 =	rddreg [dreg:$0x11]  }
0x56: {  	[spmem:s22] =	stream.linear.scatter [tilespmem:s12], [sflag:$0x1], $0xC80, $0x38;
	[tilespmem:$0x1EC80] =	vst v63  }
0x57: {  	s23 =	rddreg [dreg:$0x12]  }
0x58: {  	[spmem:s23] =	stream.linear.scatter [tilespmem:s12], [sflag:$0x1], $0xC80, $0x38;
	[tilespmem:$0x1EC80] =	vst v63  }
0x59: {  	s24 =	rddreg [dreg:$0x13]  }
0x5a: {  	[spmem:s24] =	stream.linear.scatter [tilespmem:s12], [sflag:$0x1], $0xC80, $0x38;
	[tilespmem:$0x1EC80] =	vst v63  }
0x5b: {  	s25 =	rddreg [dreg:$0x14]  }
0x5c: {  	[spmem:s25] =	stream.linear.scatter [tilespmem:s12], [sflag:$0x1], $0xC80, $0x38;
	[tilespmem:$0x1EC80] =	vst v63  }
0x5d: {  	s26 =	rddreg [dreg:$0x15]  }
0x5e: {  	[spmem:s26] =	stream.linear.scatter [tilespmem:s12], [sflag:$0x1], $0xC80, $0x38;
	[tilespmem:$0x1EC80] =	vst v63  }
0x5f: {  	_ = 	snop  }
0x60: {  	[spmem:s28] =	stream.linear.scatter [tilespmem:s12], [sflag:$0x1], $0xC80, $0x38;
	[tilespmem:$0x1EC80] =	vst v63  }
0x61: {  	_ = 	snop  }
0x62: {  	[spmem:s29] =	stream.linear.scatter [tilespmem:s12], [sflag:$0x1], $0xC80, $0x38;
	[tilespmem:$0x1EC80] =	vst v63  }
0x63: {  	_ = 	snop  }
0x64: {  	[spmem:s30] =	stream.linear.scatter [tilespmem:s12], [sflag:$0x1], $0xC80, $0x38;
	[tilespmem:$0x1EC80] =	vst v63  }
0x65: {  	_ = 	snop  }
0x66: {  	[spmem:s31] =	stream.linear.scatter [tilespmem:s12], [sflag:$0x1], $0xC80, $0x38;
	[tilespmem:$0x1EC80] =	vst v63  }
0x67: {  	_ = 	snop  }
0x68: {  	[spmem:s0] =	stream.linear.scatter [tilespmem:s12], [sflag:$0x1], $0xC80, $0x38;
	[tilespmem:$0x1EC80] =	vst v63  }
0x69: {  	_ = 	snop  }
0x6a: {  	[spmem:s3] =	stream.linear.scatter [tilespmem:s12], [sflag:$0x1], $0xC80, $0x38;
	[tilespmem:$0x1EC80] =	vst v63  }
0x6b: {  	_ = 	snop  }
0x6c: {  	[spmem:s7] =	stream.linear.scatter [tilespmem:s12], [sflag:$0x1], $0xC80, $0x38;
	[tilespmem:$0x1EC80] =	vst v63  }
0x6d: {  	_ = 	snop  }
0x6e: {  	[spmem:s10] =	stream.linear.scatter [tilespmem:s12], [sflag:$0x1], $0xC80, $0x38;
	[tilespmem:$0x1EC80] =	vst v63  }
0x6f: {  	_ = 	snop  }
0x70: {  	[spmem:s11] =	stream.linear.scatter [tilespmem:s12], [sflag:$0x1], $0xC80, $0x38;
	[tilespmem:$0x1EC80] =	vst v63  }
0x71: {  	_ =	swait.ge [sflag:s13], $0xC80  }
0x72: {  	[sflag:s13] =	ssyncset.done $0x0  }
0x73: {  	[sflag:s13] =	ssyncadd.s32 $0xFFFFF380  }
0x74: {  	_ =	swait.ge [sflag:s13], $0xC80  }
0x75: {  	[sflag:s13] =	ssyncset.done $0x0  }
0x76: {  	[sflag:s13] =	ssyncadd.s32 $0xFFFFF380  }
0x77: {  	_ =	swait.ge [sflag:s13], $0xC80  }
0x78: {  	[sflag:s13] =	ssyncset.done $0x0  }
0x79: {  	[sflag:s13] =	ssyncadd.s32 $0xFFFFF380  }
0x7a: {  	_ =	swait.ge [sflag:s13], $0xC80  }
0x7b: {  	[sflag:s13] =	ssyncset.done $0x0  }
0x7c: {  	[sflag:s13] =	ssyncadd.s32 $0xFFFFF380  }
0x7d: {  	_ =	swait.ge [sflag:s13], $0xC80  }
0x7e: {  	[sflag:s13] =	ssyncset.done $0x0  }
0x7f: {  	[sflag:s13] =	ssyncadd.s32 $0xFFFFF380  }
0x80: {  	_ =	swait.ge [sflag:s13], $0xC80  }
0x81: {  	[sflag:s13] =	ssyncset.done $0x0  }
0x82: {  	[sflag:s13] =	ssyncadd.s32 $0xFFFFF380  }
0x83: {  	_ =	swait.ge [sflag:s13], $0xC80  }
0x84: {  	[sflag:s13] =	ssyncset.done $0x0  }
0x85: {  	[sflag:s13] =	ssyncadd.s32 $0xFFFFF380  }
0x86: {  	_ =	swait.ge [sflag:s13], $0xC80  }
0x87: {  	[sflag:s13] =	ssyncset.done $0x0  }
0x88: {  	[sflag:s13] =	ssyncadd.s32 $0xFFFFF380  }
0x89: {  	_ =	swait.ge [sflag:s13], $0xC80  }
0x8a: {  	[sflag:s13] =	ssyncset.done $0x0  }
0x8b: {  	[sflag:s13] =	ssyncadd.s32 $0xFFFFF380  }
0x8c: {  	_ =	swait.ge [sflag:s13], $0xC80  }
0x8d: {  	[sflag:s13] =	ssyncset.done $0x0  }
0x8e: {  	[sflag:s13] =	ssyncadd.s32 $0xFFFFF380  }
0x8f: {  	_ =	swait.ge [sflag:s13], $0xC80  }
0x90: {  	[sflag:s13] =	ssyncset.done $0x0  }
0x91: {  	[sflag:s13] =	ssyncadd.s32 $0xFFFFF380  }
0x92: {  	_ =	swait.ge [sflag:s13], $0xC80  }
0x93: {  	[sflag:s13] =	ssyncset.done $0x0  }
0x94: {  	[sflag:s13] =	ssyncadd.s32 $0xFFFFF380  }
0x95: {  	_ =	swait.ge [sflag:s13], $0xC80  }
0x96: {  	[sflag:s13] =	ssyncset.done $0x0  }
0x97: {  	[sflag:s13] =	ssyncadd.s32 $0xFFFFF380  }
0x98: {  	_ =	swait.ge [sflag:s13], $0xC80  }
0x99: {  	[sflag:s13] =	ssyncset.done $0x0  }
0x9a: {  	[sflag:s13] =	ssyncadd.s32 $0xFFFFF380  }
0x9b: {  	_ =	swait.ge [sflag:s13], $0xC80  }
0x9c: {  	[sflag:s13] =	ssyncset.done $0x0  }
0x9d: {  	[sflag:s13] =	ssyncadd.s32 $0xFFFFF380  }
0x9e: {  	_ =	swait.ge [sflag:s13], $0xC80  }
0x9f: {  	[sflag:s13] =	ssyncset.done $0x0  }
0xa0: {  	[sflag:s13] =	ssyncadd.s32 $0xFFFFF380  }
0xa1: {  	_ =	swait.ge [sflag:s13], $0xC80  }
0xa2: {  	[sflag:s13] =	ssyncset.done $0x0  }
0xa3: {  	[sflag:s13] =	ssyncadd.s32 $0xFFFFF380  }
0xa4: {  	_ =	swait.ge [sflag:s13], $0xC80  }
0xa5: {  	[sflag:s13] =	ssyncset.done $0x0  }
0xa6: {  	[sflag:s13] =	ssyncadd.s32 $0xFFFFF380  }
0xa7: {  	_ =	swait.ge [sflag:s13], $0xC80  }
0xa8: {  	[sflag:s13] =	ssyncset.done $0x0  }
0xa9: {  	[sflag:s13] =	ssyncadd.s32 $0xFFFFF380  }
0xaa: {  	_ =	swait.ge [sflag:s13], $0xC80  }
0xab: {  	[sflag:s13] =	ssyncset.done $0x0  }
0xac: {  	[sflag:s13] =	ssyncadd.s32 $0xFFFFF380  }
0xad: {  	_ =	swait.ge [sflag:s13], $0xC80  }
0xae: {  	[sflag:s13] =	ssyncset.done $0x0  }
0xaf: {  	[sflag:s13] =	ssyncadd.s32 $0xFFFFF380  }
0xb0: {  	_ =	swait.ge [sflag:s13], $0xC80  }
0xb1: {  	[sflag:s13] =	ssyncset.done $0x0  }
0xb2: {  	[sflag:s13] =	ssyncadd.s32 $0xFFFFF380  }
0xb3: {  	_ =	swait.ge [sflag:s13], $0xC80  }
0xb4: {  	[sflag:s13] =	ssyncset.done $0x0  }
0xb5: {  	[sflag:s13] =	ssyncadd.s32 $0xFFFFF380  }
0xb6: {  	_ =	swait.ge [sflag:s13], $0xC80  }
0xb7: {  	[sflag:s13] =	ssyncset.done $0x0  }
0xb8: {  	[sflag:s13] =	ssyncadd.s32 $0xFFFFF380  }
0xb9: {  	_ =	swait.ge [sflag:s13], $0xC80  }
.Ltmp3:
0xba: {  	s18 =	simm.s32 $0x0;
	[sflag:s13] =	ssyncset.done $0x0;
	(pc) =	sbr.rel .LBB2_4-.Ltmp3, $4  }
0xbb: {  	s20 =	simm.s32 $0x300;
	s19 =	rddreg [dreg:$0x4];
	[sflag:s13] =	ssyncadd.s32 $0xFFFFF380  }
0xbc: {  	[tilespmem:s20], [sflag:$0x4] =	stream.linear.gather [hbm4b:s19+s18], $0x50, $0x38;
	[tilespmem:$0x1EC80] =	vst v63  }
0xbd: {  	[bflag:$0x0] =	sbarrier.arrive $0xFFFF  }
0xbe: {  	s19 =	simm.s32 $0xFF  }
.LBB2_8:
0xbf: {  	s18 =	sadd.s32 $0x1, s18  }
0xc0: {  	p0 =	sne.s32 s18, $0x7E  }
.Ltmp4:
0xc1: {  	_ = 	snop;
	(pc) =	sbr.rel @!p0 .LBB2_9-.Ltmp4, $2  }
0xc2: {  	_ =	sdelay $0x2  }
0xc3: {  	s19 =	sadd.s32 $0x1, s19  }
.LBB2_4:
0xc4: {  	p3 =	slt.u32 s18, $0x3  }
0xc5: {  	p0 =	seq.s32 @!p3 s18, $0x7D  }
0xc6: {  	p0 =	por p3, !p0  }
0xc7: {  	s21 =	simm.s32 @!p3 $0x3;
	p2 =	slt.u32 @p0 s18, $0x7C  }
0xc8: {  	_ =	swait.ge @!p3 [sflag:s21], $0x2800;
	p1 =	por !p2, !p0  }
0xc9: {  	[sflag:s21] =	ssyncset.done @!p3 $0x0;
	s20 =	sadd.s32 @!p1 s8, s18  }
0xca: {  	[sflag:s21] =	ssyncadd.s32 @!p3 $0xFFFFD800;
	s21 =	simm.s32 @p0 $0x4;
	s22 =	smul.u32 @!p1 $0x50, s20  }
0xcb: {  	s23 =	smul.u32 $0xAB, s18;
	s24 =	sand.u32 $0x1, s18;
	_ =	swait.ge @p0 [sflag:s21], $0x50  }
0xcc: {  	s25 =	sshll.u32 @p0 s24, $0x7;
	[sflag:s21] =	ssyncset.done @p0 $0x0;
	s22 =	sshrl.u32 @!p1 s22, $0x3  }
0xcd: {  	[sflag:s21] =	ssyncadd.s32 @p0 $0xFFFFFFB0;
	s21 =	sxor.u32 @!p1 $0x80, s25;
	s22 =	sadd.s32 @!p1 s6, s22  }
0xce: {  	s26 =	simm.s32 @!p1 $0x0;
	s21 =	sor.u32 @!p1 $0x300, s21;
	s22 =	sadd.s32 @!p1 $0xA, s22  }
0xcf: {  	[tilespmem:s21], [sflag:$0x4] =	stream.linear.gather @!p1 [hbm4b:s22+s26], $0x50, $0x38;
	[tilespmem:$0x1EC80] =	vst v63  }
0xd0: {  	s26 =	sshrl.u32 s23, $0x9;
	v1 =	vld @p0 [tilespmem:s25+$0x300]  }
0xd1: {  	s21 =	sand.u32 $0x7F, s26  }
0xd2: {  	s21 =	smul.u32 $0x3, s21;
	_ =	sdelay $0x1  }
0xd3: {  	s21 =	ssub.s32 s18, s21  }
0xd4: {  	s21 =	sand.u32 $0xFF, s21;
	v2 =	vand.u32 @p0 $0x3FFF, v1  }
0xd5: {  	v1 =	vshra.s32 @p0 v1, $0xE;
	s22 =	sshll.u32 @p0 s21, $0x7;
	[tilespmem:s25+$0x0] =	vst @p0 v2  }
0xd6: {  	s23 =	sor.u32 @p0 $0x310, s25;
	[tilespmem:s22+$0x100] =	vst @p0 v1  }
0xd7: {  	v1 =	vld @p0 [tilespmem:s23+$0x0];
	_ =	sdelay $0x4  }
0xd8: {  	s23 =	sor.u32 @p0 $0x10, s25;
	v2 =	vand.u32 @p0 $0x3FFF, v1  }
0xd9: {  	v1 =	vshra.s32 @p0 v1, $0xE;
	[tilespmem:s23+$0x0] =	vst @p0 v2  }
0xda: {  	s23 =	sor.u32 @p0 $0x320, s25;
	[tilespmem:s22+$0x110] =	vst @p0 v1  }
0xdb: {  	v1 =	vld @p0 [tilespmem:s23+$0x0];
	_ =	sdelay $0x4  }
0xdc: {  	s23 =	sor.u32 @p0 $0x20, s25;
	v2 =	vand.u32 @p0 $0x3FFF, v1  }
0xdd: {  	v1 =	vshra.s32 @p0 v1, $0xE;
	[tilespmem:s23+$0x0] =	vst @p0 v2  }
0xde: {  	s23 =	sor.u32 @p0 $0x330, s25;
	[tilespmem:s22+$0x120] =	vst @p0 v1  }
0xdf: {  	v1 =	vld @p0 [tilespmem:s23+$0x0];
	_ =	sdelay $0x4  }
0xe0: {  	s23 =	sor.u32 @p0 $0x30, s25;
	v2 =	vand.u32 @p0 $0x3FFF, v1  }
0xe1: {  	v1 =	vshra.s32 @p0 v1, $0xE;
	[tilespmem:s23+$0x0] =	vst @p0 v2  }
0xe2: {  	s23 =	sor.u32 @p0 $0x340, s25;
	[tilespmem:s22+$0x130] =	vst @p0 v1  }
0xe3: {  	v1 =	vld @p0 [tilespmem:s23+$0x0];
	_ =	sdelay $0x3  }
0xe4: {  	s21 =	smul.u32 @p0 $0xA000, s21  }
0xe5: {  	s23 =	sor.u32 @p0 $0x40, s25;
	v2 =	vand.u32 @p0 $0x3FFF, v1  }
0xe6: {  	p2 =	por p2, !p0;
	s21 =	sshrl.u32 @p0 s21, $0x2;
	v1 =	vshra.s32 @p0 v1, $0xE;
	[tilespmem:s23+$0x0] =	vst @p0 v2  }
0xe7: {  	s21 =	sor.u32 @p0 $0x400, s21;
	s23 =	sadd.s32 @!p2 s8, s18;
	[tilespmem:s22+$0x140] =	vst @p0 v1;
	s22 =	simm.s32 @p0 $0x50  }
0xe8: {  	[tilespmem:s21], [sflag:$0x1] =	stream.indirect.gather @p0 [hbm4b:s1+s22], $0x80, s25, s22, $0xb8;
	[tilespmem:$0x1EC80] =	vst v63  }
0xe9: {  	s20 =	smov.u32 @p1 s23;
	s21 =	smul.u32 @p0 $0x5000, s24  }
0xea: {  	s20 =	smul.u32 @p0 $0x280, s20  }
0xeb: {  	p1 =	seq.s32 @p0 s18, $0x0;
	s21 =	sshrl.u32 @p0 s21, $0x2  }
0xec: {  	s22 =	simm.s32 @p0 $0x0;
	s20 =	sadd.s32 @p0 s5, s20;
	s21 =	sadd.s32 @p0 $0x7C00, s21  }
0xed: {  	[tilespmem:s21], [sflag:$0x2] =	stream.linear.gather @p0 [hbm4b:s20+s22], $0x1400, $0x38;
	[tilespmem:$0x1EC80] =	vst v63  }
0xee: {  	p0 =	por !p0, !p1  }
.Ltmp5:
0xef: {  	_ = 	snop;
	(pc) =	sbr.rel @!p0 .LBB2_8-.Ltmp5, $1  }
0xf0: {  	_ =	sdelay $0x3  }
0xf1: {  	_ =	swait.ge [sflag:s13], $0x2800  }
0xf2: {  	[sflag:s13] =	ssyncset.done $0x0  }
0xf3: {  	s21 =	sadd.s32 $0xFFFFFFFF, s18;
	[sflag:s13] =	ssyncadd.s32 $0xFFFFD800  }
0xf4: {  	s20 =	sand.u32 $0x1, s21;
	_ =	swait.ge [sflag:s16], $0x1400  }
0xf5: {  	p0 =	seq.s32 s20, $0x1;
	s20 =	simm.s32 $0x9080;
	[sflag:s16] =	ssyncset.done $0x0  }
0xf6: {  	s20 =	simm.s32 @!p0 $0x7C80;
	[sflag:s16] =	ssyncadd.s32 $0xFFFFEC00  }
0xf7: {  	v1 =	vld [tilespmem:s20+$0x70]  }
0xf8: {  	v2 =	vld [tilespmem:s20+$0xFFFFFF90]  }
0xf9: {  	v3 =	vld [tilespmem:s20+$0xFFFFFFA0]  }
0xfa: {  	v4 =	vld [tilespmem:s20+$0xFFFFFFB0]  }
0xfb: {  	v5 =	vld [tilespmem:s20+$0xFFFFFFC0]  }
0xfc: {  	v6 =	vld [tilespmem:s20+$0xFFFFFFD0]  }
0xfd: {  	s22 =	sand.u32 $0xFF, s19;
	v7 =	vld [tilespmem:s20+$0xFFFFFFE0]  }
0xfe: {  	s23 =	smulhi.u32 $0x55555556, s22;
	v8 =	vld [tilespmem:s20+$0xFFFFFFF0]  }
0xff: {  	s22 =	smul.u32 $0xA000, s22;
	v9 =	vld [tilespmem:s20+$0xFFFFFF80]  }
0x100: {  	s23 =	smul.u32 $0x1E000, s23;
	v20 =	vld [tilespmem:s20+$0x0]  }
0x101: {  	v21 =	vld [tilespmem:s20+$0x10]  }
0x102: {  	s22 =	ssub.s32 s22, s23;
	v22 =	vld [tilespmem:s20+$0x20]  }
0x103: {  	s22 =	sshra.s32 s22, $0x2;
	v23 =	vld [tilespmem:s20+$0x30]  }
0x104: {  	v24 =	vld [tilespmem:s20+$0x40];
	s25 =	sor.u32 $0x500, s22  }
0x105: {  	v10 =	vld [tilespmem:s25+$0xFFFFFF00]  }
0x106: {  	v11 =	vld [tilespmem:s25+$0xFFFFFF10]  }
0x107: {  	v26 =	vld [tilespmem:s20+$0x50]  }
0x108: {  	v12 =	vld [tilespmem:s25+$0xFFFFFF20]  }
0x109: {  	v13 =	vld [tilespmem:s25+$0xFFFFFF30];
	v15 =	vshll.u32 v9, $0x10  }
0x10a: {  	v59 =	vld [tilespmem:s20+$0x60];
	v17 =	vshll.u32 v2, $0x10;
	v10 =	vmul.f32 v15, v10  }
0x10b: {  	v14 =	vld [tilespmem:s25+$0xFFFFFF40];
	v11 =	vmul.f32 v17, v11  }
0x10c: {  	v16 =	vld [tilespmem:s25+$0xFFFFFF50];
	[tilespmem:s25+$0xFFFFFF00] =	vst v10;
	v10 =	vshll.u32 v3, $0x10  }
0x10d: {  	v18 =	vld [tilespmem:s25+$0xFFFFFF70];
	[tilespmem:s25+$0xFFFFFF10] =	vst v11;
	v11 =	vshll.u32 v4, $0x10;
	v10 =	vmul.f32 v10, v12  }
0x10e: {  	v15 =	vld [tilespmem:s25+$0xFFFFFF60];
	v11 =	vmul.f32 v11, v13  }
0x10f: {  	v19 =	vld [tilespmem:s25+$0xF0];
	[tilespmem:s25+$0xFFFFFF20] =	vst v10;
	v10 =	vshll.u32 v5, $0x10  }
0x110: {  	v56 =	vld [tilespmem:s25+$0xFFFFFF80];
	[tilespmem:s25+$0xFFFFFF30] =	vst v11;
	v11 =	vshll.u32 v6, $0x10;
	v10 =	vmul.f32 v10, v14  }
0x111: {  	v12 =	vld [tilespmem:s25+$0xFFFFFF90];
	v11 =	vmul.f32 v11, v16  }
0x112: {  	v13 =	vld [tilespmem:s25+$0xFFFFFFA0];
	[tilespmem:s25+$0xFFFFFF40] =	vst v10;
	v10 =	vshll.u32 v7, $0x10  }
0x113: {  	v57 =	vld [tilespmem:s25+$0xFFFFFFC0];
	[tilespmem:s25+$0xFFFFFF50] =	vst v11;
	v11 =	vshll.u32 v8, $0x10;
	v10 =	vmul.f32 v10, v15  }
0x114: {  	v25 =	vand.u32 $0xFFFF0000, v1;
	v14 =	vld [tilespmem:s25+$0xFFFFFFB0];
	v11 =	vmul.f32 v11, v18  }
0x115: {  	v58 =	vld [tilespmem:s25+$0xFFFFFFE0];
	v2 =	vand.u32 $0xFFFF0000, v2;
	[tilespmem:s25+$0xFFFFFF60] =	vst v10;
	v10 =	vmul.f32 v25, v19  }
0x116: {  	v3 =	vand.u32 $0xFFFF0000, v3;
	v2 =	vmul.f32 v2, v12;
	[tilespmem:s25+$0xFFFFFF70] =	vst v11;
	v11 =	vld [tilespmem:s25+$0x10]  }
0x117: {  	v9 =	vand.u32 $0xFFFF0000, v9;
	v3 =	vmul.f32 v3, v13;
	[tilespmem:s25+$0xF0] =	vst v10;
	v10 =	vld [tilespmem:s25+$0x0]  }
0x118: {  	v9 =	vmul.f32 v9, v56;
	v12 =	vld [tilespmem:s25+$0x70];
	[tilespmem:s25+$0xFFFFFF90] =	vst v2;
	v2 =	vand.u32 $0xFFFF0000, v4  }
0x119: {  	v28 =	vld [tilespmem:s25+$0x30];
	[tilespmem:s25+$0xFFFFFFA0] =	vst v3;
	v3 =	vand.u32 $0xFFFF0000, v5;
	v2 =	vmul.f32 v2, v14  }
0x11a: {  	v27 =	vld [tilespmem:s25+$0x20];
	v31 =	vshll.u32 v21, $0x10;
	[tilespmem:s25+$0xFFFFFF80] =	vst v9;
	v3 =	vmul.f32 v3, v57  }
0x11b: {  	v30 =	vshll.u32 v20, $0x10;
	v15 =	vld [tilespmem:s25+$0xFFFFFFD0];
	[tilespmem:s25+$0xFFFFFFB0] =	vst v2;
	v9 =	vmul.f32 v31, v11  }
0x11c: {  	s24 =	sand.u32 $0xFF, s21;
	v61 =	vld [tilespmem:s25+$0x50];
	v1 =	vshll.u32 v1, $0x10;
	[tilespmem:s25+$0xFFFFFFC0] =	vst v3;
	v10 =	vmul.f32 v30, v10  }
0x11d: {  	s22 =	smul.u32 $0xAB, s24;
	v29 =	vld [tilespmem:s25+$0x40];
	v63 =	vmul.f32 v1, v12;
	[tilespmem:s25+$0x10] =	vst v9;
	v9 =	vshll.u32 v23, $0x10  }
0x11e: {  	v60 =	vld [tilespmem:s25+$0xFFFFFFF0];
	v5 =	vmul.f32 v9, v28;
	[tilespmem:s25+$0x0] =	vst v10;
	v10 =	vshll.u32 v22, $0x10  }
0x11f: {  	v62 =	vld [tilespmem:s25+$0x60];
	s22 =	sshrl.u32 s22, $0x9;
	v2 =	vand.u32 $0xFFFF0000, v6;
	[tilespmem:s25+$0x70] =	vst v63;
	v4 =	vmul.f32 v10, v27  }
0x120: {  	s22 =	smul.u32 $0x3, s22;
	v13 =	vld [tilespmem:s25+$0x80];
	v2 =	vmul.f32 v2, v15;
	[tilespmem:s25+$0x30] =	vst v5;
	v5 =	vshll.u32 v26, $0x10  }
0x121: {  	v14 =	vld [tilespmem:s25+$0x90];
	v5 =	vmul.f32 v5, v61;
	[tilespmem:s25+$0x20] =	vst v4;
	v4 =	vshll.u32 v24, $0x10  }
0x122: {  	s21 =	ssub.s32 s21, s22;
	v3 =	vand.u32 $0xFFFF0000, v7;
	[tilespmem:s25+$0xFFFFFFD0] =	vst v2;
	v4 =	vmul.f32 v4, v29  }
0x123: {  	s21 =	sand.u32 $0xFF, s21;
	v3 =	vmul.f32 v3, v58;
	v2 =	vand.u32 $0xFFFF0000, v8;
	v9 =	vld [tilespmem:s25+$0xA0];
	[tilespmem:s25+$0x50] =	vst v5  }
0x124: {  	s26 =	smul.u32 $0xA000, s21;
	v1 =	vand.u32 $0xFFFF0000, v26;
	v10 =	vld [tilespmem:s25+$0xB0];
	v5 =	vmul.f32 v2, v60;
	[tilespmem:s25+$0x40] =	vst v4;
	v4 =	vshll.u32 v59, $0x10  }
0x125: {  	v15 =	vand.u32 $0xFFFF0000, v21;
	v11 =	vld [tilespmem:s25+$0xC0];
	v8 =	vand.u32 $0xFFFF0000, v20;
	[tilespmem:s25+$0xFFFFFFE0] =	vst v3;
	v4 =	vmul.f32 v4, v62  }
0x126: {  	s23 =	simm.s32 $0x0;
	s22 =	sshrl.u32 s26, $0x2;
	v6 =	vld [tilespmem:s25+$0xD0];
	v3 =	vand.u32 $0xFFFF0000, v22;
	v12 =	vmul.f32 v8, v13;
	v8 =	vmul.f32 v15, v14;
	[tilespmem:s25+$0xFFFFFFF0] =	vst v5  }
0x127: {  	s24 =	sadd.s32 $0x100, s20;
	s20 =	smov.u32 s25;
	s22 =	sor.u32 $0x400, s22;
	v7 =	vld [tilespmem:s25+$0xE0];
	v2 =	vand.u32 $0xFFFF0000, v24;
	v5 =	vand.u32 $0xFFFF0000, v59;
	[tilespmem:s25+$0x60] =	vst v4;
	v4 =	vand.u32 $0xFFFF0000, v23  }
.LBB2_6:
0x128: {  	v13 =	vld [tilespmem:s24+$0x70];
	s23 =	sadd.s32 $0x2, s23;
	[tilespmem:s25+$0x80] =	vst v12;
	v3 =	vmul.f32 v3, v9;
	s20 =	sadd.s32 $0x200, s20  }
0x129: {  	v9 =	vld [tilespmem:s20+$0xF0];
	p0 =	slt.u32 s23, $0x26;
	[tilespmem:s25+$0x90] =	vst v8;
	v4 =	vmul.f32 v4, v10  }
0x12a: {  	v8 =	vld [tilespmem:s24+$0x0];
	[tilespmem:s25+$0xA0] =	vst v3;
	v2 =	vmul.f32 v2, v11  }
0x12b: {  	v3 =	vld [tilespmem:s24+$0x10];
	[tilespmem:s25+$0xB0] =	vst v4;
	v1 =	vmul.f32 v1, v6  }
0x12c: {  	v4 =	vld [tilespmem:s24+$0x20];
	[tilespmem:s25+$0xC0] =	vst v2;
	v2 =	vmul.f32 v5, v7  }
0x12d: {  	v5 =	vld [tilespmem:s24+$0x30];
	v6 =	vshll.u32 v13, $0x10;
	v7 =	vand.u32 $0xFFFF0000, v13;
	[tilespmem:s25+$0xD0] =	vst v1  }
0x12e: {  	v1 =	vld [tilespmem:s24+$0x40];
	v9 =	vmul.f32 v7, v9;
	[tilespmem:s25+$0xE0] =	vst v2;
	s25 =	smov.u32 s20  }
0x12f: {  	v10 =	vld [tilespmem:s24+$0x50];
	v11 =	vshll.u32 v8, $0x10;
	v7 =	vand.u32 $0xFFFF0000, v8  }
0x130: {  	v12 =	vld [tilespmem:s24+$0x60];
	v13 =	vshll.u32 v3, $0x10;
	v8 =	vand.u32 $0xFFFF0000, v3;
	[tilespmem:s20+$0xF0] =	vst v9  }
0x131: {  	v9 =	vld [tilespmem:s24+$0xFFFFFF90];
	v14 =	vshll.u32 v4, $0x10;
	v3 =	vand.u32 $0xFFFF0000, v4  }
0x132: {  	v15 =	vld [tilespmem:s24+$0xFFFFFFA0];
	v16 =	vshll.u32 v5, $0x10;
	v4 =	vand.u32 $0xFFFF0000, v5  }
0x133: {  	v17 =	vld [tilespmem:s24+$0xFFFFFFB0];
	v18 =	vshll.u32 v1, $0x10;
	v2 =	vand.u32 $0xFFFF0000, v1  }
0x134: {  	v19 =	vld [tilespmem:s24+$0xFFFFFFC0];
	v20 =	vshll.u32 v10, $0x10;
	v1 =	vand.u32 $0xFFFF0000, v10  }
0x135: {  	v10 =	vld [tilespmem:s24+$0xFFFFFFD0];
	v21 =	vshll.u32 v12, $0x10;
	v5 =	vand.u32 $0xFFFF0000, v12  }
0x136: {  	v12 =	vld [tilespmem:s24+$0xFFFFFFE0];
	v22 =	vshll.u32 v9, $0x10;
	v9 =	vand.u32 $0xFFFF0000, v9  }
0x137: {  	v23 =	vld [tilespmem:s24+$0xFFFFFFF0];
	v24 =	vshll.u32 v15, $0x10;
	v15 =	vand.u32 $0xFFFF0000, v15  }
0x138: {  	v25 =	vld [tilespmem:s24+$0xFFFFFF80];
	v26 =	vshll.u32 v17, $0x10;
	v17 =	vand.u32 $0xFFFF0000, v17  }
0x139: {  	v27 =	vld [tilespmem:s20+$0xFFFFFF00];
	v28 =	vshll.u32 v19, $0x10;
	v19 =	vand.u32 $0xFFFF0000, v19  }
0x13a: {  	v29 =	vld [tilespmem:s20+$0xFFFFFF10];
	v30 =	vshll.u32 v10, $0x10;
	v10 =	vand.u32 $0xFFFF0000, v10  }
0x13b: {  	v31 =	vld [tilespmem:s20+$0xFFFFFF20];
	v32 =	vshll.u32 v12, $0x10;
	v12 =	vand.u32 $0xFFFF0000, v12  }
0x13c: {  	v33 =	vld [tilespmem:s20+$0xFFFFFF30];
	v34 =	vshll.u32 v23, $0x10;
	v23 =	vand.u32 $0xFFFF0000, v23  }
0x13d: {  	v35 =	vld [tilespmem:s20+$0xFFFFFF40];
	v36 =	vshll.u32 v25, $0x10;
	v25 =	vand.u32 $0xFFFF0000, v25  }
0x13e: {  	v37 =	vld [tilespmem:s20+$0xFFFFFF50];
	v27 =	vmul.f32 v36, v27  }
0x13f: {  	v36 =	vld [tilespmem:s20+$0xFFFFFF60];
	v22 =	vmul.f32 v22, v29  }
0x140: {  	v29 =	vld [tilespmem:s20+$0xFFFFFF70];
	[tilespmem:s20+$0xFFFFFF00] =	vst v27;
	v24 =	vmul.f32 v24, v31  }
0x141: {  	v27 =	vld [tilespmem:s20+$0xFFFFFF80];
	[tilespmem:s20+$0xFFFFFF10] =	vst v22;
	v22 =	vmul.f32 v26, v33  }
0x142: {  	v26 =	vld [tilespmem:s20+$0xFFFFFF90];
	[tilespmem:s20+$0xFFFFFF20] =	vst v24;
	v24 =	vmul.f32 v28, v35  }
0x143: {  	v28 =	vld [tilespmem:s20+$0xFFFFFFA0];
	[tilespmem:s20+$0xFFFFFF30] =	vst v22;
	v22 =	vmul.f32 v30, v37  }
0x144: {  	v30 =	vld [tilespmem:s20+$0xFFFFFFB0];
	[tilespmem:s20+$0xFFFFFF40] =	vst v24;
	v24 =	vmul.f32 v32, v36  }
0x145: {  	v31 =	vld [tilespmem:s20+$0xFFFFFFC0];
	[tilespmem:s20+$0xFFFFFF50] =	vst v22;
	v22 =	vmul.f32 v34, v29  }
0x146: {  	v29 =	vld [tilespmem:s20+$0xFFFFFFD0];
	v25 =	vmul.f32 v25, v27;
	[tilespmem:s20+$0xFFFFFF60] =	vst v24  }
0x147: {  	v24 =	vld [tilespmem:s20+$0xFFFFFFE0];
	v9 =	vmul.f32 v9, v26;
	[tilespmem:s20+$0xFFFFFF70] =	vst v22  }
0x148: {  	v22 =	vld [tilespmem:s20+$0xFFFFFFF0];
	[tilespmem:s20+$0xFFFFFF80] =	vst v25;
	v15 =	vmul.f32 v15, v28  }
0x149: {  	[tilespmem:s20+$0xFFFFFF90] =	vst v9;
	v9 =	vmul.f32 v17, v30;
	v17 =	vld [tilespmem:s20+$0x0]  }
0x14a: {  	[tilespmem:s20+$0xFFFFFFA0] =	vst v15;
	v15 =	vmul.f32 v19, v31;
	v19 =	vld [tilespmem:s20+$0x10]  }
0x14b: {  	[tilespmem:s20+$0xFFFFFFB0] =	vst v9;
	v9 =	vmul.f32 v10, v29;
	v10 =	vld [tilespmem:s20+$0x20]  }
0x14c: {  	[tilespmem:s20+$0xFFFFFFC0] =	vst v15;
	v12 =	vmul.f32 v12, v24;
	v15 =	vld [tilespmem:s20+$0x30]  }
0x14d: {  	[tilespmem:s20+$0xFFFFFFD0] =	vst v9;
	v9 =	vmul.f32 v23, v22;
	v22 =	vld [tilespmem:s20+$0x40]  }
0x14e: {  	[tilespmem:s20+$0xFFFFFFE0] =	vst v12;
	v12 =	vld [tilespmem:s20+$0x50];
	v11 =	vmul.f32 v11, v17  }
0x14f: {  	[tilespmem:s20+$0xFFFFFFF0] =	vst v9;
	v17 =	vld [tilespmem:s20+$0x60];
	v9 =	vmul.f32 v13, v19  }
0x150: {  	v13 =	vld [tilespmem:s20+$0x70];
	[tilespmem:s20+$0x0] =	vst v11;
	v10 =	vmul.f32 v14, v10  }
0x151: {  	v14 =	vld [tilespmem:s20+$0x80];
	[tilespmem:s20+$0x10] =	vst v9;
	v11 =	vmul.f32 v16, v15  }
0x152: {  	v15 =	vld [tilespmem:s20+$0x90];
	[tilespmem:s20+$0x20] =	vst v10;
	v16 =	vmul.f32 v18, v22  }
.Ltmp6:
0x153: {  	v9 =	vld [tilespmem:s20+$0xA0];
	[tilespmem:s20+$0x30] =	vst v11;
	v12 =	vmul.f32 v20, v12;
	(pc) =	sbr.rel @p0 .LBB2_6-.Ltmp6, $4  }
0x154: {  	v10 =	vld [tilespmem:s20+$0xB0];
	[tilespmem:s20+$0x40] =	vst v16;
	v16 =	vmul.f32 v21, v17  }
0x155: {  	v11 =	vld [tilespmem:s20+$0xC0];
	[tilespmem:s20+$0x50] =	vst v12;
	v13 =	vmul.f32 v6, v13  }
0x156: {  	v6 =	vld [tilespmem:s20+$0xD0];
	v12 =	vmul.f32 v7, v14;
	[tilespmem:s20+$0x60] =	vst v16  }
0x157: {  	s24 =	sadd.s32 $0x100, s24;
	v7 =	vld [tilespmem:s20+$0xE0];
	v8 =	vmul.f32 v8, v15;
	[tilespmem:s20+$0x70] =	vst v13  }
0x158: {  	[tilespmem:s25+$0x80] =	vst v12;
	v3 =	vmul.f32 v3, v9  }
0x159: {  	[tilespmem:s25+$0x90] =	vst v8;
	v4 =	vmul.f32 v4, v10  }
0x15a: {  	[tilespmem:s25+$0xA0] =	vst v3;
	v2 =	vmul.f32 v2, v11  }
.Ltmp7:
0x15b: {  	[tilespmem:s25+$0xB0] =	vst v4;
	v1 =	vmul.f32 v1, v6;
	(pc) =	sbr.rel .LBB2_8-.Ltmp7, $4  }
0x15c: {  	[tilespmem:s25+$0xC0] =	vst v2;
	v2 =	vmul.f32 v5, v7  }
0x15d: {  	s20 =	sshll.u32 s21, $0x7;
	[tilespmem:s25+$0xD0] =	vst v1  }
0x15e: {  	s20 =	sadd.s32 $0x100, s20;
	[tilespmem:s25+$0xE0] =	vst v2  }
0x15f: {  	[spmem:s2] =	stream.indirect.scatter.add.f32 [tilespmem:s22], [sflag:$0x3], $0x80, s20, s17, $0xb8;
	[tilespmem:$0x1EC80] =	vst v63  }
.LBB2_10:
0x160: {  	_ =	sfence.sel $0x180000  }
0x161: {  	[bflag:$0x0] =	sbarrier.arrive $0xFFFF  }
0x162: {  	_ =	strace $0x9000004A  }
0x163: {  	s0 =	stileid.u32;
	[bflag:$0x2] =	sbarrier.arrive $0xFFFF  }
0x164: {  	p0 =	sne.s32 s0, $0x0;
	s0 =	rddreg [dreg:$0x3]  }
0x165: {  	s0 =	sadd.s32 @!p0 $0x100000, s0  }
0x166: {  	[sflag:s0] =	ssyncadd.tile.s32 @!p0 $0x1;
	_ =	shalt  }
.Lfunc_end2:
_tile_overlayer_lowered:
.L_overlay_start_2:
0x167: {  	(tag) =	ssettag $0x2  }
0x168: {  	s0 =	rddreg [dreg:$0x0];
	s2 =	stileid.u32  }
0x169: {  	s1 =	rddreg [dreg:$0x1];
	p0 =	sne.s32 s2, $0x0  }
0x16a: {  	s3 =	rddreg [dreg:$0x2];
	[bflag:$0x3] =	sbarrier.arrive $0xFFFF;
	s2 =	simm.s32 @!p0 $0x1C05  }
0x16b: {  	[timem:s3], [sflag:s2] =	dma.local @!p0 [hbm:s0], s1  }
0x16c: {  	s0 =	simm.s32 @!p0 $0x5  }
0x16d: {  	_ =	swait.ge @!p0 [sflag:s0], s1  }
0x16e: {  	s1 =	ssub.s32 @!p0 $0x0, s1;
	[sflag:s0] =	ssyncset.done @!p0 $0x0  }
0x16f: {  	[sflag:s0] =	ssyncadd.s32 @!p0 s1  }
0x170: {  	[bflag:$0x3] =	sbarrier.arrive $0xFFFF  }
0x171: {  	_ =	shalt  }

// kernel: kernel.9.cloned.1.call-start
scs
__scs_entry_jumppad:
0x0: {  	(pc) =	sbr.rel $0x88, $3  }
0x1: {  	(tag) =	ssettag $0x0;
	lr =	simm.s32 $0x1  }
0x2: {  	[smem:$0x3F98] =	sst lr;
	_ =	strace $0xD0000000  }
0x3: {  	_ = 	snop  }
0x4: {  	_ = 	snop  }
0x5: {  	_ = 	snop  }
0x6: {  	_ = 	snop  }
0x7: {  	_ = 	snop  }
__scs_overlays_trampoline_lowered:
0x8: {  	[smem:$0x3FA7] =	sst s0  }
0x9: {  	[smem:$0x3FA8] =	sst s1  }
0xa: {  	[smem:$0x3FA9] =	sst s2  }
0xb: {  	[smem:$0x3FAA] =	sst s3  }
0xc: {  	[smem:$0x3FAB] =	sst s4  }
0xd: {  	[smem:$0x3FAC] =	sst s5  }
0xe: {  	[smem:$0x3FAD] =	sst s6  }
0xf: {  	[smem:$0x3FAE] =	sst s7  }
0x10: {  	[smem:$0x3FAF] =	sst s8  }
0x11: {  	[smem:$0x3FB0] =	sst s9;
	s0 =	simm.s32 @!p0 $0x0  }
0x12: {  	s1 =	sld [smem:$0x3F96];
	s0 =	simm.s32 @p0 $0x1  }
0x13: {  	[smem:$0x3FB1] =	sst s0;
	s0 =	simm.s32 @!p1 $0x0  }
0x14: {  	s2 =	sld [smem:$0x3F95];
	s0 =	simm.s32 @p1 $0x1  }
0x15: {  	[smem:$0x3FB2] =	sst s0;
	s0 =	simm.s32 @!p2 $0x0  }
0x16: {  	s3 =	sld [smem:$0x3FDB];
	s0 =	simm.s32 @p2 $0x1  }
0x17: {  	s4 =	simm.s32 $0x1BF5;
	[smem:$0x3FB4] =	sst s0  }
0x18: {  	s0 =	sld [smem:$0x3F97];
	_ =	swait.ge [sflag:s4], $0x0  }
0x19: {  	s7 =	sld [smem:$0x3F98]  }
0x1a: {  	s8 =	sadd.s32 $0xFFFFE003, lr  }
0x1b: {  	s9 =	sadd.s32 $0xFFFFFEF7, lr;
	s5 =	simm.s32 $0xFFFFFFFF;
	p2 =	slt.u32 s8, $0xFFFFF086  }
0x1c: {  	p1 =	slt.u32 s9, $0xF7A;
	s5 =	simm.s32 @!p2 $0x0  }
0x1d: {  	s5 =	simm.s32 @p1 $0x1;
	p0 =	seq.s32 s7, s2  }
0x1e: {  	s7 =	smul.u32 @!p0 $0xF7A, s2;
	p2 =	seq.s32 @!p0 s5, $0x0  }
0x1f: {  	s9 =	smul.u32 $0xF7A, s1;
	s8 =	simm.s32 @!p0 $0x1BF5;
	p2 =	por !p2, p0  }
0x20: {  	[sflag:s8] =	ssyncset.s32 @!p0 $0xFFFFF086;
	s6 =	sadd.s32 @!p0 s3, s7;
	s7 =	simm.s32 @!p0 $0x108  }
0x21: {  	s3 =	sadd.s32 s3, s9;
	s6 =	sadd.s32 @!p0 $0x88, s6;
	s7 =	simm.s32 @p2 $0x1082  }
0x22: {  	[simem:s7], [sflag:s8] =	dma.local @!p0 [hbm:s6], $0xF7A  }
0x23: {  	s9 =	sor.u32 $0xD0000000, s2;
	s6 =	simm.s32 $0x108;
	_ =	swait.ge @!p0 [sflag:s8], $0x0  }
0x24: {  	s3 =	sadd.s32 $0x88, s3;
	s6 =	simm.s32 @!p1 $0x1082;
	[sflag:s4] =	ssyncset.s32 $0xFFFFF086  }
0x25: {  	[simem:s6], [sflag:s4] =	dma.local [hbm:s3], $0xF7A  }
0x26: {  	[smem:$0x3F98] =	sst s1;
	(tag) =	ssettag s2;
	_ =	strace s9  }
0x27: {  	s1 =	sld [smem:$0x3FA8]  }
0x28: {  	s2 =	sld [smem:$0x3FA9]  }
0x29: {  	s4 =	sld [smem:$0x3FAB]  }
0x2a: {  	p0 =	seq.s32 s5, $0x0;
	s5 =	sld [smem:$0x3FAC]  }
0x2b: {  	s6 =	sld [smem:$0x3FAD]  }
0x2c: {  	s7 =	sld [smem:$0x3FAE]  }
0x2d: {  	s3 =	simm.s32 $0x108;
	s8 =	sld [smem:$0x3FAF]  }
0x2e: {  	s3 =	simm.s32 @!p0 $0x1082;
	s9 =	sld [smem:$0x3FB0]  }
0x2f: {  	lr =	sadd.s32 s0, s3;
	s0 =	sld [smem:$0x3FA7]  }
0x30: {  	s3 =	sld [smem:$0x3FAA]  }
0x31: {  	[smem:$0x3FB3] =	sst s10  }
0x32: {  	s10 =	sld [smem:$0x3FB1];
	_ =	sdelay $0x3  }
0x33: {  	p0 =	seq.s32 s10, $0x1;
	s10 =	sld [smem:$0x3FB3];
	_ =	sdelay $0x3  }
0x34: {  	[smem:$0x3FB3] =	sst s10  }
0x35: {  	s10 =	sld [smem:$0x3FB2];
	_ =	sdelay $0x3  }
0x36: {  	p1 =	seq.s32 s10, $0x1;
	s10 =	sld [smem:$0x3FB3];
	_ =	sdelay $0x3  }
0x37: {  	[smem:$0x3FB3] =	sst s10  }
0x38: {  	s10 =	sld [smem:$0x3FB4]  }
0x39: {  	_ = 	snop;
	(pc) =	sbr.ind lr, $3  }
0x3a: {  	_ = 	snop  }
0x3b: {  	_ = 	snop  }
0x3c: {  	p2 =	seq.s32 s10, $0x1;
	s10 =	sld [smem:$0x3FB3]  }
0x3d: {  	_ =	shalt  }
0x3e: {  	_ =	shalt  }
0x3f: {  	_ =	shalt  }
0x40: {  	_ =	shalt  }
0x41: {  	_ =	shalt  }
0x42: {  	_ =	shalt  }
0x43: {  	_ =	shalt  }
0x44: {  	_ =	shalt  }
0x45: {  	_ =	shalt  }
0x46: {  	_ =	shalt  }
0x47: {  	_ =	shalt  }
0x48: {  	_ =	shalt  }
0x49: {  	_ =	shalt  }
0x4a: {  	_ =	shalt  }
0x4b: {  	_ =	shalt  }
0x4c: {  	_ =	shalt  }
0x4d: {  	_ =	shalt  }
0x4e: {  	_ =	shalt  }
0x4f: {  	_ =	shalt  }
0x50: {  	_ =	shalt  }
0x51: {  	_ =	shalt  }
0x52: {  	_ =	shalt  }
0x53: {  	_ =	shalt  }
0x54: {  	_ =	shalt  }
0x55: {  	_ =	shalt  }
0x56: {  	_ =	shalt  }
0x57: {  	_ =	shalt  }
0x58: {  	_ =	shalt  }
0x59: {  	_ =	shalt  }
0x5a: {  	_ =	shalt  }
0x5b: {  	_ =	shalt  }
0x5c: {  	_ =	shalt  }
0x5d: {  	_ =	shalt  }
0x5e: {  	_ =	shalt  }
0x5f: {  	_ =	shalt  }
0x60: {  	_ =	shalt  }
0x61: {  	_ =	shalt  }
0x62: {  	_ =	shalt  }
0x63: {  	_ =	shalt  }
0x64: {  	_ =	shalt  }
0x65: {  	_ =	shalt  }
0x66: {  	_ =	shalt  }
0x67: {  	_ =	shalt  }
0x68: {  	_ =	shalt  }
0x69: {  	_ =	shalt  }
0x6a: {  	_ =	shalt  }
0x6b: {  	_ =	shalt  }
0x6c: {  	_ =	shalt  }
0x6d: {  	_ =	shalt  }
0x6e: {  	_ =	shalt  }
0x6f: {  	_ =	shalt  }
0x70: {  	_ =	shalt  }
0x71: {  	_ =	shalt  }
0x72: {  	_ =	shalt  }
0x73: {  	_ =	shalt  }
0x74: {  	_ =	shalt  }
0x75: {  	_ =	shalt  }
0x76: {  	_ =	shalt  }
0x77: {  	_ =	shalt  }
0x78: {  	_ =	shalt  }
0x79: {  	_ =	shalt  }
0x7a: {  	_ =	shalt  }
0x7b: {  	_ =	shalt  }
0x7c: {  	_ =	shalt  }
0x7d: {  	_ =	shalt  }
0x7e: {  	_ =	shalt  }
0x7f: {  	_ =	shalt  }
0x80: {  	_ =	shalt  }
0x81: {  	_ =	shalt  }
0x82: {  	_ =	shalt  }
0x83: {  	_ =	shalt  }
0x84: {  	_ =	shalt  }
0x85: {  	_ =	shalt  }
0x86: {  	_ =	shalt  }
0x87: {  	_ =	shalt  }
.Lfunc_end0:
.L_simem_size_0:
called_computation_lowered:
.L_overlay_start_0:
0x88: {  	s2 =	sld [smem:$0x3FD9]  }
0x89: {  	s3 =	sld [smem:$0x3FFE];
	_ =	sdelay $0x1  }
0x8a: {  	s1 =	srdreg.scid  }
0x8b: {  	s0 =	sand.u32 $0x1, s1  }
0x8c: {  	s17 =	sshll.u32 s0, $0xA;
	s2 =	sadd.s32 s3, s2  }
0x8d: {  	s2 =	sadd.s32 s2, s17  }
0x8e: {  	[smem:$0x3FBF] =	sst s2  }
0x8f: {  	_ = 	snop  }
0x90: {  	s2 =	sld [smem:$0x3FD0];
	(tm) =	ssettm $0x1  }
0x91: {  	s18 =	sld [smem:$0x3FFB];
	_ =	sdelay $0x3  }
0x92: {  	_ =	strace s18  }
0x93: {  	s3 =	sld [smem:$0x3FFC];
	_ =	sdelay $0x3  }
0x94: {  	_ =	strace s3  }
0x95: {  	s3 =	sld [smem:$0x3FFD];
	_ =	sdelay $0x3  }
0x96: {  	_ =	strace s3  }
0x97: {  	_ =	strace $0x8FFFFFFF  }
0x98: {  	s19 =	sld [smem:$0x3FDB];
	_ =	sdelay $0x1  }
0x99: {  	s4 =	simm.s32 $_scs_section_size  }
0x9a: {  	s5 =	simm.s32 $_size__tile_overlayer_lowered;
	s6 =	simm.s32 $_tile_overlayer_lowered  }
0x9b: {  	s22 =	simm.s32 $0x1BFF;
	s21 =	sshll.u32 s6, $0x1;
	s3 =	sadd.s32 s4, s19  }
0x9c: {  	s7 =	simm.s32 $0x0;
	s20 =	sshll.u32 s5, $0x1;
	s5 =	sadd.s32 s21, s3  }
0x9d: {  	[timem:s7], [sflag:s22] =	dma.local [hbm:s5], s20  }
0x9e: {  	_ =	swait.ge [sflag:s22], s20  }
0x9f: {  	s4 =	ssub.s32 $0x0, s20;
	[sflag:s22] =	ssyncset.done $0x0  }
0xa0: {  	[sflag:s22] =	ssyncadd.s32 s4;
	_ =	sdelay $0x1  }
0xa1: {  	s23 =	simm.s32 $0x1B8B  }
0xa2: {  	_ =	swait.ge [sflag:s23], $0x1  }
0xa3: {  	[sflag:s23] =	ssyncset.done $0x0  }
0xa4: {  	s25 =	simm.s32 $0x1B8E;
	s24 =	sld [smem:$0x3FFE];
	[sflag:s23] =	ssyncadd.s32 $0xFFFFFFFF  }
0xa5: {  	s26 =	simm.s32 $execute0_lowered;
	[smem:$0x3FD2] =	sst s25  }
0xa6: {  	s5 =	sshll.u32 s26, $0x1;
	_ =	strace $0x80000046;
	[dreg:$0x1] =	wrdreg $0xFFFFFFFF  }
0xa7: {  	s28 =	simm.s32 $_size_execute0_lowered;
	s3 =	sadd.s32 s3, s5;
	[dreg:$0x0] =	wrdreg $0x0  }
0xa8: {  	s5 =	sshll.u32 s28, $0x1;
	[dreg:$0x2] =	wrdreg s3  }
0xa9: {  	[dreg:$0x3] =	wrdreg s5  }
0xaa: {  	[dreg:$0x4] =	wrdreg $0xC0  }
0xab: {  	_ =	task [dreg:s7], $0x5FFFF  }
0xac: {  	[dreg:$0x1] =	wrdreg $0xFFFFFFFF  }
0xad: {  	[dreg:$0x0] =	wrdreg $0x60  }
0xae: {  	[dreg:$0x2] =	wrdreg s2  }
0xaf: {  	[dreg:$0x3] =	wrdreg s24  }
0xb0: {  	[dreg:$0x4] =	wrdreg $0xB4000  }
0xb1: {  	[dreg:$0x5] =	wrdreg $0x9  }
0xb2: {  	_ =	task.clear_ibuf [dreg:s7], $0x6FFFF;
	_ =	strace $0x90000046  }
0xb3: {  	s29 =	simm.s32 $0x9;
	_ =	strace $0x80000048  }
0xb4: {  	_ =	swait.ge [sflag:s29], $0x1  }
0xb5: {  	[sflag:s29] =	ssyncadd.s32 $0xFFFFFFFF  }
0xb6: {  	_ =	strace $0x90000048  }
0xb7: {  	_ =	sfence  }
0xb8: {  	s30 =	sld [smem:$0x0];
	_ =	sdelay $0x2  }
0xb9: {  	s31 =	sshll.u32 s1, $0xD;
	s1 =	sshrl.u32 s1, $0x2  }
0xba: {  	s3 =	sand.u32 $0x4000, s31;
	s1 =	sadd.s32 s1, s30  }
0xbb: {  	s0 =	sor.u32 s3, s0;
	s1 =	sshll.u32 s1, $0x11  }
0xbc: {  	s0 =	sor.u32 s1, s0  }
0xbd: {  	s0 =	sadd.s32 $0x8F2B, s0  }
0xbe: {  	[sflag:s0] =	ssyncadd.remote.s32 $0x1  }
0xbf: {  	_ =	sfence.sel $0xFFFF  }
0xc0: {  	[dreg:$0x0] =	wrdreg $0xFFFFFFFF;
	(pc) =	sbr.abs _section_cstart, $3  }
0xc1: {  	[dreg:$0x1] =	wrdreg $0xFFFFFFFF  }
0xc2: {  	_ =	task.clear_ibuf [dreg:s7], $0x2FFFF;
	_ =	strace $0x9FFFFFFF  }
0xc3: {  	(tm) =	ssettm $0x7FFFFFFF  }
tec
execute0_lowered:
.L_overlay_start_1:
0x0: {  	(tag) =	ssettag $0x1  }
0x1: {  	s1 =	rddreg [dreg:$0x0]  }
0x2: {  	s0 =	rddreg [dreg:$0x1]  }
0x3: {  	s2 =	rddreg [dreg:$0x2];
	s10 =	stileid.u32  }
0x4: {  	s3 =	srdreg.scid;
	s4 =	simm.s32 $0x0;
	s8 =	smul.u32 $0x13C00, s10  }
0x5: {  	s3 =	sand.u32 $0x1, s3;
	s22 =	sshll.u32 s10, $0x1;
	s23 =	smul.u32 $0x4E200, s10  }
0x6: {  	s7 =	smul.u32 $0x13C000, s3;
	s9 =	ssub.s32 $0x2, s3;
	s3 =	sor.u32 s3, s22  }
0x7: {  	[smem:$0x7FF] =	sst s4;
	s11 =	smul.u32 $0x4E2, s3  }
0x8: {  	s6 =	sadd.s32 $0x4E4200, s0;
	_ =	strace $0x80000047;
	s24 =	sshrl.u32 s9, $0x1  }
0x9: {  	s26 =	sshrl.u32 s23, $0x2;
	s25 =	ssub.s32 s9, s24;
	s10 =	sadd.s32 s6, s11  }
0xa: {  	s9 =	sadd.s32 s26, s2;
	s11 =	smax.u32 s25, $0x1;
	[dreg:$0x4] =	wrdreg s10  }
0xb: {  	s12 =	sadd.s32 $0xC80, s9;
	[dreg:$0x6] =	wrdreg s11  }
0xc: {  	s13 =	sadd.s32 $0x1900, s9;
	[dreg:$0x7] =	wrdreg s12  }
0xd: {  	s14 =	sadd.s32 $0x2580, s9;
	[dreg:$0x8] =	wrdreg s13  }
0xe: {  	s15 =	sadd.s32 $0x3200, s9;
	[dreg:$0x9] =	wrdreg s14  }
0xf: {  	s16 =	sadd.s32 $0x3E80, s9;
	[dreg:$0xa] =	wrdreg s15  }
0x10: {  	s17 =	sadd.s32 $0x4B00, s9;
	[dreg:$0xb] =	wrdreg s16  }
0x11: {  	s5 =	sadd.s32 $0x4EE000, s0;
	s18 =	sadd.s32 $0x5780, s9;
	[dreg:$0xc] =	wrdreg s17  }
0x12: {  	s7 =	sadd.s32 s8, s7;
	s19 =	sadd.s32 $0x6400, s9;
	[dreg:$0xd] =	wrdreg s18  }
0x13: {  	s8 =	smul.u32 $0x7D, s3;
	s20 =	sadd.s32 $0x7080, s9;
	[dreg:$0xe] =	wrdreg s19  }
0x14: {  	s7 =	sshrl.u32 s7, $0x3;
	s21 =	sadd.s32 $0x7D00, s9;
	[dreg:$0xf] =	wrdreg s20  }
0x15: {  	s22 =	sadd.s32 $0x8980, s9;
	s23 =	sadd.s32 $0x9600, s9;
	[dreg:$0x10] =	wrdreg s21  }
0x16: {  	s24 =	sadd.s32 $0xA280, s9;
	s25 =	sadd.s32 $0xAF00, s9;
	[dreg:$0x11] =	wrdreg s22  }
0x17: {  	s26 =	sadd.s32 $0xBB80, s9;
	s28 =	sadd.s32 $0xC800, s9;
	[dreg:$0x12] =	wrdreg s23  }
0x18: {  	s29 =	sadd.s32 $0xD480, s9;
	s30 =	sadd.s32 $0xE100, s9;
	[dreg:$0x13] =	wrdreg s24  }
0x19: {  	s31 =	sadd.s32 $0xED80, s9;
	s3 =	sadd.s32 $0x10680, s9;
	[dreg:$0x14] =	wrdreg s25  }
.Ltmp0:
0x1a: {  	s0 =	sadd.s32 s7, s0;
	[dreg:$0x15] =	wrdreg s26;
	(pc) =	sbr.rel .LBB2_1-.Ltmp0, $4  }
0x1b: {  	s7 =	sadd.s32 $0x11300, s9;
	s10 =	sadd.s32 $0x11F80, s9;
	s11 =	sadd.s32 $0x12C00, s9  }
0x1c: {  	s12 =	simm.s32 $0xA400;
	s13 =	simm.s32 $0x1;
	s14 =	simm.s32 $0x3  }
0x1d: {  	s15 =	simm.s32 $0x5;
	s16 =	simm.s32 $0x2;
	s0 =	sadd.s32 $0x75F000, s0  }
0x1e: {  	v0 =	vimm.f32 $0.0e+00;
	s17 =	simm.s32 $0x50;
	[dreg:$0x5] =	wrdreg s0;
	s0 =	sadd.s32 $0xFA00, s9  }
.LBB2_9:
0x1f: {  	_ =	swait.ge [sflag:s14], $0x2800  }
0x20: {  	[sflag:s14] =	ssyncset.done $0x0  }
0x21: {  	[sflag:s14] =	ssyncadd.s32 $0xFFFFD800  }
0x22: {  	_ =	swait.ge [sflag:s14], $0x2800  }
0x23: {  	[sflag:s14] =	ssyncset.done $0x0  }
0x24: {  	s18 =	stileid.u32;
	[sflag:s14] =	ssyncadd.s32 $0xFFFFD800  }
0x25: {  	s18 =	sshll.u32 s18, $0x6;
	[bflag:$0x0] =	sbarrier.arrive $0xFFFF  }
0x26: {  	s19 =	sshrl.u32 s9, $0x3;
	s18 =	sor.u32 $0x1C05, s18;
	s20 =	rddreg [dreg:$0x5]  }
0x27: {  	[hbm:s20], [sflag:s18] =	dma.local [spmem:s19], $0x2710  }
0x28: {  	_ =	swait.ge [sflag:s15], $0x2710  }
0x29: {  	s4 =	sadd.s32 $0x1, s4;
	s26 =	rddreg [dreg:$0x6]  }
0x2a: {  	p0 =	sne.s32 s4, s26  }
.Ltmp1:
0x2b: {  	_ = 	snop;
	(pc) =	sbr.rel @!p0 .LBB2_10-.Ltmp1, $3  }
0x2c: {  	_ =	sdelay $0x1  }
0x2d: {  	[sflag:s15] =	ssyncset.done $0x0  }
0x2e: {  	[sflag:s15] =	ssyncadd.s32 $0xFFFFD8F0  }
.LBB2_1:
0x2f: {  	s18 =	simm.s32 $0x0;
	s19 =	simm.s32 $0x200  }
.LBB2_2:
0x30: {  	p0 =	sne.s32 s19, $0x3000;
	[tilespmem:s18+$0xA470] =	vst v0  }
0x31: {  	[tilespmem:s18+$0xA400] =	vst v0  }
0x32: {  	[tilespmem:s18+$0xA410] =	vst v0  }
.Ltmp2:
0x33: {  	[tilespmem:s18+$0xA420] =	vst v0;
	(pc) =	sbr.rel @p0 .LBB2_2-.Ltmp2, $4  }
0x34: {  	[tilespmem:s18+$0xA430] =	vst v0  }
0x35: {  	[tilespmem:s18+$0xA440] =	vst v0  }
0x36: {  	[tilespmem:s18+$0xA450] =	vst v0  }
0x37: {  	[tilespmem:s18+$0xA460] =	vst v0;
	s18 =	sshra.s32 s19, $0x2;
	s19 =	sadd.s32 $0x200, s19  }
0x38: {  	[tilespmem:s18+$0xA470] =	vst v0  }
0x39: {  	[tilespmem:s18+$0xA400] =	vst v0  }
0x3a: {  	[tilespmem:s18+$0xA410] =	vst v0  }
0x3b: {  	[tilespmem:s18+$0xA420] =	vst v0  }
0x3c: {  	[tilespmem:s18+$0xA430] =	vst v0  }
0x3d: {  	[tilespmem:s18+$0xA440] =	vst v0  }
0x3e: {  	[tilespmem:s18+$0xA450] =	vst v0  }
0x3f: {  	[tilespmem:s18+$0xA460] =	vst v0  }
0x40: {  	[spmem:s9] =	stream.linear.scatter [tilespmem:s12], [sflag:$0x1], $0xC80, $0x38;
	[tilespmem:$0x1EC80] =	vst v63  }
0x41: {  	s20 =	rddreg [dreg:$0x7]  }
0x42: {  	[spmem:s20] =	stream.linear.scatter [tilespmem:s12], [sflag:$0x1], $0xC80, $0x38;
	[tilespmem:$0x1EC80] =	vst v63  }
0x43: {  	s21 =	rddreg [dreg:$0x8]  }
0x44: {  	[spmem:s21] =	stream.linear.scatter [tilespmem:s12], [sflag:$0x1], $0xC80, $0x38;
	[tilespmem:$0x1EC80] =	vst v63  }
0x45: {  	s22 =	rddreg [dreg:$0x9]  }
0x46: {  	[spmem:s22] =	stream.linear.scatter [tilespmem:s12], [sflag:$0x1], $0xC80, $0x38;
	[tilespmem:$0x1EC80] =	vst v63  }
0x47: {  	s23 =	rddreg [dreg:$0xa]  }
0x48: {  	[spmem:s23] =	stream.linear.scatter [tilespmem:s12], [sflag:$0x1], $0xC80, $0x38;
	[tilespmem:$0x1EC80] =	vst v63  }
0x49: {  	s24 =	rddreg [dreg:$0xb]  }
0x4a: {  	[spmem:s24] =	stream.linear.scatter [tilespmem:s12], [sflag:$0x1], $0xC80, $0x38;
	[tilespmem:$0x1EC80] =	vst v63  }
0x4b: {  	s25 =	rddreg [dreg:$0xc]  }
0x4c: {  	[spmem:s25] =	stream.linear.scatter [tilespmem:s12], [sflag:$0x1], $0xC80, $0x38;
	[tilespmem:$0x1EC80] =	vst v63  }
0x4d: {  	s26 =	rddreg [dreg:$0xd]  }
0x4e: {  	[spmem:s26] =	stream.linear.scatter [tilespmem:s12], [sflag:$0x1], $0xC80, $0x38;
	[tilespmem:$0x1EC80] =	vst v63  }
0x4f: {  	s19 =	rddreg [dreg:$0xe]  }
0x50: {  	[spmem:s19] =	stream.linear.scatter [tilespmem:s12], [sflag:$0x1], $0xC80, $0x38;
	[tilespmem:$0x1EC80] =	vst v63  }
0x51: {  	s20 =	rddreg [dreg:$0xf]  }
0x52: {  	[spmem:s20] =	stream.linear.scatter [tilespmem:s12], [sflag:$0x1], $0xC80, $0x38;
	[tilespmem:$0x1EC80] =	vst v63  }
0x53: {  	s21 =	rddreg [dreg:$0x10]  }
0x54: {  	[spmem:s21] =	stream.linear.scatter [tilespmem:s12], [sflag:$0x1], $0xC80, $0x38;
	[tilespmem:$0x1EC80] =	vst v63  }
0x55: {  	s22 =	rddreg [dreg:$0x11]  }
0x56: {  	[spmem:s22] =	stream.linear.scatter [tilespmem:s12], [sflag:$0x1], $0xC80, $0x38;
	[tilespmem:$0x1EC80] =	vst v63  }
0x57: {  	s23 =	rddreg [dreg:$0x12]  }
0x58: {  	[spmem:s23] =	stream.linear.scatter [tilespmem:s12], [sflag:$0x1], $0xC80, $0x38;
	[tilespmem:$0x1EC80] =	vst v63  }
0x59: {  	s24 =	rddreg [dreg:$0x13]  }
0x5a: {  	[spmem:s24] =	stream.linear.scatter [tilespmem:s12], [sflag:$0x1], $0xC80, $0x38;
	[tilespmem:$0x1EC80] =	vst v63  }
0x5b: {  	s25 =	rddreg [dreg:$0x14]  }
0x5c: {  	[spmem:s25] =	stream.linear.scatter [tilespmem:s12], [sflag:$0x1], $0xC80, $0x38;
	[tilespmem:$0x1EC80] =	vst v63  }
0x5d: {  	s26 =	rddreg [dreg:$0x15]  }
0x5e: {  	[spmem:s26] =	stream.linear.scatter [tilespmem:s12], [sflag:$0x1], $0xC80, $0x38;
	[tilespmem:$0x1EC80] =	vst v63  }
0x5f: {  	_ = 	snop  }
0x60: {  	[spmem:s28] =	stream.linear.scatter [tilespmem:s12], [sflag:$0x1], $0xC80, $0x38;
	[tilespmem:$0x1EC80] =	vst v63  }
0x61: {  	_ = 	snop  }
0x62: {  	[spmem:s29] =	stream.linear.scatter [tilespmem:s12], [sflag:$0x1], $0xC80, $0x38;
	[tilespmem:$0x1EC80] =	vst v63  }
0x63: {  	_ = 	snop  }
0x64: {  	[spmem:s30] =	stream.linear.scatter [tilespmem:s12], [sflag:$0x1], $0xC80, $0x38;
	[tilespmem:$0x1EC80] =	vst v63  }
0x65: {  	_ = 	snop  }
0x66: {  	[spmem:s31] =	stream.linear.scatter [tilespmem:s12], [sflag:$0x1], $0xC80, $0x38;
	[tilespmem:$0x1EC80] =	vst v63  }
0x67: {  	_ = 	snop  }
0x68: {  	[spmem:s0] =	stream.linear.scatter [tilespmem:s12], [sflag:$0x1], $0xC80, $0x38;
	[tilespmem:$0x1EC80] =	vst v63  }
0x69: {  	_ = 	snop  }
0x6a: {  	[spmem:s3] =	stream.linear.scatter [tilespmem:s12], [sflag:$0x1], $0xC80, $0x38;
	[tilespmem:$0x1EC80] =	vst v63  }
0x6b: {  	_ = 	snop  }
0x6c: {  	[spmem:s7] =	stream.linear.scatter [tilespmem:s12], [sflag:$0x1], $0xC80, $0x38;
	[tilespmem:$0x1EC80] =	vst v63  }
0x6d: {  	_ = 	snop  }
0x6e: {  	[spmem:s10] =	stream.linear.scatter [tilespmem:s12], [sflag:$0x1], $0xC80, $0x38;
	[tilespmem:$0x1EC80] =	vst v63  }
0x6f: {  	_ = 	snop  }
0x70: {  	[spmem:s11] =	stream.linear.scatter [tilespmem:s12], [sflag:$0x1], $0xC80, $0x38;
	[tilespmem:$0x1EC80] =	vst v63  }
0x71: {  	_ =	swait.ge [sflag:s13], $0xC80  }
0x72: {  	[sflag:s13] =	ssyncset.done $0x0  }
0x73: {  	[sflag:s13] =	ssyncadd.s32 $0xFFFFF380  }
0x74: {  	_ =	swait.ge [sflag:s13], $0xC80  }
0x75: {  	[sflag:s13] =	ssyncset.done $0x0  }
0x76: {  	[sflag:s13] =	ssyncadd.s32 $0xFFFFF380  }
0x77: {  	_ =	swait.ge [sflag:s13], $0xC80  }
0x78: {  	[sflag:s13] =	ssyncset.done $0x0  }
0x79: {  	[sflag:s13] =	ssyncadd.s32 $0xFFFFF380  }
0x7a: {  	_ =	swait.ge [sflag:s13], $0xC80  }
0x7b: {  	[sflag:s13] =	ssyncset.done $0x0  }
0x7c: {  	[sflag:s13] =	ssyncadd.s32 $0xFFFFF380  }
0x7d: {  	_ =	swait.ge [sflag:s13], $0xC80  }
0x7e: {  	[sflag:s13] =	ssyncset.done $0x0  }
0x7f: {  	[sflag:s13] =	ssyncadd.s32 $0xFFFFF380  }
0x80: {  	_ =	swait.ge [sflag:s13], $0xC80  }
0x81: {  	[sflag:s13] =	ssyncset.done $0x0  }
0x82: {  	[sflag:s13] =	ssyncadd.s32 $0xFFFFF380  }
0x83: {  	_ =	swait.ge [sflag:s13], $0xC80  }
0x84: {  	[sflag:s13] =	ssyncset.done $0x0  }
0x85: {  	[sflag:s13] =	ssyncadd.s32 $0xFFFFF380  }
0x86: {  	_ =	swait.ge [sflag:s13], $0xC80  }
0x87: {  	[sflag:s13] =	ssyncset.done $0x0  }
0x88: {  	[sflag:s13] =	ssyncadd.s32 $0xFFFFF380  }
0x89: {  	_ =	swait.ge [sflag:s13], $0xC80  }
0x8a: {  	[sflag:s13] =	ssyncset.done $0x0  }
0x8b: {  	[sflag:s13] =	ssyncadd.s32 $0xFFFFF380  }
0x8c: {  	_ =	swait.ge [sflag:s13], $0xC80  }
0x8d: {  	[sflag:s13] =	ssyncset.done $0x0  }
0x8e: {  	[sflag:s13] =	ssyncadd.s32 $0xFFFFF380  }
0x8f: {  	_ =	swait.ge [sflag:s13], $0xC80  }
0x90: {  	[sflag:s13] =	ssyncset.done $0x0  }
0x91: {  	[sflag:s13] =	ssyncadd.s32 $0xFFFFF380  }
0x92: {  	_ =	swait.ge [sflag:s13], $0xC80  }
0x93: {  	[sflag:s13] =	ssyncset.done $0x0  }
0x94: {  	[sflag:s13] =	ssyncadd.s32 $0xFFFFF380  }
0x95: {  	_ =	swait.ge [sflag:s13], $0xC80  }
0x96: {  	[sflag:s13] =	ssyncset.done $0x0  }
0x97: {  	[sflag:s13] =	ssyncadd.s32 $0xFFFFF380  }
0x98: {  	_ =	swait.ge [sflag:s13], $0xC80  }
0x99: {  	[sflag:s13] =	ssyncset.done $0x0  }
0x9a: {  	[sflag:s13] =	ssyncadd.s32 $0xFFFFF380  }
0x9b: {  	_ =	swait.ge [sflag:s13], $0xC80  }
0x9c: {  	[sflag:s13] =	ssyncset.done $0x0  }
0x9d: {  	[sflag:s13] =	ssyncadd.s32 $0xFFFFF380  }
0x9e: {  	_ =	swait.ge [sflag:s13], $0xC80  }
0x9f: {  	[sflag:s13] =	ssyncset.done $0x0  }
0xa0: {  	[sflag:s13] =	ssyncadd.s32 $0xFFFFF380  }
0xa1: {  	_ =	swait.ge [sflag:s13], $0xC80  }
0xa2: {  	[sflag:s13] =	ssyncset.done $0x0  }
0xa3: {  	[sflag:s13] =	ssyncadd.s32 $0xFFFFF380  }
0xa4: {  	_ =	swait.ge [sflag:s13], $0xC80  }
0xa5: {  	[sflag:s13] =	ssyncset.done $0x0  }
0xa6: {  	[sflag:s13] =	ssyncadd.s32 $0xFFFFF380  }
0xa7: {  	_ =	swait.ge [sflag:s13], $0xC80  }
0xa8: {  	[sflag:s13] =	ssyncset.done $0x0  }
0xa9: {  	[sflag:s13] =	ssyncadd.s32 $0xFFFFF380  }
0xaa: {  	_ =	swait.ge [sflag:s13], $0xC80  }
0xab: {  	[sflag:s13] =	ssyncset.done $0x0  }
0xac: {  	[sflag:s13] =	ssyncadd.s32 $0xFFFFF380  }
0xad: {  	_ =	swait.ge [sflag:s13], $0xC80  }
0xae: {  	[sflag:s13] =	ssyncset.done $0x0  }
0xaf: {  	[sflag:s13] =	ssyncadd.s32 $0xFFFFF380  }
0xb0: {  	_ =	swait.ge [sflag:s13], $0xC80  }
0xb1: {  	[sflag:s13] =	ssyncset.done $0x0  }
0xb2: {  	[sflag:s13] =	ssyncadd.s32 $0xFFFFF380  }
0xb3: {  	_ =	swait.ge [sflag:s13], $0xC80  }
0xb4: {  	[sflag:s13] =	ssyncset.done $0x0  }
0xb5: {  	[sflag:s13] =	ssyncadd.s32 $0xFFFFF380  }
0xb6: {  	_ =	swait.ge [sflag:s13], $0xC80  }
0xb7: {  	[sflag:s13] =	ssyncset.done $0x0  }
0xb8: {  	[sflag:s13] =	ssyncadd.s32 $0xFFFFF380  }
0xb9: {  	_ =	swait.ge [sflag:s13], $0xC80  }
.Ltmp3:
0xba: {  	s18 =	simm.s32 $0x0;
	[sflag:s13] =	ssyncset.done $0x0;
	(pc) =	sbr.rel .LBB2_4-.Ltmp3, $4  }
0xbb: {  	s20 =	simm.s32 $0x300;
	s19 =	rddreg [dreg:$0x4];
	[sflag:s13] =	ssyncadd.s32 $0xFFFFF380  }
0xbc: {  	[tilespmem:s20], [sflag:$0x4] =	stream.linear.gather [hbm4b:s19+s18], $0x50, $0x38;
	[tilespmem:$0x1EC80] =	vst v63  }
0xbd: {  	[bflag:$0x0] =	sbarrier.arrive $0xFFFF  }
0xbe: {  	s19 =	simm.s32 $0xFF  }
.LBB2_8:
0xbf: {  	s18 =	sadd.s32 $0x1, s18  }
0xc0: {  	p0 =	sne.s32 s18, $0x7E  }
.Ltmp4:
0xc1: {  	_ = 	snop;
	(pc) =	sbr.rel @!p0 .LBB2_9-.Ltmp4, $2  }
0xc2: {  	_ =	sdelay $0x2  }
0xc3: {  	s19 =	sadd.s32 $0x1, s19  }
.LBB2_4:
0xc4: {  	p3 =	slt.u32 s18, $0x3  }
0xc5: {  	p0 =	seq.s32 @!p3 s18, $0x7D  }
0xc6: {  	p0 =	por p3, !p0  }
0xc7: {  	s21 =	simm.s32 @!p3 $0x3;
	p2 =	slt.u32 @p0 s18, $0x7C  }
0xc8: {  	_ =	swait.ge @!p3 [sflag:s21], $0x2800;
	p1 =	por !p2, !p0  }
0xc9: {  	[sflag:s21] =	ssyncset.done @!p3 $0x0;
	s20 =	sadd.s32 @!p1 s8, s18  }
0xca: {  	[sflag:s21] =	ssyncadd.s32 @!p3 $0xFFFFD800;
	s21 =	simm.s32 @p0 $0x4;
	s22 =	smul.u32 @!p1 $0x50, s20  }
0xcb: {  	s23 =	smul.u32 $0xAB, s18;
	s24 =	sand.u32 $0x1, s18;
	_ =	swait.ge @p0 [sflag:s21], $0x50  }
0xcc: {  	s25 =	sshll.u32 @p0 s24, $0x7;
	[sflag:s21] =	ssyncset.done @p0 $0x0;
	s22 =	sshrl.u32 @!p1 s22, $0x3  }
0xcd: {  	[sflag:s21] =	ssyncadd.s32 @p0 $0xFFFFFFB0;
	s21 =	sxor.u32 @!p1 $0x80, s25;
	s22 =	sadd.s32 @!p1 s6, s22  }
0xce: {  	s26 =	simm.s32 @!p1 $0x0;
	s21 =	sor.u32 @!p1 $0x300, s21;
	s22 =	sadd.s32 @!p1 $0xA, s22  }
0xcf: {  	[tilespmem:s21], [sflag:$0x4] =	stream.linear.gather @!p1 [hbm4b:s22+s26], $0x50, $0x38;
	[tilespmem:$0x1EC80] =	vst v63  }
0xd0: {  	s26 =	sshrl.u32 s23, $0x9;
	v1 =	vld @p0 [tilespmem:s25+$0x300]  }
0xd1: {  	s21 =	sand.u32 $0x7F, s26  }
0xd2: {  	s21 =	smul.u32 $0x3, s21;
	_ =	sdelay $0x1  }
0xd3: {  	s21 =	ssub.s32 s18, s21  }
0xd4: {  	s21 =	sand.u32 $0xFF, s21;
	v2 =	vand.u32 @p0 $0x3FFF, v1  }
0xd5: {  	v1 =	vshra.s32 @p0 v1, $0xE;
	s22 =	sshll.u32 @p0 s21, $0x7;
	[tilespmem:s25+$0x0] =	vst @p0 v2  }
0xd6: {  	s23 =	sor.u32 @p0 $0x310, s25;
	[tilespmem:s22+$0x100] =	vst @p0 v1  }
0xd7: {  	v1 =	vld @p0 [tilespmem:s23+$0x0];
	_ =	sdelay $0x4  }
0xd8: {  	s23 =	sor.u32 @p0 $0x10, s25;
	v2 =	vand.u32 @p0 $0x3FFF, v1  }
0xd9: {  	v1 =	vshra.s32 @p0 v1, $0xE;
	[tilespmem:s23+$0x0] =	vst @p0 v2  }
0xda: {  	s23 =	sor.u32 @p0 $0x320, s25;
	[tilespmem:s22+$0x110] =	vst @p0 v1  }
0xdb: {  	v1 =	vld @p0 [tilespmem:s23+$0x0];
	_ =	sdelay $0x4  }
0xdc: {  	s23 =	sor.u32 @p0 $0x20, s25;
	v2 =	vand.u32 @p0 $0x3FFF, v1  }
0xdd: {  	v1 =	vshra.s32 @p0 v1, $0xE;
	[tilespmem:s23+$0x0] =	vst @p0 v2  }
0xde: {  	s23 =	sor.u32 @p0 $0x330, s25;
	[tilespmem:s22+$0x120] =	vst @p0 v1  }
0xdf: {  	v1 =	vld @p0 [tilespmem:s23+$0x0];
	_ =	sdelay $0x4  }
0xe0: {  	s23 =	sor.u32 @p0 $0x30, s25;
	v2 =	vand.u32 @p0 $0x3FFF, v1  }
0xe1: {  	v1 =	vshra.s32 @p0 v1, $0xE;
	[tilespmem:s23+$0x0] =	vst @p0 v2  }
0xe2: {  	s23 =	sor.u32 @p0 $0x340, s25;
	[tilespmem:s22+$0x130] =	vst @p0 v1  }
0xe3: {  	v1 =	vld @p0 [tilespmem:s23+$0x0];
	_ =	sdelay $0x3  }
0xe4: {  	s21 =	smul.u32 @p0 $0xA000, s21  }
0xe5: {  	s23 =	sor.u32 @p0 $0x40, s25;
	v2 =	vand.u32 @p0 $0x3FFF, v1  }
0xe6: {  	p2 =	por p2, !p0;
	s21 =	sshrl.u32 @p0 s21, $0x2;
	v1 =	vshra.s32 @p0 v1, $0xE;
	[tilespmem:s23+$0x0] =	vst @p0 v2  }
0xe7: {  	s21 =	sor.u32 @p0 $0x400, s21;
	s23 =	sadd.s32 @!p2 s8, s18;
	[tilespmem:s22+$0x140] =	vst @p0 v1;
	s22 =	simm.s32 @p0 $0x50  }
0xe8: {  	[tilespmem:s21], [sflag:$0x1] =	stream.indirect.gather @p0 [hbm4b:s1+s22], $0x80, s25, s22, $0xb8;
	[tilespmem:$0x1EC80] =	vst v63  }
0xe9: {  	s20 =	smov.u32 @p1 s23;
	s21 =	smul.u32 @p0 $0x5000, s24  }
0xea: {  	s20 =	smul.u32 @p0 $0x280, s20  }
0xeb: {  	p1 =	seq.s32 @p0 s18, $0x0;
	s21 =	sshrl.u32 @p0 s21, $0x2  }
0xec: {  	s22 =	simm.s32 @p0 $0x0;
	s20 =	sadd.s32 @p0 s5, s20;
	s21 =	sadd.s32 @p0 $0x7C00, s21  }
0xed: {  	[tilespmem:s21], [sflag:$0x2] =	stream.linear.gather @p0 [hbm4b:s20+s22], $0x1400, $0x38;
	[tilespmem:$0x1EC80] =	vst v63  }
0xee: {  	p0 =	por !p0, !p1  }
.Ltmp5:
0xef: {  	_ = 	snop;
	(pc) =	sbr.rel @!p0 .LBB2_8-.Ltmp5, $1  }
0xf0: {  	_ =	sdelay $0x3  }
0xf1: {  	_ =	swait.ge [sflag:s13], $0x2800  }
0xf2: {  	[sflag:s13] =	ssyncset.done $0x0  }
0xf3: {  	s21 =	sadd.s32 $0xFFFFFFFF, s18;
	[sflag:s13] =	ssyncadd.s32 $0xFFFFD800  }
0xf4: {  	s20 =	sand.u32 $0x1, s21;
	_ =	swait.ge [sflag:s16], $0x1400  }
0xf5: {  	p0 =	seq.s32 s20, $0x1;
	s20 =	simm.s32 $0x9080;
	[sflag:s16] =	ssyncset.done $0x0  }
0xf6: {  	s20 =	simm.s32 @!p0 $0x7C80;
	[sflag:s16] =	ssyncadd.s32 $0xFFFFEC00  }
0xf7: {  	v1 =	vld [tilespmem:s20+$0x70]  }
0xf8: {  	v2 =	vld [tilespmem:s20+$0xFFFFFF90]  }
0xf9: {  	v3 =	vld [tilespmem:s20+$0xFFFFFFA0]  }
0xfa: {  	v4 =	vld [tilespmem:s20+$0xFFFFFFB0]  }
0xfb: {  	v5 =	vld [tilespmem:s20+$0xFFFFFFC0]  }
0xfc: {  	v6 =	vld [tilespmem:s20+$0xFFFFFFD0]  }
0xfd: {  	s22 =	sand.u32 $0xFF, s19;
	v7 =	vld [tilespmem:s20+$0xFFFFFFE0]  }
0xfe: {  	s23 =	smulhi.u32 $0x55555556, s22;
	v8 =	vld [tilespmem:s20+$0xFFFFFFF0]  }
0xff: {  	s22 =	smul.u32 $0xA000, s22;
	v9 =	vld [tilespmem:s20+$0xFFFFFF80]  }
0x100: {  	s23 =	smul.u32 $0x1E000, s23;
	v20 =	vld [tilespmem:s20+$0x0]  }
0x101: {  	v21 =	vld [tilespmem:s20+$0x10]  }
0x102: {  	s22 =	ssub.s32 s22, s23;
	v22 =	vld [tilespmem:s20+$0x20]  }
0x103: {  	s22 =	sshra.s32 s22, $0x2;
	v23 =	vld [tilespmem:s20+$0x30]  }
0x104: {  	v24 =	vld [tilespmem:s20+$0x40];
	s25 =	sor.u32 $0x500, s22  }
0x105: {  	v10 =	vld [tilespmem:s25+$0xFFFFFF00]  }
0x106: {  	v11 =	vld [tilespmem:s25+$0xFFFFFF10]  }
0x107: {  	v26 =	vld [tilespmem:s20+$0x50]  }
0x108: {  	v12 =	vld [tilespmem:s25+$0xFFFFFF20]  }
0x109: {  	v13 =	vld [tilespmem:s25+$0xFFFFFF30];
	v15 =	vshll.u32 v9, $0x10  }
0x10a: {  	v59 =	vld [tilespmem:s20+$0x60];
	v17 =	vshll.u32 v2, $0x10;
	v10 =	vmul.f32 v15, v10  }
0x10b: {  	v14 =	vld [tilespmem:s25+$0xFFFFFF40];
	v11 =	vmul.f32 v17, v11  }
0x10c: {  	v16 =	vld [tilespmem:s25+$0xFFFFFF50];
	[tilespmem:s25+$0xFFFFFF00] =	vst v10;
	v10 =	vshll.u32 v3, $0x10  }
0x10d: {  	v18 =	vld [tilespmem:s25+$0xFFFFFF70];
	[tilespmem:s25+$0xFFFFFF10] =	vst v11;
	v11 =	vshll.u32 v4, $0x10;
	v10 =	vmul.f32 v10, v12  }
0x10e: {  	v15 =	vld [tilespmem:s25+$0xFFFFFF60];
	v11 =	vmul.f32 v11, v13  }
0x10f: {  	v19 =	vld [tilespmem:s25+$0xF0];
	[tilespmem:s25+$0xFFFFFF20] =	vst v10;
	v10 =	vshll.u32 v5, $0x10  }
0x110: {  	v56 =	vld [tilespmem:s25+$0xFFFFFF80];
	[tilespmem:s25+$0xFFFFFF30] =	vst v11;
	v11 =	vshll.u32 v6, $0x10;
	v10 =	vmul.f32 v10, v14  }
0x111: {  	v12 =	vld [tilespmem:s25+$0xFFFFFF90];
	v11 =	vmul.f32 v11, v16  }
0x112: {  	v13 =	vld [tilespmem:s25+$0xFFFFFFA0];
	[tilespmem:s25+$0xFFFFFF40] =	vst v10;
	v10 =	vshll.u32 v7, $0x10  }
0x113: {  	v57 =	vld [tilespmem:s25+$0xFFFFFFC0];
	[tilespmem:s25+$0xFFFFFF50] =	vst v11;
	v11 =	vshll.u32 v8, $0x10;
	v10 =	vmul.f32 v10, v15  }
0x114: {  	v25 =	vand.u32 $0xFFFF0000, v1;
	v14 =	vld [tilespmem:s25+$0xFFFFFFB0];
	v11 =	vmul.f32 v11, v18  }
0x115: {  	v58 =	vld [tilespmem:s25+$0xFFFFFFE0];
	v2 =	vand.u32 $0xFFFF0000, v2;
	[tilespmem:s25+$0xFFFFFF60] =	vst v10;
	v10 =	vmul.f32 v25, v19  }
0x116: {  	v3 =	vand.u32 $0xFFFF0000, v3;
	v2 =	vmul.f32 v2, v12;
	[tilespmem:s25+$0xFFFFFF70] =	vst v11;
	v11 =	vld [tilespmem:s25+$0x10]  }
0x117: {  	v9 =	vand.u32 $0xFFFF0000, v9;
	v3 =	vmul.f32 v3, v13;
	[tilespmem:s25+$0xF0] =	vst v10;
	v10 =	vld [tilespmem:s25+$0x0]  }
0x118: {  	v9 =	vmul.f32 v9, v56;
	v12 =	vld [tilespmem:s25+$0x70];
	[tilespmem:s25+$0xFFFFFF90] =	vst v2;
	v2 =	vand.u32 $0xFFFF0000, v4  }
0x119: {  	v28 =	vld [tilespmem:s25+$0x30];
	[tilespmem:s25+$0xFFFFFFA0] =	vst v3;
	v3 =	vand.u32 $0xFFFF0000, v5;
	v2 =	vmul.f32 v2, v14  }
0x11a: {  	v27 =	vld [tilespmem:s25+$0x20];
	v31 =	vshll.u32 v21, $0x10;
	[tilespmem:s25+$0xFFFFFF80] =	vst v9;
	v3 =	vmul.f32 v3, v57  }
0x11b: {  	v30 =	vshll.u32 v20, $0x10;
	v15 =	vld [tilespmem:s25+$0xFFFFFFD0];
	[tilespmem:s25+$0xFFFFFFB0] =	vst v2;
	v9 =	vmul.f32 v31, v11  }
0x11c: {  	s24 =	sand.u32 $0xFF, s21;
	v61 =	vld [tilespmem:s25+$0x50];
	v1 =	vshll.u32 v1, $0x10;
	[tilespmem:s25+$0xFFFFFFC0] =	vst v3;
	v10 =	vmul.f32 v30, v10  }
0x11d: {  	s22 =	smul.u32 $0xAB, s24;
	v29 =	vld [tilespmem:s25+$0x40];
	v63 =	vmul.f32 v1, v12;
	[tilespmem:s25+$0x10] =	vst v9;
	v9 =	vshll.u32 v23, $0x10  }
0x11e: {  	v60 =	vld [tilespmem:s25+$0xFFFFFFF0];
	v5 =	vmul.f32 v9, v28;
	[tilespmem:s25+$0x0] =	vst v10;
	v10 =	vshll.u32 v22, $0x10  }
0x11f: {  	v62 =	vld [tilespmem:s25+$0x60];
	s22 =	sshrl.u32 s22, $0x9;
	v2 =	vand.u32 $0xFFFF0000, v6;
	[tilespmem:s25+$0x70] =	vst v63;
	v4 =	vmul.f32 v10, v27  }
0x120: {  	s22 =	smul.u32 $0x3, s22;
	v13 =	vld [tilespmem:s25+$0x80];
	v2 =	vmul.f32 v2, v15;
	[tilespmem:s25+$0x30] =	vst v5;
	v5 =	vshll.u32 v26, $0x10  }
0x121: {  	v14 =	vld [tilespmem:s25+$0x90];
	v5 =	vmul.f32 v5, v61;
	[tilespmem:s25+$0x20] =	vst v4;
	v4 =	vshll.u32 v24, $0x10  }
0x122: {  	s21 =	ssub.s32 s21, s22;
	v3 =	vand.u32 $0xFFFF0000, v7;
	[tilespmem:s25+$0xFFFFFFD0] =	vst v2;
	v4 =	vmul.f32 v4, v29  }
0x123: {  	s21 =	sand.u32 $0xFF, s21;
	v3 =	vmul.f32 v3, v58;
	v2 =	vand.u32 $0xFFFF0000, v8;
	v9 =	vld [tilespmem:s25+$0xA0];
	[tilespmem:s25+$0x50] =	vst v5  }
0x124: {  	s26 =	smul.u32 $0xA000, s21;
	v1 =	vand.u32 $0xFFFF0000, v26;
	v10 =	vld [tilespmem:s25+$0xB0];
	v5 =	vmul.f32 v2, v60;
	[tilespmem:s25+$0x40] =	vst v4;
	v4 =	vshll.u32 v59, $0x10  }
0x125: {  	v15 =	vand.u32 $0xFFFF0000, v21;
	v11 =	vld [tilespmem:s25+$0xC0];
	v8 =	vand.u32 $0xFFFF0000, v20;
	[tilespmem:s25+$0xFFFFFFE0] =	vst v3;
	v4 =	vmul.f32 v4, v62  }
0x126: {  	s23 =	simm.s32 $0x0;
	s22 =	sshrl.u32 s26, $0x2;
	v6 =	vld [tilespmem:s25+$0xD0];
	v3 =	vand.u32 $0xFFFF0000, v22;
	v12 =	vmul.f32 v8, v13;
	v8 =	vmul.f32 v15, v14;
	[tilespmem:s25+$0xFFFFFFF0] =	vst v5  }
0x127: {  	s24 =	sadd.s32 $0x100, s20;
	s20 =	smov.u32 s25;
	s22 =	sor.u32 $0x400, s22;
	v7 =	vld [tilespmem:s25+$0xE0];
	v2 =	vand.u32 $0xFFFF0000, v24;
	v5 =	vand.u32 $0xFFFF0000, v59;
	[tilespmem:s25+$0x60] =	vst v4;
	v4 =	vand.u32 $0xFFFF0000, v23  }
.LBB2_6:
0x128: {  	v13 =	vld [tilespmem:s24+$0x70];
	s23 =	sadd.s32 $0x2, s23;
	[tilespmem:s25+$0x80] =	vst v12;
	v3 =	vmul.f32 v3, v9;
	s20 =	sadd.s32 $0x200, s20  }
0x129: {  	v9 =	vld [tilespmem:s20+$0xF0];
	p0 =	slt.u32 s23, $0x26;
	[tilespmem:s25+$0x90] =	vst v8;
	v4 =	vmul.f32 v4, v10  }
0x12a: {  	v8 =	vld [tilespmem:s24+$0x0];
	[tilespmem:s25+$0xA0] =	vst v3;
	v2 =	vmul.f32 v2, v11  }
0x12b: {  	v3 =	vld [tilespmem:s24+$0x10];
	[tilespmem:s25+$0xB0] =	vst v4;
	v1 =	vmul.f32 v1, v6  }
0x12c: {  	v4 =	vld [tilespmem:s24+$0x20];
	[tilespmem:s25+$0xC0] =	vst v2;
	v2 =	vmul.f32 v5, v7  }
0x12d: {  	v5 =	vld [tilespmem:s24+$0x30];
	v6 =	vshll.u32 v13, $0x10;
	v7 =	vand.u32 $0xFFFF0000, v13;
	[tilespmem:s25+$0xD0] =	vst v1  }
0x12e: {  	v1 =	vld [tilespmem:s24+$0x40];
	v9 =	vmul.f32 v7, v9;
	[tilespmem:s25+$0xE0] =	vst v2;
	s25 =	smov.u32 s20  }
0x12f: {  	v10 =	vld [tilespmem:s24+$0x50];
	v11 =	vshll.u32 v8, $0x10;
	v7 =	vand.u32 $0xFFFF0000, v8  }
0x130: {  	v12 =	vld [tilespmem:s24+$0x60];
	v13 =	vshll.u32 v3, $0x10;
	v8 =	vand.u32 $0xFFFF0000, v3;
	[tilespmem:s20+$0xF0] =	vst v9  }
0x131: {  	v9 =	vld [tilespmem:s24+$0xFFFFFF90];
	v14 =	vshll.u32 v4, $0x10;
	v3 =	vand.u32 $0xFFFF0000, v4  }
0x132: {  	v15 =	vld [tilespmem:s24+$0xFFFFFFA0];
	v16 =	vshll.u32 v5, $0x10;
	v4 =	vand.u32 $0xFFFF0000, v5  }
0x133: {  	v17 =	vld [tilespmem:s24+$0xFFFFFFB0];
	v18 =	vshll.u32 v1, $0x10;
	v2 =	vand.u32 $0xFFFF0000, v1  }
0x134: {  	v19 =	vld [tilespmem:s24+$0xFFFFFFC0];
	v20 =	vshll.u32 v10, $0x10;
	v1 =	vand.u32 $0xFFFF0000, v10  }
0x135: {  	v10 =	vld [tilespmem:s24+$0xFFFFFFD0];
	v21 =	vshll.u32 v12, $0x10;
	v5 =	vand.u32 $0xFFFF0000, v12  }
0x136: {  	v12 =	vld [tilespmem:s24+$0xFFFFFFE0];
	v22 =	vshll.u32 v9, $0x10;
	v9 =	vand.u32 $0xFFFF0000, v9  }
0x137: {  	v23 =	vld [tilespmem:s24+$0xFFFFFFF0];
	v24 =	vshll.u32 v15, $0x10;
	v15 =	vand.u32 $0xFFFF0000, v15  }
0x138: {  	v25 =	vld [tilespmem:s24+$0xFFFFFF80];
	v26 =	vshll.u32 v17, $0x10;
	v17 =	vand.u32 $0xFFFF0000, v17  }
0x139: {  	v27 =	vld [tilespmem:s20+$0xFFFFFF00];
	v28 =	vshll.u32 v19, $0x10;
	v19 =	vand.u32 $0xFFFF0000, v19  }
0x13a: {  	v29 =	vld [tilespmem:s20+$0xFFFFFF10];
	v30 =	vshll.u32 v10, $0x10;
	v10 =	vand.u32 $0xFFFF0000, v10  }
0x13b: {  	v31 =	vld [tilespmem:s20+$0xFFFFFF20];
	v32 =	vshll.u32 v12, $0x10;
	v12 =	vand.u32 $0xFFFF0000, v12  }
0x13c: {  	v33 =	vld [tilespmem:s20+$0xFFFFFF30];
	v34 =	vshll.u32 v23, $0x10;
	v23 =	vand.u32 $0xFFFF0000, v23  }
0x13d: {  	v35 =	vld [tilespmem:s20+$0xFFFFFF40];
	v36 =	vshll.u32 v25, $0x10;
	v25 =	vand.u32 $0xFFFF0000, v25  }
0x13e: {  	v37 =	vld [tilespmem:s20+$0xFFFFFF50];
	v27 =	vmul.f32 v36, v27  }
0x13f: {  	v36 =	vld [tilespmem:s20+$0xFFFFFF60];
	v22 =	vmul.f32 v22, v29  }
0x140: {  	v29 =	vld [tilespmem:s20+$0xFFFFFF70];
	[tilespmem:s20+$0xFFFFFF00] =	vst v27;
	v24 =	vmul.f32 v24, v31  }
0x141: {  	v27 =	vld [tilespmem:s20+$0xFFFFFF80];
	[tilespmem:s20+$0xFFFFFF10] =	vst v22;
	v22 =	vmul.f32 v26, v33  }
0x142: {  	v26 =	vld [tilespmem:s20+$0xFFFFFF90];
	[tilespmem:s20+$0xFFFFFF20] =	vst v24;
	v24 =	vmul.f32 v28, v35  }
0x143: {  	v28 =	vld [tilespmem:s20+$0xFFFFFFA0];
	[tilespmem:s20+$0xFFFFFF30] =	vst v22;
	v22 =	vmul.f32 v30, v37  }
0x144: {  	v30 =	vld [tilespmem:s20+$0xFFFFFFB0];
	[tilespmem:s20+$0xFFFFFF40] =	vst v24;
	v24 =	vmul.f32 v32, v36  }
0x145: {  	v31 =	vld [tilespmem:s20+$0xFFFFFFC0];
	[tilespmem:s20+$0xFFFFFF50] =	vst v22;
	v22 =	vmul.f32 v34, v29  }
0x146: {  	v29 =	vld [tilespmem:s20+$0xFFFFFFD0];
	v25 =	vmul.f32 v25, v27;
	[tilespmem:s20+$0xFFFFFF60] =	vst v24  }
0x147: {  	v24 =	vld [tilespmem:s20+$0xFFFFFFE0];
	v9 =	vmul.f32 v9, v26;
	[tilespmem:s20+$0xFFFFFF70] =	vst v22  }
0x148: {  	v22 =	vld [tilespmem:s20+$0xFFFFFFF0];
	[tilespmem:s20+$0xFFFFFF80] =	vst v25;
	v15 =	vmul.f32 v15, v28  }
0x149: {  	[tilespmem:s20+$0xFFFFFF90] =	vst v9;
	v9 =	vmul.f32 v17, v30;
	v17 =	vld [tilespmem:s20+$0x0]  }
0x14a: {  	[tilespmem:s20+$0xFFFFFFA0] =	vst v15;
	v15 =	vmul.f32 v19, v31;
	v19 =	vld [tilespmem:s20+$0x10]  }
0x14b: {  	[tilespmem:s20+$0xFFFFFFB0] =	vst v9;
	v9 =	vmul.f32 v10, v29;
	v10 =	vld [tilespmem:s20+$0x20]  }
0x14c: {  	[tilespmem:s20+$0xFFFFFFC0] =	vst v15;
	v12 =	vmul.f32 v12, v24;
	v15 =	vld [tilespmem:s20+$0x30]  }
0x14d: {  	[tilespmem:s20+$0xFFFFFFD0] =	vst v9;
	v9 =	vmul.f32 v23, v22;
	v22 =	vld [tilespmem:s20+$0x40]  }
0x14e: {  	[tilespmem:s20+$0xFFFFFFE0] =	vst v12;
	v12 =	vld [tilespmem:s20+$0x50];
	v11 =	vmul.f32 v11, v17  }
0x14f: {  	[tilespmem:s20+$0xFFFFFFF0] =	vst v9;
	v17 =	vld [tilespmem:s20+$0x60];
	v9 =	vmul.f32 v13, v19  }
0x150: {  	v13 =	vld [tilespmem:s20+$0x70];
	[tilespmem:s20+$0x0] =	vst v11;
	v10 =	vmul.f32 v14, v10  }
0x151: {  	v14 =	vld [tilespmem:s20+$0x80];
	[tilespmem:s20+$0x10] =	vst v9;
	v11 =	vmul.f32 v16, v15  }
0x152: {  	v15 =	vld [tilespmem:s20+$0x90];
	[tilespmem:s20+$0x20] =	vst v10;
	v16 =	vmul.f32 v18, v22  }
.Ltmp6:
0x153: {  	v9 =	vld [tilespmem:s20+$0xA0];
	[tilespmem:s20+$0x30] =	vst v11;
	v12 =	vmul.f32 v20, v12;
	(pc) =	sbr.rel @p0 .LBB2_6-.Ltmp6, $4  }
0x154: {  	v10 =	vld [tilespmem:s20+$0xB0];
	[tilespmem:s20+$0x40] =	vst v16;
	v16 =	vmul.f32 v21, v17  }
0x155: {  	v11 =	vld [tilespmem:s20+$0xC0];
	[tilespmem:s20+$0x50] =	vst v12;
	v13 =	vmul.f32 v6, v13  }
0x156: {  	v6 =	vld [tilespmem:s20+$0xD0];
	v12 =	vmul.f32 v7, v14;
	[tilespmem:s20+$0x60] =	vst v16  }
0x157: {  	s24 =	sadd.s32 $0x100, s24;
	v7 =	vld [tilespmem:s20+$0xE0];
	v8 =	vmul.f32 v8, v15;
	[tilespmem:s20+$0x70] =	vst v13  }
0x158: {  	[tilespmem:s25+$0x80] =	vst v12;
	v3 =	vmul.f32 v3, v9  }
0x159: {  	[tilespmem:s25+$0x90] =	vst v8;
	v4 =	vmul.f32 v4, v10  }
0x15a: {  	[tilespmem:s25+$0xA0] =	vst v3;
	v2 =	vmul.f32 v2, v11  }
.Ltmp7:
0x15b: {  	[tilespmem:s25+$0xB0] =	vst v4;
	v1 =	vmul.f32 v1, v6;
	(pc) =	sbr.rel .LBB2_8-.Ltmp7, $4  }
0x15c: {  	[tilespmem:s25+$0xC0] =	vst v2;
	v2 =	vmul.f32 v5, v7  }
0x15d: {  	s20 =	sshll.u32 s21, $0x7;
	[tilespmem:s25+$0xD0] =	vst v1  }
0x15e: {  	s20 =	sadd.s32 $0x100, s20;
	[tilespmem:s25+$0xE0] =	vst v2  }
0x15f: {  	[spmem:s2] =	stream.indirect.scatter.add.f32 [tilespmem:s22], [sflag:$0x3], $0x80, s20, s17, $0xb8;
	[tilespmem:$0x1EC80] =	vst v63  }
.LBB2_10:
0x160: {  	_ =	sfence.sel $0x180000  }
0x161: {  	[bflag:$0x0] =	sbarrier.arrive $0xFFFF  }
0x162: {  	_ =	strace $0x90000047  }
0x163: {  	s0 =	stileid.u32;
	[bflag:$0x2] =	sbarrier.arrive $0xFFFF  }
0x164: {  	p0 =	sne.s32 s0, $0x0;
	s0 =	rddreg [dreg:$0x3]  }
0x165: {  	s0 =	sadd.s32 @!p0 $0x100000, s0  }
0x166: {  	[sflag:s0] =	ssyncadd.tile.s32 @!p0 $0x1;
	_ =	shalt  }
.Lfunc_end2:
_tile_overlayer_lowered:
.L_overlay_start_2:
0x167: {  	(tag) =	ssettag $0x2  }
0x168: {  	s0 =	rddreg [dreg:$0x0];
	s2 =	stileid.u32  }
0x169: {  	s1 =	rddreg [dreg:$0x1];
	p0 =	sne.s32 s2, $0x0  }
0x16a: {  	s3 =	rddreg [dreg:$0x2];
	[bflag:$0x3] =	sbarrier.arrive $0xFFFF;
	s2 =	simm.s32 @!p0 $0x1C05  }
0x16b: {  	[timem:s3], [sflag:s2] =	dma.local @!p0 [hbm:s0], s1  }
0x16c: {  	s0 =	simm.s32 @!p0 $0x5  }
0x16d: {  	_ =	swait.ge @!p0 [sflag:s0], s1  }
0x16e: {  	s1 =	ssub.s32 @!p0 $0x0, s1;
	[sflag:s0] =	ssyncset.done @!p0 $0x0  }
0x16f: {  	[sflag:s0] =	ssyncadd.s32 @!p0 s1  }
0x170: {  	[bflag:$0x3] =	sbarrier.arrive $0xFFFF  }
0x171: {  	_ =	shalt  }

</sc_bundles>
